<compile_context>
chip_gen: v7x
topology: tpu7x:2x2x1
jax: 0.10.2.dev20260603
libtpu: 0.0.44.dev20260713+nightly
codegen_flags: <defaults>
</compile_context>

<pallas_src>
import jax
import jax.numpy as jnp
from jax import lax
from jax.experimental import pallas as pl
from jax.experimental.pallas import tpu as pltpu
from jax.experimental.pallas import tpu_sc as plsc

N = 10000
E = 320000
F = 128
FH = 64
L = 128
NC = 2
NS = 16
RT = 2560
CW = RT // (NC * NS)
NACC = 10240
DR = NACC // NS
NP = 10240
Z = 640

_MESH = plsc.VectorSubcoreMesh(
    core_axis_name="c", subcore_axis_name="s", num_cores=NC, num_subcores=NS
)



def _hist_body(dst_hbm, out_hbm, acc, idxv, onesv, sem):
    c = lax.axis_index("c")
    s = lax.axis_index("s")
    wid = c * NS + s
    for j in range(8):
        onesv[pl.ds(j * 16, 16)] = jnp.ones((16,), jnp.float32)
    for j in range(40):
        onesv[pl.ds(128 + j * 16, 16)] = jnp.zeros((16,), jnp.float32)
    pltpu.sync_copy(onesv.at[pl.ds(128, 640)], acc.at[pl.ds(s * 640, 640)])
    plsc.subcore_barrier()

    def step(r, carry):
        pltpu.sync_copy(dst_hbm.at[r], idxv)
        pltpu.sync_copy(onesv.at[pl.ds(0, L)], acc.at[idxv], add=True)
        return carry

    lax.fori_loop(wid * CW, (wid + 1) * CW, step, 0)
    plsc.subcore_barrier()
    pltpu.sync_copy(acc.at[pl.ds(s * 640, 640)], out_hbm.at[c, pl.ds(s * 640, 640)])


_sc_hist = pl.kernel(
    _hist_body,
    out_type=jax.ShapeDtypeStruct((NC, NP), jnp.float32),
    mesh=_MESH,
    scratch_types=[
        pltpu.VMEM_SHARED((NP,), jnp.float32),
        pltpu.VMEM((L,), jnp.int32),
        pltpu.VMEM((768,), jnp.float32),
        pltpu.SemaphoreType.DMA,
    ],
)


def _zero_acc(s, acc, rows0):
    def zrow(r, carry):
        for j in range(F // 16):
            rows0[r, pl.ds(j * 16, 16)] = jnp.zeros((16,), jnp.float32)
        return carry
    lax.fori_loop(0, L, zrow, 0)
    for k in range(DR // L):
        pltpu.sync_copy(rows0, acc.at[pl.ds(s * DR + k * L, L)])


BST = 40


def _edge_loop(lo, ei_hbm, u2d, srcb, dstb, acc, b0, b1, g0, g1, s0, s1):
    def batch(bi, carry):
        base = lo + bi * BST
        pltpu.sync_copy(ei_hbm.at[0, pl.ds(base, BST)], srcb)
        pltpu.sync_copy(ei_hbm.at[1, pl.ds(base, BST)], dstb)
        pltpu.async_copy(u2d.at[srcb.at[0]], b0, g0)
        pltpu.async_copy(u2d.at[srcb.at[1]], b1, g1)

        def pair(p, c2):
            for j in range(2):
                bb, gg, ss = (b0, g0, s0) if j == 0 else (b1, g1, s1)
                k = p * 2 + j
                pltpu.make_async_copy(u2d.at[srcb.at[k]], bb, gg).wait()
                pltpu.async_copy(bb, acc.at[dstb.at[k]], ss, add=True)

                @pl.when(k + 2 < BST)
                def _():
                    pltpu.make_async_copy(bb, acc.at[dstb.at[k]], ss).wait()
                    pltpu.async_copy(u2d.at[srcb.at[k + 2]], bb, gg)
            return c2

        lax.fori_loop(0, BST // 2, pair, 0)
        pltpu.make_async_copy(b0, acc.at[dstb.at[BST - 2]], s0).wait()
        pltpu.make_async_copy(b1, acc.at[dstb.at[BST - 1]], s1).wait()
        return carry

    lax.fori_loop(0, CW // BST, batch, 0)


_PROP_SCRATCH = [
    pltpu.VMEM_SHARED((NACC, F), jnp.float32),
    pltpu.VMEM((BST, L), jnp.int32),
    pltpu.VMEM((BST, L), jnp.int32),
    pltpu.VMEM((L, F), jnp.float32),
    pltpu.VMEM((L, F), jnp.float32),
    pltpu.SemaphoreType.DMA,
    pltpu.SemaphoreType.DMA,
    pltpu.SemaphoreType.DMA,
    pltpu.SemaphoreType.DMA,
]


def _prop_b_body(u_hbm, ei_hbm, out_hbm,
                 acc, srcb, dstb, b0, b1, g0, g1, s0, s1):
    c = lax.axis_index("c")
    s = lax.axis_index("s")
    _zero_acc(s, acc, b0)
    plsc.subcore_barrier()
    _edge_loop((c * NS + s) * CW, ei_hbm, u_hbm, srcb, dstb, acc,
               b0, b1, g0, g1, s0, s1)
    plsc.subcore_barrier()
    pltpu.sync_copy(acc.at[pl.ds(s * DR, DR)], out_hbm.at[c, pl.ds(s * DR, DR)])


_sc_prop_b = pl.kernel(
    _prop_b_body,
    out_type=jax.ShapeDtypeStruct((NC, NACC, F), jnp.float32),
    mesh=_MESH,
    scratch_types=list(_PROP_SCRATCH),
)


def _prop_c_body(u_hbm, ei_hbm, out_hbm,
                 acc, srcb, dstb, b0, b1, g0, g1, s0, s1):
    c = lax.axis_index("c")
    s = lax.axis_index("s")
    for h in range(2):
        _zero_acc(s, acc, b0)
        plsc.subcore_barrier()
        _edge_loop((c * NS + s) * CW, ei_hbm, u_hbm.at[h], srcb, dstb, acc,
                   b0, b1, g0, g1, s0, s1)
        plsc.subcore_barrier()
        pltpu.sync_copy(
            acc.at[pl.ds(s * DR, DR)], out_hbm.at[h, c, pl.ds(s * DR, DR)])


_sc_prop_c = pl.kernel(
    _prop_c_body,
    out_type=jax.ShapeDtypeStruct((2, NC, NACC, F), jnp.float32),
    mesh=_MESH,
    scratch_types=list(_PROP_SCRATCH),
)



_BLK = 1000
_GRID = N // _BLK


def _tc1_body(x_ref, hist_ref, w1_ref, b1_ref,
              y1_ref, u1_ref, invs_ref, invd_ref):
    cnt = hist_ref[0] + hist_ref[1]
    deg = cnt + 1.0
    invs = lax.rsqrt(deg)
    invd = 1.0 / deg
    y1 = jnp.dot(x_ref[...], w1_ref[...],
                 preferred_element_type=jnp.float32) + b1_ref[...]
    y1_ref[...] = y1
    u1_ref[...] = invs * y1
    invs_ref[...] = invs
    invd_ref[...] = invd


def _tc2_body(mp_ref, y1_ref, invs_ref, invd_ref, w2_ref, b2_ref,
              y2_ref, u2p_ref):
    invs = invs_ref[...]
    invd = invd_ref[...]
    y1 = y1_ref[...]
    m = invs * (mp_ref[0] + mp_ref[1])
    h_lp = jnp.maximum(m + invd * y1, 0.0)
    h_hp = jnp.maximum(y1 - m, 0.0)
    w2 = w2_ref[...]
    b2 = b2_ref[...]
    y2_lp = jnp.dot(h_lp, w2, preferred_element_type=jnp.float32) + b2
    y2_hp = jnp.dot(h_hp, w2, preferred_element_type=jnp.float32) + b2
    y2_ref[0] = y2_lp
    y2_ref[1] = y2_hp
    u2_lp = invs * y2_lp
    u2_hp = invs * y2_hp
    u2p_ref[0] = jnp.concatenate([u2_lp[:, :FH], u2_hp[:, :FH]], axis=-1)
    u2p_ref[1] = jnp.concatenate([u2_lp[:, FH:], u2_hp[:, FH:]], axis=-1)


def _tc3_body(zp_ref, y2_ref, invs_ref, invd_ref, w3_ref, b3_ref,
              zlp_ref, zhp_ref, plp_ref, php_ref):
    invs = invs_ref[...]
    invd = invd_ref[...]
    ph0 = zp_ref[0, 0] + zp_ref[0, 1]
    ph1 = zp_ref[1, 0] + zp_ref[1, 1]
    a_lp = jnp.concatenate([ph0[:, :FH], ph1[:, :FH]], axis=-1)
    a_hp = jnp.concatenate([ph0[:, FH:], ph1[:, FH:]], axis=-1)
    z_lp = invs * a_lp + invd * y2_ref[0]
    z_hp = y2_ref[1] - invs * a_hp
    w3 = w3_ref[...]
    b3 = b3_ref[...]
    zlp_ref[...] = z_lp
    zhp_ref[...] = z_hp
    plp_ref[...] = jnp.dot(z_lp, w3, preferred_element_type=jnp.float32) + b3
    php_ref[...] = jnp.dot(z_hp, w3, preferred_element_type=jnp.float32) + b3


def _rows(i):
    return (i, 0)


def _full(i):
    return (0, 0)


def _rows3(i):
    return (0, i, 0)


def _rows4(i):
    return (0, 0, i, 0)


_spec_nf = pl.BlockSpec((_BLK, F), _rows)
_spec_n1 = pl.BlockSpec((_BLK, 1), _rows)
_spec_2n1 = pl.BlockSpec((NC, _BLK, 1), _rows3)
_spec_2nf = pl.BlockSpec((NC, _BLK, F), _rows3)
_spec_4nf = pl.BlockSpec((2, NC, _BLK, F), _rows4)
_spec_w = pl.BlockSpec((F, F), _full)
_spec_b = pl.BlockSpec((1, F), _full)

_nf = jax.ShapeDtypeStruct((N, F), jnp.float32)
_n1 = jax.ShapeDtypeStruct((N, 1), jnp.float32)
_2nf = jax.ShapeDtypeStruct((NC, N, F), jnp.float32)

_tc1 = pl.pallas_call(
    _tc1_body,
    grid=(_GRID,),
    in_specs=[_spec_nf, _spec_2n1, _spec_w, _spec_b],
    out_specs=[_spec_nf, _spec_nf, _spec_n1, _spec_n1],
    out_shape=[_nf, _nf, _n1, _n1],
)

_tc2 = pl.pallas_call(
    _tc2_body,
    grid=(_GRID,),
    in_specs=[_spec_2nf, _spec_nf, _spec_n1, _spec_n1, _spec_w, _spec_b],
    out_specs=[_spec_2nf, _spec_2nf],
    out_shape=[_2nf, _2nf],
)

_tc3 = pl.pallas_call(
    _tc3_body,
    grid=(_GRID,),
    in_specs=[_spec_4nf, _spec_2nf, _spec_n1, _spec_n1, _spec_w, _spec_b],
    out_specs=[_spec_nf, _spec_nf, _spec_nf, _spec_nf],
    out_shape=[_nf, _nf, _nf, _nf],
)



@jax.jit
def kernel(x, edge_index, W1, b1, W2, b2, W3, b3):
    pad = RT * L - E
    ip = jnp.arange(pad, dtype=jnp.int32)
    src = jnp.concatenate([edge_index[0], N + (ip % Z)])
    dst = jnp.concatenate(
        [edge_index[1], (ip % NS) * DR + (ip // NS) % DR])
    ei = jnp.stack([src, dst]).reshape(2, RT, L)
    dst_hist = jnp.concatenate(
        [edge_index[1], N + (ip % (NP - N))]).reshape(RT, L)

    histp = _sc_hist(dst_hist)
    hist2 = histp[:, :N].reshape(NC, N, 1)

    b1r = b1.reshape(1, F)
    b2r = b2.reshape(1, F)
    b3r = b3.reshape(1, F)

    y1, u1, invs, invd = _tc1(x, hist2, W1, b1r)
    u1z = jnp.concatenate([u1, jnp.zeros((Z, F), jnp.float32)])
    mp = _sc_prop_b(u1z, ei)
    y2, u2p = _tc2(mp, y1, invs, invd, W2, b2r)
    u2pz = jnp.concatenate(
        [u2p, jnp.zeros((NC, Z, F), jnp.float32)], axis=1)
    zp = _sc_prop_c(u2pz, ei)
    z_lp, z_hp, p_lp, p_hp = _tc3(zp, y2, invs, invd, W3, b3r)
    return (z_lp, z_hp, p_lp, p_hp, p_lp, p_hp)

# --- scband reference (transcript-rebuilt; emitter-appended) ---
"""Pipeline reference for scband-encoder-89842125897731 (READ-ONLY COPY).

The authoritative reference and input builder live on the scoring server;
editing this copy changes nothing except your own understanding.
"""

import jax, jax.numpy as jnp
import numpy as np

EOS = 1e-10
N = 10000
E = 320000
D = 128
H = 128


def setup_inputs(seed: int = 0) -> dict:
    key = jax.random.key(seed)
    ks = jax.random.split(key, 8)
    x = jax.random.normal(ks[0], (N, D), dtype=jnp.float32)
    edge_index = jax.random.randint(ks[1], (2, E), 0, N, dtype=jnp.int32)
    W1 = jax.random.normal(ks[2], (D, H), dtype=jnp.float32) / np.sqrt(D)
    b1 = jnp.zeros((H,), dtype=jnp.float32)
    W2 = jax.random.normal(ks[3], (H, H), dtype=jnp.float32) / np.sqrt(H)
    b2 = jnp.zeros((H,), dtype=jnp.float32)
    W3 = jax.random.normal(ks[4], (H, H), dtype=jnp.float32) / np.sqrt(H)
    b3 = jnp.zeros((H,), dtype=jnp.float32)
    return {"x": x, "edge_index": edge_index, "W1": W1, "b1": b1, "W2": W2, "b2": b2, "W3": W3, "b3": b3}


def _norm_weights(src, dst, w, n):
    # dgl EdgeWeightNorm(norm='both'): symmetric degree normalization
    deg = jax.ops.segment_sum(w, dst, num_segments=n)
    deg = jnp.maximum(deg, EOS)
    inv_sqrt = 1.0 / jnp.sqrt(deg)
    return w * inv_sqrt[src] * inv_sqrt[dst]


def _get_adj(edge_index, n):
    # sparse branch of Encoder.get_adj: add self-loops, normalize, build lp/hp weights
    e = edge_index.shape[1]
    loop = jnp.arange(n, dtype=edge_index.dtype)
    src = jnp.concatenate([edge_index[0], loop])
    dst = jnp.concatenate([edge_index[1], loop])
    w = jnp.ones((src.shape[0],), dtype=jnp.float32) + EOS
    w_norm = _norm_weights(src, dst, w, n)
    w_lp = w_norm
    w_hp = -w_norm
    w_hp = w_hp.at[e:].set(1.0)  # self-loop weights set to 1 (I - A_hat on off-diagonal)
    return src, dst, w_lp, w_hp


def _prop(h, src, dst, w, n):
    # weighted message passing: out[dst] += w * h[src]
    return jax.ops.segment_sum(h[src] * w[:, None], dst, num_segments=n)


def _encoder(x, src, dst, w, n, W1, b1, W2, b2, W3, b3):
    h = jax.nn.relu(_prop(x @ W1 + b1, src, dst, w, n))
    z = _prop(h @ W2 + b2, src, dst, w, n)
    pred = z @ W3 + b3
    return z, pred


def reference(x, edge_index, W1, b1, W2, b2, W3, b3):
    n = x.shape[0]
    # identity augmentors: x1 = x2 = x, same edge_index, edge_weight=None
    src, dst, w_lp, w_hp = _get_adj(edge_index, n)
    h1_lp, h1_lp_pred = _encoder(x, src, dst, w_lp, n, W1, b1, W2, b2, W3, b3)
    h1_hp, h1_hp_pred = _encoder(x, src, dst, w_hp, n, W1, b1, W2, b2, W3, b3)
    _, h2_lp_pred = _encoder(x, src, dst, w_lp, n, W1, b1, W2, b2, W3, b3)
    _, h2_hp_pred = _encoder(x, src, dst, w_hp, n, W1, b1, W2, b2, W3, b3)
    return (h1_lp, h1_hp, h1_lp_pred, h1_hp_pred, h2_lp_pred, h2_hp_pred)

if __name__ == "__main__":
    import jax
    _d = setup_inputs()
    print(jax.jit(kernel)(*tuple(_d.values())))

</pallas_src>

<mosaic_0001>
#map = affine_map<(d0, d1) -> (0, 0)>
module attributes {stable_mosaic.version = 14 : i64} {
  func.func @_hist_body(%arg0: i32, %arg1: i32, %arg2: memref<2560x128xi32, #tpu.memory_space<hbm>>, %arg3: memref<2x10240xf32, #tpu.memory_space<hbm>>, %arg4: memref<10240xf32, #tpu.memory_space<vmem_shared>>, %arg5: memref<128xi32, #tpu.memory_space<vmem>>, %arg6: memref<768xf32, #tpu.memory_space<vmem>>, %arg7: memref<!tpu.dma_semaphore, #tpu.memory_space<semaphore_mem>>) attributes {dimension_semantics = [#tpu.dimension_semantics<core_parallel>, #tpu.dimension_semantics<subcore_parallel>], iteration_bounds = array<i64: 2, 16>, scalar_prefetch = 0 : i64, scratch_operands = 4 : i64, tpu.core_type = #tpu.core_type<sc_vector_subcore>, window_params = [{transform_indices = #map}, {transform_indices = #map}]} {
    %mul3A = arith.constant 16 : i32
    %mul3A_0 = arith.muli %arg0, %mul3A : i32
    %add3A = arith.addi %mul3A_0, %arg1 : i32
    %broadcast_in_dim3A = arith.constant 1.000000e+00 : f32
    %broadcast_in_dim3A_1 = vector.broadcast %broadcast_in_dim3A : f32 to vector<16xf32>
    %swap3A = arith.constant 0 : index
    %swap3A_2 = tpu.vector_load %arg6[%swap3A] {strides = array<i32>} : memref<768xf32, #tpu.memory_space<vmem>>, vector<16xf32>,
    %swap3A_3 = vector.shape_cast %swap3A_2 : vector<16xf32> to vector<16xf32>
    %swap3A_4 = vector.shape_cast %broadcast_in_dim3A_1 : vector<16xf32> to vector<16xf32>
    tpu.vector_store %arg6[%swap3A], %swap3A_4 {strides = array<i32>} : memref<768xf32, #tpu.memory_space<vmem>>, vector<16xf32>,
    %broadcast_in_dim3A_5 = arith.constant 1.000000e+00 : f32
    %broadcast_in_dim3A_6 = vector.broadcast %broadcast_in_dim3A_5 : f32 to vector<16xf32>
    %swap3A_7 = arith.constant 16 : index
    %swap3A_8 = tpu.vector_load %arg6[%swap3A_7] {strides = array<i32>} : memref<768xf32, #tpu.memory_space<vmem>>, vector<16xf32>,
    %swap3A_9 = vector.shape_cast %swap3A_8 : vector<16xf32> to vector<16xf32>
    %swap3A_10 = vector.shape_cast %broadcast_in_dim3A_6 : vector<16xf32> to vector<16xf32>
    tpu.vector_store %arg6[%swap3A_7], %swap3A_10 {strides = array<i32>} : memref<768xf32, #tpu.memory_space<vmem>>, vector<16xf32>,
    %broadcast_in_dim3A_11 = arith.constant 1.000000e+00 : f32
    %broadcast_in_dim3A_12 = vector.broadcast %broadcast_in_dim3A_11 : f32 to vector<16xf32>
    %swap3A_13 = arith.constant 32 : index
    %swap3A_14 = tpu.vector_load %arg6[%swap3A_13] {strides = array<i32>} : memref<768xf32, #tpu.memory_space<vmem>>, vector<16xf32>,
    %swap3A_15 = vector.shape_cast %swap3A_14 : vector<16xf32> to vector<16xf32>
    %swap3A_16 = vector.shape_cast %broadcast_in_dim3A_12 : vector<16xf32> to vector<16xf32>
    tpu.vector_store %arg6[%swap3A_13], %swap3A_16 {strides = array<i32>} : memref<768xf32, #tpu.memory_space<vmem>>, vector<16xf32>,
    %broadcast_in_dim3A_17 = arith.constant 1.000000e+00 : f32
    %broadcast_in_dim3A_18 = vector.broadcast %broadcast_in_dim3A_17 : f32 to vector<16xf32>
    %swap3A_19 = arith.constant 48 : index
    %swap3A_20 = tpu.vector_load %arg6[%swap3A_19] {strides = array<i32>} : memref<768xf32, #tpu.memory_space<vmem>>, vector<16xf32>,
    %swap3A_21 = vector.shape_cast %swap3A_20 : vector<16xf32> to vector<16xf32>
    %swap3A_22 = vector.shape_cast %broadcast_in_dim3A_18 : vector<16xf32> to vector<16xf32>
    tpu.vector_store %arg6[%swap3A_19], %swap3A_22 {strides = array<i32>} : memref<768xf32, #tpu.memory_space<vmem>>, vector<16xf32>,
    %broadcast_in_dim3A_23 = arith.constant 1.000000e+00 : f32
    %broadcast_in_dim3A_24 = vector.broadcast %broadcast_in_dim3A_23 : f32 to vector<16xf32>
    %swap3A_25 = arith.constant 64 : index
    %swap3A_26 = tpu.vector_load %arg6[%swap3A_25] {strides = array<i32>} : memref<768xf32, #tpu.memory_space<vmem>>, vector<16xf32>,
    %swap3A_27 = vector.shape_cast %swap3A_26 : vector<16xf32> to vector<16xf32>
    %swap3A_28 = vector.shape_cast %broadcast_in_dim3A_24 : vector<16xf32> to vector<16xf32>
    tpu.vector_store %arg6[%swap3A_25], %swap3A_28 {strides = array<i32>} : memref<768xf32, #tpu.memory_space<vmem>>, vector<16xf32>,
    %broadcast_in_dim3A_29 = arith.constant 1.000000e+00 : f32
    %broadcast_in_dim3A_30 = vector.broadcast %broadcast_in_dim3A_29 : f32 to vector<16xf32>
    %swap3A_31 = arith.constant 80 : index
    %swap3A_32 = tpu.vector_load %arg6[%swap3A_31] {strides = array<i32>} : memref<768xf32, #tpu.memory_space<vmem>>, vector<16xf32>,
    %swap3A_33 = vector.shape_cast %swap3A_32 : vector<16xf32> to vector<16xf32>
    %swap3A_34 = vector.shape_cast %broadcast_in_dim3A_30 : vector<16xf32> to vector<16xf32>
    tpu.vector_store %arg6[%swap3A_31], %swap3A_34 {strides = array<i32>} : memref<768xf32, #tpu.memory_space<vmem>>, vector<16xf32>,
    %broadcast_in_dim3A_35 = arith.constant 1.000000e+00 : f32
    %broadcast_in_dim3A_36 = vector.broadcast %broadcast_in_dim3A_35 : f32 to vector<16xf32>
    %swap3A_37 = arith.constant 96 : index
    %swap3A_38 = tpu.vector_load %arg6[%swap3A_37] {strides = array<i32>} : memref<768xf32, #tpu.memory_space<vmem>>, vector<16xf32>,
    %swap3A_39 = vector.shape_cast %swap3A_38 : vector<16xf32> to vector<16xf32>
    %swap3A_40 = vector.shape_cast %broadcast_in_dim3A_36 : vector<16xf32> to vector<16xf32>
    tpu.vector_store %arg6[%swap3A_37], %swap3A_40 {strides = array<i32>} : memref<768xf32, #tpu.memory_space<vmem>>, vector<16xf32>,
    %broadcast_in_dim3A_41 = arith.constant 1.000000e+00 : f32
    %broadcast_in_dim3A_42 = vector.broadcast %broadcast_in_dim3A_41 : f32 to vector<16xf32>
    %swap3A_43 = arith.constant 112 : index
    %swap3A_44 = tpu.vector_load %arg6[%swap3A_43] {strides = array<i32>} : memref<768xf32, #tpu.memory_space<vmem>>, vector<16xf32>,
    %swap3A_45 = vector.shape_cast %swap3A_44 : vector<16xf32> to vector<16xf32>
    %swap3A_46 = vector.shape_cast %broadcast_in_dim3A_42 : vector<16xf32> to vector<16xf32>
    tpu.vector_store %arg6[%swap3A_43], %swap3A_46 {strides = array<i32>} : memref<768xf32, #tpu.memory_space<vmem>>, vector<16xf32>,
    %broadcast_in_dim3A_47 = arith.constant 0.000000e+00 : f32
    %broadcast_in_dim3A_48 = vector.broadcast %broadcast_in_dim3A_47 : f32 to vector<16xf32>
    %swap3A_49 = arith.constant 128 : index
    %swap3A_50 = tpu.vector_load %arg6[%swap3A_49] {strides = array<i32>} : memref<768xf32, #tpu.memory_space<vmem>>, vector<16xf32>,
    %swap3A_51 = vector.shape_cast %swap3A_50 : vector<16xf32> to vector<16xf32>
    %swap3A_52 = vector.shape_cast %broadcast_in_dim3A_48 : vector<16xf32> to vector<16xf32>
    tpu.vector_store %arg6[%swap3A_49], %swap3A_52 {strides = array<i32>} : memref<768xf32, #tpu.memory_space<vmem>>, vector<16xf32>,
    %broadcast_in_dim3A_53 = arith.constant 0.000000e+00 : f32
    %broadcast_in_dim3A_54 = vector.broadcast %broadcast_in_dim3A_53 : f32 to vector<16xf32>
    %swap3A_55 = arith.constant 144 : index
    %swap3A_56 = tpu.vector_load %arg6[%swap3A_55] {strides = array<i32>} : memref<768xf32, #tpu.memory_space<vmem>>, vector<16xf32>,
    %swap3A_57 = vector.shape_cast %swap3A_56 : vector<16xf32> to vector<16xf32>
    %swap3A_58 = vector.shape_cast %broadcast_in_dim3A_54 : vector<16xf32> to vector<16xf32>
    tpu.vector_store %arg6[%swap3A_55], %swap3A_58 {strides = array<i32>} : memref<768xf32, #tpu.memory_space<vmem>>, vector<16xf32>,
    %broadcast_in_dim3A_59 = arith.constant 0.000000e+00 : f32
    %broadcast_in_dim3A_60 = vector.broadcast %broadcast_in_dim3A_59 : f32 to vector<16xf32>
    %swap3A_61 = arith.constant 160 : index
    %swap3A_62 = tpu.vector_load %arg6[%swap3A_61] {strides = array<i32>} : memref<768xf32, #tpu.memory_space<vmem>>, vector<16xf32>,
    %swap3A_63 = vector.shape_cast %swap3A_62 : vector<16xf32> to vector<16xf32>
    %swap3A_64 = vector.shape_cast %broadcast_in_dim3A_60 : vector<16xf32> to vector<16xf32>
    tpu.vector_store %arg6[%swap3A_61], %swap3A_64 {strides = array<i32>} : memref<768xf32, #tpu.memory_space<vmem>>, vector<16xf32>,
    %broadcast_in_dim3A_65 = arith.constant 0.000000e+00 : f32
    %broadcast_in_dim3A_66 = vector.broadcast %broadcast_in_dim3A_65 : f32 to vector<16xf32>
    %swap3A_67 = arith.constant 176 : index
    %swap3A_68 = tpu.vector_load %arg6[%swap3A_67] {strides = array<i32>} : memref<768xf32, #tpu.memory_space<vmem>>, vector<16xf32>,
    %swap3A_69 = vector.shape_cast %swap3A_68 : vector<16xf32> to vector<16xf32>
    %swap3A_70 = vector.shape_cast %broadcast_in_dim3A_66 : vector<16xf32> to vector<16xf32>
    tpu.vector_store %arg6[%swap3A_67], %swap3A_70 {strides = array<i32>} : memref<768xf32, #tpu.memory_space<vmem>>, vector<16xf32>,
    %broadcast_in_dim3A_71 = arith.constant 0.000000e+00 : f32
    %broadcast_in_dim3A_72 = vector.broadcast %broadcast_in_dim3A_71 : f32 to vector<16xf32>
    %swap3A_73 = arith.constant 192 : index
    %swap3A_74 = tpu.vector_load %arg6[%swap3A_73] {strides = array<i32>} : memref<768xf32, #tpu.memory_space<vmem>>, vector<16xf32>,
    %swap3A_75 = vector.shape_cast %swap3A_74 : vector<16xf32> to vector<16xf32>
    %swap3A_76 = vector.shape_cast %broadcast_in_dim3A_72 : vector<16xf32> to vector<16xf32>
    tpu.vector_store %arg6[%swap3A_73], %swap3A_76 {strides = array<i32>} : memref<768xf32, #tpu.memory_space<vmem>>, vector<16xf32>,
    %broadcast_in_dim3A_77 = arith.constant 0.000000e+00 : f32
    %broadcast_in_dim3A_78 = vector.broadcast %broadcast_in_dim3A_77 : f32 to vector<16xf32>
    %swap3A_79 = arith.constant 208 : index
    %swap3A_80 = tpu.vector_load %arg6[%swap3A_79] {strides = array<i32>} : memref<768xf32, #tpu.memory_space<vmem>>, vector<16xf32>,
    %swap3A_81 = vector.shape_cast %swap3A_80 : vector<16xf32> to vector<16xf32>
    %swap3A_82 = vector.shape_cast %broadcast_in_dim3A_78 : vector<16xf32> to vector<16xf32>
    tpu.vector_store %arg6[%swap3A_79], %swap3A_82 {strides = array<i32>} : memref<768xf32, #tpu.memory_space<vmem>>, vector<16xf32>,
    %broadcast_in_dim3A_83 = arith.constant 0.000000e+00 : f32
    %broadcast_in_dim3A_84 = vector.broadcast %broadcast_in_dim3A_83 : f32 to vector<16xf32>
    %swap3A_85 = arith.constant 224 : index
    %swap3A_86 = tpu.vector_load %arg6[%swap3A_85] {strides = array<i32>} : memref<768xf32, #tpu.memory_space<vmem>>, vector<16xf32>,
    %swap3A_87 = vector.shape_cast %swap3A_86 : vector<16xf32> to vector<16xf32>
    %swap3A_88 = vector.shape_cast %broadcast_in_dim3A_84 : vector<16xf32> to vector<16xf32>
    tpu.vector_store %arg6[%swap3A_85], %swap3A_88 {strides = array<i32>} : memref<768xf32, #tpu.memory_space<vmem>>, vector<16xf32>,
    %broadcast_in_dim3A_89 = arith.constant 0.000000e+00 : f32
    %broadcast_in_dim3A_90 = vector.broadcast %broadcast_in_dim3A_89 : f32 to vector<16xf32>
    %swap3A_91 = arith.constant 240 : index
    %swap3A_92 = tpu.vector_load %arg6[%swap3A_91] {strides = array<i32>} : memref<768xf32, #tpu.memory_space<vmem>>, vector<16xf32>,
    %swap3A_93 = vector.shape_cast %swap3A_92 : vector<16xf32> to vector<16xf32>
    %swap3A_94 = vector.shape_cast %broadcast_in_dim3A_90 : vector<16xf32> to vector<16xf32>
    tpu.vector_store %arg6[%swap3A_91], %swap3A_94 {strides = array<i32>} : memref<768xf32, #tpu.memory_space<vmem>>, vector<16xf32>,
    %broadcast_in_dim3A_95 = arith.constant 0.000000e+00 : f32
    %broadcast_in_dim3A_96 = vector.broadcast %broadcast_in_dim3A_95 : f32 to vector<16xf32>
    %swap3A_97 = arith.constant 256 : index
    %swap3A_98 = tpu.vector_load %arg6[%swap3A_97] {strides = array<i32>} : memref<768xf32, #tpu.memory_space<vmem>>, vector<16xf32>,
    %swap3A_99 = vector.shape_cast %swap3A_98 : vector<16xf32> to vector<16xf32>
    %swap3A_100 = vector.shape_cast %broadcast_in_dim3A_96 : vector<16xf32> to vector<16xf32>
    tpu.vector_store %arg6[%swap3A_97], %swap3A_100 {strides = array<i32>} : memref<768xf32, #tpu.memory_space<vmem>>, vector<16xf32>,
    %broadcast_in_dim3A_101 = arith.constant 0.000000e+00 : f32
    %broadcast_in_dim3A_102 = vector.broadcast %broadcast_in_dim3A_101 : f32 to vector<16xf32>
    %swap3A_103 = arith.constant 272 : index
    %swap3A_104 = tpu.vector_load %arg6[%swap3A_103] {strides = array<i32>} : memref<768xf32, #tpu.memory_space<vmem>>, vector<16xf32>,
    %swap3A_105 = vector.shape_cast %swap3A_104 : vector<16xf32> to vector<16xf32>
    %swap3A_106 = vector.shape_cast %broadcast_in_dim3A_102 : vector<16xf32> to vector<16xf32>
    tpu.vector_store %arg6[%swap3A_103], %swap3A_106 {strides = array<i32>} : memref<768xf32, #tpu.memory_space<vmem>>, vector<16xf32>,
    %broadcast_in_dim3A_107 = arith.constant 0.000000e+00 : f32
    %broadcast_in_dim3A_108 = vector.broadcast %broadcast_in_dim3A_107 : f32 to vector<16xf32>
    %swap3A_109 = arith.constant 288 : index
    %swap3A_110 = tpu.vector_load %arg6[%swap3A_109] {strides = array<i32>} : memref<768xf32, #tpu.memory_space<vmem>>, vector<16xf32>,
    %swap3A_111 = vector.shape_cast %swap3A_110 : vector<16xf32> to vector<16xf32>
    %swap3A_112 = vector.shape_cast %broadcast_in_dim3A_108 : vector<16xf32> to vector<16xf32>
    tpu.vector_store %arg6[%swap3A_109], %swap3A_112 {strides = array<i32>} : memref<768xf32, #tpu.memory_space<vmem>>, vector<16xf32>,
    %broadcast_in_dim3A_113 = arith.constant 0.000000e+00 : f32
    %broadcast_in_dim3A_114 = vector.broadcast %broadcast_in_dim3A_113 : f32 to vector<16xf32>
    %swap3A_115 = arith.constant 304 : index
    %swap3A_116 = tpu.vector_load %arg6[%swap3A_115] {strides = array<i32>} : memref<768xf32, #tpu.memory_space<vmem>>, vector<16xf32>,
    %swap3A_117 = vector.shape_cast %swap3A_116 : vector<16xf32> to vector<16xf32>
    %swap3A_118 = vector.shape_cast %broadcast_in_dim3A_114 : vector<16xf32> to vector<16xf32>
    tpu.vector_store %arg6[%swap3A_115], %swap3A_118 {strides = array<i32>} : memref<768xf32, #tpu.memory_space<vmem>>, vector<16xf32>,
    %broadcast_in_dim3A_119 = arith.constant 0.000000e+00 : f32
    %broadcast_in_dim3A_120 = vector.broadcast %broadcast_in_dim3A_119 : f32 to vector<16xf32>
    %swap3A_121 = arith.constant 320 : index
    %swap3A_122 = tpu.vector_load %arg6[%swap3A_121] {strides = array<i32>} : memref<768xf32, #tpu.memory_space<vmem>>, vector<16xf32>,
    %swap3A_123 = vector.shape_cast %swap3A_122 : vector<16xf32> to vector<16xf32>
    %swap3A_124 = vector.shape_cast %broadcast_in_dim3A_120 : vector<16xf32> to vector<16xf32>
    tpu.vector_store %arg6[%swap3A_121], %swap3A_124 {strides = array<i32>} : memref<768xf32, #tpu.memory_space<vmem>>, vector<16xf32>,
    %broadcast_in_dim3A_125 = arith.constant 0.000000e+00 : f32
    %broadcast_in_dim3A_126 = vector.broadcast %broadcast_in_dim3A_125 : f32 to vector<16xf32>
    %swap3A_127 = arith.constant 336 : index
    %swap3A_128 = tpu.vector_load %arg6[%swap3A_127] {strides = array<i32>} : memref<768xf32, #tpu.memory_space<vmem>>, vector<16xf32>,
    %swap3A_129 = vector.shape_cast %swap3A_128 : vector<16xf32> to vector<16xf32>
    %swap3A_130 = vector.shape_cast %broadcast_in_dim3A_126 : vector<16xf32> to vector<16xf32>
    tpu.vector_store %arg6[%swap3A_127], %swap3A_130 {strides = array<i32>} : memref<768xf32, #tpu.memory_space<vmem>>, vector<16xf32>,
    %broadcast_in_dim3A_131 = arith.constant 0.000000e+00 : f32
    %broadcast_in_dim3A_132 = vector.broadcast %broadcast_in_dim3A_131 : f32 to vector<16xf32>
    %swap3A_133 = arith.constant 352 : index
    %swap3A_134 = tpu.vector_load %arg6[%swap3A_133] {strides = array<i32>} : memref<768xf32, #tpu.memory_space<vmem>>, vector<16xf32>,
    %swap3A_135 = vector.shape_cast %swap3A_134 : vector<16xf32> to vector<16xf32>
    %swap3A_136 = vector.shape_cast %broadcast_in_dim3A_132 : vector<16xf32> to vector<16xf32>
    tpu.vector_store %arg6[%swap3A_133], %swap3A_136 {strides = array<i32>} : memref<768xf32, #tpu.memory_space<vmem>>, vector<16xf32>,
    %broadcast_in_dim3A_137 = arith.constant 0.000000e+00 : f32
    %broadcast_in_dim3A_138 = vector.broadcast %broadcast_in_dim3A_137 : f32 to vector<16xf32>
    %swap3A_139 = arith.constant 368 : index
    %swap3A_140 = tpu.vector_load %arg6[%swap3A_139] {strides = array<i32>} : memref<768xf32, #tpu.memory_space<vmem>>, vector<16xf32>,
    %swap3A_141 = vector.shape_cast %swap3A_140 : vector<16xf32> to vector<16xf32>
    %swap3A_142 = vector.shape_cast %broadcast_in_dim3A_138 : vector<16xf32> to vector<16xf32>
    tpu.vector_store %arg6[%swap3A_139], %swap3A_142 {strides = array<i32>} : memref<768xf32, #tpu.memory_space<vmem>>, vector<16xf32>,
    %broadcast_in_dim3A_143 = arith.constant 0.000000e+00 : f32
    %broadcast_in_dim3A_144 = vector.broadcast %broadcast_in_dim3A_143 : f32 to vector<16xf32>
    %swap3A_145 = arith.constant 384 : index
    %swap3A_146 = tpu.vector_load %arg6[%swap3A_145] {strides = array<i32>} : memref<768xf32, #tpu.memory_space<vmem>>, vector<16xf32>,
    %swap3A_147 = vector.shape_cast %swap3A_146 : vector<16xf32> to vector<16xf32>
    %swap3A_148 = vector.shape_cast %broadcast_in_dim3A_144 : vector<16xf32> to vector<16xf32>
    tpu.vector_store %arg6[%swap3A_145], %swap3A_148 {strides = array<i32>} : memref<768xf32, #tpu.memory_space<vmem>>, vector<16xf32>,
    %broadcast_in_dim3A_149 = arith.constant 0.000000e+00 : f32
    %broadcast_in_dim3A_150 = vector.broadcast %broadcast_in_dim3A_149 : f32 to vector<16xf32>
    %swap3A_151 = arith.constant 400 : index
    %swap3A_152 = tpu.vector_load %arg6[%swap3A_151] {strides = array<i32>} : memref<768xf32, #tpu.memory_space<vmem>>, vector<16xf32>,
    %swap3A_153 = vector.shape_cast %swap3A_152 : vector<16xf32> to vector<16xf32>
    %swap3A_154 = vector.shape_cast %broadcast_in_dim3A_150 : vector<16xf32> to vector<16xf32>
    tpu.vector_store %arg6[%swap3A_151], %swap3A_154 {strides = array<i32>} : memref<768xf32, #tpu.memory_space<vmem>>, vector<16xf32>,
    %broadcast_in_dim3A_155 = arith.constant 0.000000e+00 : f32
    %broadcast_in_dim3A_156 = vector.broadcast %broadcast_in_dim3A_155 : f32 to vector<16xf32>
    %swap3A_157 = arith.constant 416 : index
    %swap3A_158 = tpu.vector_load %arg6[%swap3A_157] {strides = array<i32>} : memref<768xf32, #tpu.memory_space<vmem>>, vector<16xf32>,
    %swap3A_159 = vector.shape_cast %swap3A_158 : vector<16xf32> to vector<16xf32>
    %swap3A_160 = vector.shape_cast %broadcast_in_dim3A_156 : vector<16xf32> to vector<16xf32>
    tpu.vector_store %arg6[%swap3A_157], %swap3A_160 {strides = array<i32>} : memref<768xf32, #tpu.memory_space<vmem>>, vector<16xf32>,
    %broadcast_in_dim3A_161 = arith.constant 0.000000e+00 : f32
    %broadcast_in_dim3A_162 = vector.broadcast %broadcast_in_dim3A_161 : f32 to vector<16xf32>
    %swap3A_163 = arith.constant 432 : index
    %swap3A_164 = tpu.vector_load %arg6[%swap3A_163] {strides = array<i32>} : memref<768xf32, #tpu.memory_space<vmem>>, vector<16xf32>,
    %swap3A_165 = vector.shape_cast %swap3A_164 : vector<16xf32> to vector<16xf32>
    %swap3A_166 = vector.shape_cast %broadcast_in_dim3A_162 : vector<16xf32> to vector<16xf32>
    tpu.vector_store %arg6[%swap3A_163], %swap3A_166 {strides = array<i32>} : memref<768xf32, #tpu.memory_space<vmem>>, vector<16xf32>,
    %broadcast_in_dim3A_167 = arith.constant 0.000000e+00 : f32
    %broadcast_in_dim3A_168 = vector.broadcast %broadcast_in_dim3A_167 : f32 to vector<16xf32>
    %swap3A_169 = arith.constant 448 : index
    %swap3A_170 = tpu.vector_load %arg6[%swap3A_169] {strides = array<i32>} : memref<768xf32, #tpu.memory_space<vmem>>, vector<16xf32>,
    %swap3A_171 = vector.shape_cast %swap3A_170 : vector<16xf32> to vector<16xf32>
    %swap3A_172 = vector.shape_cast %broadcast_in_dim3A_168 : vector<16xf32> to vector<16xf32>
    tpu.vector_store %arg6[%swap3A_169], %swap3A_172 {strides = array<i32>} : memref<768xf32, #tpu.memory_space<vmem>>, vector<16xf32>,
    %broadcast_in_dim3A_173 = arith.constant 0.000000e+00 : f32
    %broadcast_in_dim3A_174 = vector.broadcast %broadcast_in_dim3A_173 : f32 to vector<16xf32>
    %swap3A_175 = arith.constant 464 : index
    %swap3A_176 = tpu.vector_load %arg6[%swap3A_175] {strides = array<i32>} : memref<768xf32, #tpu.memory_space<vmem>>, vector<16xf32>,
    %swap3A_177 = vector.shape_cast %swap3A_176 : vector<16xf32> to vector<16xf32>
    %swap3A_178 = vector.shape_cast %broadcast_in_dim3A_174 : vector<16xf32> to vector<16xf32>
    tpu.vector_store %arg6[%swap3A_175], %swap3A_178 {strides = array<i32>} : memref<768xf32, #tpu.memory_space<vmem>>, vector<16xf32>,
    %broadcast_in_dim3A_179 = arith.constant 0.000000e+00 : f32
    %broadcast_in_dim3A_180 = vector.broadcast %broadcast_in_dim3A_179 : f32 to vector<16xf32>
    %swap3A_181 = arith.constant 480 : index
    %swap3A_182 = tpu.vector_load %arg6[%swap3A_181] {strides = array<i32>} : memref<768xf32, #tpu.memory_space<vmem>>, vector<16xf32>,
    %swap3A_183 = vector.shape_cast %swap3A_182 : vector<16xf32> to vector<16xf32>
    %swap3A_184 = vector.shape_cast %broadcast_in_dim3A_180 : vector<16xf32> to vector<16xf32>
    tpu.vector_store %arg6[%swap3A_181], %swap3A_184 {strides = array<i32>} : memref<768xf32, #tpu.memory_space<vmem>>, vector<16xf32>,
    %broadcast_in_dim3A_185 = arith.constant 0.000000e+00 : f32
    %broadcast_in_dim3A_186 = vector.broadcast %broadcast_in_dim3A_185 : f32 to vector<16xf32>
    %swap3A_187 = arith.constant 496 : index
    %swap3A_188 = tpu.vector_load %arg6[%swap3A_187] {strides = array<i32>} : memref<768xf32, #tpu.memory_space<vmem>>, vector<16xf32>,
    %swap3A_189 = vector.shape_cast %swap3A_188 : vector<16xf32> to vector<16xf32>
    %swap3A_190 = vector.shape_cast %broadcast_in_dim3A_186 : vector<16xf32> to vector<16xf32>
    tpu.vector_store %arg6[%swap3A_187], %swap3A_190 {strides = array<i32>} : memref<768xf32, #tpu.memory_space<vmem>>, vector<16xf32>,
    %broadcast_in_dim3A_191 = arith.constant 0.000000e+00 : f32
    %broadcast_in_dim3A_192 = vector.broadcast %broadcast_in_dim3A_191 : f32 to vector<16xf32>
    %swap3A_193 = arith.constant 512 : index
    %swap3A_194 = tpu.vector_load %arg6[%swap3A_193] {strides = array<i32>} : memref<768xf32, #tpu.memory_space<vmem>>, vector<16xf32>,
    %swap3A_195 = vector.shape_cast %swap3A_194 : vector<16xf32> to vector<16xf32>
    %swap3A_196 = vector.shape_cast %broadcast_in_dim3A_192 : vector<16xf32> to vector<16xf32>
    tpu.vector_store %arg6[%swap3A_193], %swap3A_196 {strides = array<i32>} : memref<768xf32, #tpu.memory_space<vmem>>, vector<16xf32>,
    %broadcast_in_dim3A_197 = arith.constant 0.000000e+00 : f32
    %broadcast_in_dim3A_198 = vector.broadcast %broadcast_in_dim3A_197 : f32 to vector<16xf32>
    %swap3A_199 = arith.constant 528 : index
    %swap3A_200 = tpu.vector_load %arg6[%swap3A_199] {strides = array<i32>} : memref<768xf32, #tpu.memory_space<vmem>>, vector<16xf32>,
    %swap3A_201 = vector.shape_cast %swap3A_200 : vector<16xf32> to vector<16xf32>
    %swap3A_202 = vector.shape_cast %broadcast_in_dim3A_198 : vector<16xf32> to vector<16xf32>
    tpu.vector_store %arg6[%swap3A_199], %swap3A_202 {strides = array<i32>} : memref<768xf32, #tpu.memory_space<vmem>>, vector<16xf32>,
    %broadcast_in_dim3A_203 = arith.constant 0.000000e+00 : f32
    %broadcast_in_dim3A_204 = vector.broadcast %broadcast_in_dim3A_203 : f32 to vector<16xf32>
    %swap3A_205 = arith.constant 544 : index
    %swap3A_206 = tpu.vector_load %arg6[%swap3A_205] {strides = array<i32>} : memref<768xf32, #tpu.memory_space<vmem>>, vector<16xf32>,
    %swap3A_207 = vector.shape_cast %swap3A_206 : vector<16xf32> to vector<16xf32>
    %swap3A_208 = vector.shape_cast %broadcast_in_dim3A_204 : vector<16xf32> to vector<16xf32>
    tpu.vector_store %arg6[%swap3A_205], %swap3A_208 {strides = array<i32>} : memref<768xf32, #tpu.memory_space<vmem>>, vector<16xf32>,
    %broadcast_in_dim3A_209 = arith.constant 0.000000e+00 : f32
    %broadcast_in_dim3A_210 = vector.broadcast %broadcast_in_dim3A_209 : f32 to vector<16xf32>
    %swap3A_211 = arith.constant 560 : index
    %swap3A_212 = tpu.vector_load %arg6[%swap3A_211] {strides = array<i32>} : memref<768xf32, #tpu.memory_space<vmem>>, vector<16xf32>,
    %swap3A_213 = vector.shape_cast %swap3A_212 : vector<16xf32> to vector<16xf32>
    %swap3A_214 = vector.shape_cast %broadcast_in_dim3A_210 : vector<16xf32> to vector<16xf32>
    tpu.vector_store %arg6[%swap3A_211], %swap3A_214 {strides = array<i32>} : memref<768xf32, #tpu.memory_space<vmem>>, vector<16xf32>,
    %broadcast_in_dim3A_215 = arith.constant 0.000000e+00 : f32
    %broadcast_in_dim3A_216 = vector.broadcast %broadcast_in_dim3A_215 : f32 to vector<16xf32>
    %swap3A_217 = arith.constant 576 : index
    %swap3A_218 = tpu.vector_load %arg6[%swap3A_217] {strides = array<i32>} : memref<768xf32, #tpu.memory_space<vmem>>, vector<16xf32>,
    %swap3A_219 = vector.shape_cast %swap3A_218 : vector<16xf32> to vector<16xf32>
    %swap3A_220 = vector.shape_cast %broadcast_in_dim3A_216 : vector<16xf32> to vector<16xf32>
    tpu.vector_store %arg6[%swap3A_217], %swap3A_220 {strides = array<i32>} : memref<768xf32, #tpu.memory_space<vmem>>, vector<16xf32>,
    %broadcast_in_dim3A_221 = arith.constant 0.000000e+00 : f32
    %broadcast_in_dim3A_222 = vector.broadcast %broadcast_in_dim3A_221 : f32 to vector<16xf32>
    %swap3A_223 = arith.constant 592 : index
    %swap3A_224 = tpu.vector_load %arg6[%swap3A_223] {strides = array<i32>} : memref<768xf32, #tpu.memory_space<vmem>>, vector<16xf32>,
    %swap3A_225 = vector.shape_cast %swap3A_224 : vector<16xf32> to vector<16xf32>
    %swap3A_226 = vector.shape_cast %broadcast_in_dim3A_222 : vector<16xf32> to vector<16xf32>
    tpu.vector_store %arg6[%swap3A_223], %swap3A_226 {strides = array<i32>} : memref<768xf32, #tpu.memory_space<vmem>>, vector<16xf32>,
    %broadcast_in_dim3A_227 = arith.constant 0.000000e+00 : f32
    %broadcast_in_dim3A_228 = vector.broadcast %broadcast_in_dim3A_227 : f32 to vector<16xf32>
    %swap3A_229 = arith.constant 608 : index
    %swap3A_230 = tpu.vector_load %arg6[%swap3A_229] {strides = array<i32>} : memref<768xf32, #tpu.memory_space<vmem>>, vector<16xf32>,
    %swap3A_231 = vector.shape_cast %swap3A_230 : vector<16xf32> to vector<16xf32>
    %swap3A_232 = vector.shape_cast %broadcast_in_dim3A_228 : vector<16xf32> to vector<16xf32>
    tpu.vector_store %arg6[%swap3A_229], %swap3A_232 {strides = array<i32>} : memref<768xf32, #tpu.memory_space<vmem>>, vector<16xf32>,
    %broadcast_in_dim3A_233 = arith.constant 0.000000e+00 : f32
    %broadcast_in_dim3A_234 = vector.broadcast %broadcast_in_dim3A_233 : f32 to vector<16xf32>
    %swap3A_235 = arith.constant 624 : index
    %swap3A_236 = tpu.vector_load %arg6[%swap3A_235] {strides = array<i32>} : memref<768xf32, #tpu.memory_space<vmem>>, vector<16xf32>,
    %swap3A_237 = vector.shape_cast %swap3A_236 : vector<16xf32> to vector<16xf32>
    %swap3A_238 = vector.shape_cast %broadcast_in_dim3A_234 : vector<16xf32> to vector<16xf32>
    tpu.vector_store %arg6[%swap3A_235], %swap3A_238 {strides = array<i32>} : memref<768xf32, #tpu.memory_space<vmem>>, vector<16xf32>,
    %broadcast_in_dim3A_239 = arith.constant 0.000000e+00 : f32
    %broadcast_in_dim3A_240 = vector.broadcast %broadcast_in_dim3A_239 : f32 to vector<16xf32>
    %swap3A_241 = arith.constant 640 : index
    %swap3A_242 = tpu.vector_load %arg6[%swap3A_241] {strides = array<i32>} : memref<768xf32, #tpu.memory_space<vmem>>, vector<16xf32>,
    %swap3A_243 = vector.shape_cast %swap3A_242 : vector<16xf32> to vector<16xf32>
    %swap3A_244 = vector.shape_cast %broadcast_in_dim3A_240 : vector<16xf32> to vector<16xf32>
    tpu.vector_store %arg6[%swap3A_241], %swap3A_244 {strides = array<i32>} : memref<768xf32, #tpu.memory_space<vmem>>, vector<16xf32>,
    %broadcast_in_dim3A_245 = arith.constant 0.000000e+00 : f32
    %broadcast_in_dim3A_246 = vector.broadcast %broadcast_in_dim3A_245 : f32 to vector<16xf32>
    %swap3A_247 = arith.constant 656 : index
    %swap3A_248 = tpu.vector_load %arg6[%swap3A_247] {strides = array<i32>} : memref<768xf32, #tpu.memory_space<vmem>>, vector<16xf32>,
    %swap3A_249 = vector.shape_cast %swap3A_248 : vector<16xf32> to vector<16xf32>
    %swap3A_250 = vector.shape_cast %broadcast_in_dim3A_246 : vector<16xf32> to vector<16xf32>
    tpu.vector_store %arg6[%swap3A_247], %swap3A_250 {strides = array<i32>} : memref<768xf32, #tpu.memory_space<vmem>>, vector<16xf32>,
    %broadcast_in_dim3A_251 = arith.constant 0.000000e+00 : f32
    %broadcast_in_dim3A_252 = vector.broadcast %broadcast_in_dim3A_251 : f32 to vector<16xf32>
    %swap3A_253 = arith.constant 672 : index
    %swap3A_254 = tpu.vector_load %arg6[%swap3A_253] {strides = array<i32>} : memref<768xf32, #tpu.memory_space<vmem>>, vector<16xf32>,
    %swap3A_255 = vector.shape_cast %swap3A_254 : vector<16xf32> to vector<16xf32>
    %swap3A_256 = vector.shape_cast %broadcast_in_dim3A_252 : vector<16xf32> to vector<16xf32>
    tpu.vector_store %arg6[%swap3A_253], %swap3A_256 {strides = array<i32>} : memref<768xf32, #tpu.memory_space<vmem>>, vector<16xf32>,
    %broadcast_in_dim3A_257 = arith.constant 0.000000e+00 : f32
    %broadcast_in_dim3A_258 = vector.broadcast %broadcast_in_dim3A_257 : f32 to vector<16xf32>
    %swap3A_259 = arith.constant 688 : index
    %swap3A_260 = tpu.vector_load %arg6[%swap3A_259] {strides = array<i32>} : memref<768xf32, #tpu.memory_space<vmem>>, vector<16xf32>,
    %swap3A_261 = vector.shape_cast %swap3A_260 : vector<16xf32> to vector<16xf32>
    %swap3A_262 = vector.shape_cast %broadcast_in_dim3A_258 : vector<16xf32> to vector<16xf32>
    tpu.vector_store %arg6[%swap3A_259], %swap3A_262 {strides = array<i32>} : memref<768xf32, #tpu.memory_space<vmem>>, vector<16xf32>,
    %broadcast_in_dim3A_263 = arith.constant 0.000000e+00 : f32
    %broadcast_in_dim3A_264 = vector.broadcast %broadcast_in_dim3A_263 : f32 to vector<16xf32>
    %swap3A_265 = arith.constant 704 : index
    %swap3A_266 = tpu.vector_load %arg6[%swap3A_265] {strides = array<i32>} : memref<768xf32, #tpu.memory_space<vmem>>, vector<16xf32>,
    %swap3A_267 = vector.shape_cast %swap3A_266 : vector<16xf32> to vector<16xf32>
    %swap3A_268 = vector.shape_cast %broadcast_in_dim3A_264 : vector<16xf32> to vector<16xf32>
    tpu.vector_store %arg6[%swap3A_265], %swap3A_268 {strides = array<i32>} : memref<768xf32, #tpu.memory_space<vmem>>, vector<16xf32>,
    %broadcast_in_dim3A_269 = arith.constant 0.000000e+00 : f32
    %broadcast_in_dim3A_270 = vector.broadcast %broadcast_in_dim3A_269 : f32 to vector<16xf32>
    %swap3A_271 = arith.constant 720 : index
    %swap3A_272 = tpu.vector_load %arg6[%swap3A_271] {strides = array<i32>} : memref<768xf32, #tpu.memory_space<vmem>>, vector<16xf32>,
    %swap3A_273 = vector.shape_cast %swap3A_272 : vector<16xf32> to vector<16xf32>
    %swap3A_274 = vector.shape_cast %broadcast_in_dim3A_270 : vector<16xf32> to vector<16xf32>
    tpu.vector_store %arg6[%swap3A_271], %swap3A_274 {strides = array<i32>} : memref<768xf32, #tpu.memory_space<vmem>>, vector<16xf32>,
    %broadcast_in_dim3A_275 = arith.constant 0.000000e+00 : f32
    %broadcast_in_dim3A_276 = vector.broadcast %broadcast_in_dim3A_275 : f32 to vector<16xf32>
    %swap3A_277 = arith.constant 736 : index
    %swap3A_278 = tpu.vector_load %arg6[%swap3A_277] {strides = array<i32>} : memref<768xf32, #tpu.memory_space<vmem>>, vector<16xf32>,
    %swap3A_279 = vector.shape_cast %swap3A_278 : vector<16xf32> to vector<16xf32>
    %swap3A_280 = vector.shape_cast %broadcast_in_dim3A_276 : vector<16xf32> to vector<16xf32>
    tpu.vector_store %arg6[%swap3A_277], %swap3A_280 {strides = array<i32>} : memref<768xf32, #tpu.memory_space<vmem>>, vector<16xf32>,
    %broadcast_in_dim3A_281 = arith.constant 0.000000e+00 : f32
    %broadcast_in_dim3A_282 = vector.broadcast %broadcast_in_dim3A_281 : f32 to vector<16xf32>
    %swap3A_283 = arith.constant 752 : index
    %swap3A_284 = tpu.vector_load %arg6[%swap3A_283] {strides = array<i32>} : memref<768xf32, #tpu.memory_space<vmem>>, vector<16xf32>,
    %swap3A_285 = vector.shape_cast %swap3A_284 : vector<16xf32> to vector<16xf32>
    %swap3A_286 = vector.shape_cast %broadcast_in_dim3A_282 : vector<16xf32> to vector<16xf32>
    tpu.vector_store %arg6[%swap3A_283], %swap3A_286 {strides = array<i32>} : memref<768xf32, #tpu.memory_space<vmem>>, vector<16xf32>,
    %mul3A_287 = arith.constant 640 : i32
    %mul3A_288 = arith.muli %arg1, %mul3A_287 : i32
    "tpu.region"() ({
      %run_scoped3A = tpu.sem_alloc : memref<!tpu.dma_semaphore, #tpu.memory_space<semaphore_mem>>
      %dma_start3A = arith.constant 128 : i32
      %dma_start3A_308 = tpu.memref_slice %arg6[%dma_start3A] : memref<768xf32, #tpu.memory_space<vmem>> -> memref<640xf32, #tpu.memory_space<vmem>>
      %dma_start3A_309 = tpu.memref_slice %arg4[%mul3A_288] : memref<10240xf32, #tpu.memory_space<vmem_shared>> -> memref<640xf32, #tpu.memory_space<vmem_shared>>
      %dma_start3A_310 = tpu.memref_slice %arg4[%mul3A_288] : memref<10240xf32, #tpu.memory_space<vmem_shared>> -> memref<640xf32, #tpu.memory_space<vmem_shared>>
      %dma_start3A_311 = arith.constant 128 : i32
      %dma_start3A_312 = tpu.memref_slice %arg6[%dma_start3A_311] : memref<768xf32, #tpu.memory_space<vmem>> -> memref<640xf32, #tpu.memory_space<vmem>>
      tpu.enqueue_dma source(%dma_start3A_312 : memref<640xf32, #tpu.memory_space<vmem>>) target(%dma_start3A_310 : memref<640xf32, #tpu.memory_space<vmem_shared>>) target_semaphore(%run_scoped3A : memref<!tpu.dma_semaphore, #tpu.memory_space<semaphore_mem>>)
      %dma_wait3A = arith.constant 128 : i32
      %dma_wait3A_313 = tpu.memref_slice %arg6[%dma_wait3A] : memref<768xf32, #tpu.memory_space<vmem>> -> memref<640xf32, #tpu.memory_space<vmem>>
      %dma_wait3A_314 = tpu.memref_slice %arg4[%mul3A_288] : memref<10240xf32, #tpu.memory_space<vmem_shared>> -> memref<640xf32, #tpu.memory_space<vmem_shared>>
      %dma_wait3A_315 = tpu.memref_slice %arg4[%mul3A_288] : memref<10240xf32, #tpu.memory_space<vmem_shared>> -> memref<640xf32, #tpu.memory_space<vmem_shared>>
      %dma_wait3A_316 = arith.constant 128 : i32
      %dma_wait3A_317 = tpu.memref_slice %arg6[%dma_wait3A_316] : memref<768xf32, #tpu.memory_space<vmem>> -> memref<640xf32, #tpu.memory_space<vmem>>
      tpu.wait_dma2 semaphore(%run_scoped3A : memref<!tpu.dma_semaphore, #tpu.memory_space<semaphore_mem>>) src(%dma_wait3A_317 : memref<640xf32, #tpu.memory_space<vmem>>) dst(%dma_wait3A_315 : memref<640xf32, #tpu.memory_space<vmem_shared>>)
      tpu.yield
    }) : () -> ()
    %barrier3A = arith.constant 0 : index
    tpu.barrier barrier_id(%barrier3A)
    %mul3A_289 = arith.constant 80 : i32
    %mul3A_290 = arith.muli %add3A, %mul3A_289 : i32
    %add3A_291 = arith.constant 1 : i32
    %add3A_292 = arith.addi %add3A, %add3A_291 : i32
    %mul3A_293 = arith.constant 80 : i32
    %mul3A_294 = arith.muli %add3A_292, %mul3A_293 : i32
    %while3A = arith.constant 0 : i32
    %while3A_295 = arith.subi %mul3A_294, %mul3A_290 : i32
    %while3A_296 = arith.addi %mul3A_290, %while3A_295 : i32
    %while3A_297 = arith.constant 1 : i32
    %while3A_298 = arith.divsi %while3A_295, %while3A_297 : i32
    %while3A_299 = arith.muli %while3A_298, %while3A_297 : i32
    %while3A_300 = arith.addi %mul3A_290, %while3A_299 : i32
    %while3A_301 = arith.constant 1 : i32
    scf.for %while3A_308 = %mul3A_290 to %while3A_300 step %while3A_301  : i32 {
      "tpu.region"() ({
        %run_scoped3A = tpu.sem_alloc : memref<!tpu.dma_semaphore, #tpu.memory_space<semaphore_mem>>
        %dma_start3A = arith.constant 0 : i32
        %dma_start3A_309 = tpu.memref_slice %arg2[%while3A_308, %dma_start3A] : memref<2560x128xi32, #tpu.memory_space<hbm>> -> memref<1x128xi32, #tpu.memory_space<hbm>>
        %dma_start3A_310 = tpu.memref_squeeze %dma_start3A_309 : memref<1x128xi32, #tpu.memory_space<hbm>> -> memref<128xi32, #tpu.memory_space<hbm>>
        %dma_start3A_311 = arith.constant 0 : i32
        %dma_start3A_312 = tpu.memref_slice %arg2[%while3A_308, %dma_start3A_311] : memref<2560x128xi32, #tpu.memory_space<hbm>> -> memref<1x128xi32, #tpu.memory_space<hbm>>
        %dma_start3A_313 = tpu.memref_squeeze %dma_start3A_312 : memref<1x128xi32, #tpu.memory_space<hbm>> -> memref<128xi32, #tpu.memory_space<hbm>>
        tpu.enqueue_dma source(%dma_start3A_313 : memref<128xi32, #tpu.memory_space<hbm>>) target(%arg5 : memref<128xi32, #tpu.memory_space<vmem>>) target_semaphore(%run_scoped3A : memref<!tpu.dma_semaphore, #tpu.memory_space<semaphore_mem>>)
        %dma_wait3A = arith.constant 0 : i32
        %dma_wait3A_314 = tpu.memref_slice %arg2[%while3A_308, %dma_wait3A] : memref<2560x128xi32, #tpu.memory_space<hbm>> -> memref<1x128xi32, #tpu.memory_space<hbm>>
        %dma_wait3A_315 = tpu.memref_squeeze %dma_wait3A_314 : memref<1x128xi32, #tpu.memory_space<hbm>> -> memref<128xi32, #tpu.memory_space<hbm>>
        %dma_wait3A_316 = arith.constant 0 : i32
        %dma_wait3A_317 = tpu.memref_slice %arg2[%while3A_308, %dma_wait3A_316] : memref<2560x128xi32, #tpu.memory_space<hbm>> -> memref<1x128xi32, #tpu.memory_space<hbm>>
        %dma_wait3A_318 = tpu.memref_squeeze %dma_wait3A_317 : memref<1x128xi32, #tpu.memory_space<hbm>> -> memref<128xi32, #tpu.memory_space<hbm>>
        tpu.wait_dma2 semaphore(%run_scoped3A : memref<!tpu.dma_semaphore, #tpu.memory_space<semaphore_mem>>) src(%dma_wait3A_318 : memref<128xi32, #tpu.memory_space<hbm>>) dst(%arg5 : memref<128xi32, #tpu.memory_space<vmem>>)
        tpu.yield
      }) : () -> ()
      "tpu.region"() ({
        %run_scoped3A = tpu.sem_alloc : memref<!tpu.dma_semaphore, #tpu.memory_space<semaphore_mem>>
        %dma_start3A = arith.constant 0 : i32
        %dma_start3A_309 = tpu.memref_slice %arg6[%dma_start3A] : memref<768xf32, #tpu.memory_space<vmem>> -> memref<128xf32, #tpu.memory_space<vmem>>
        %dma_start3A_310 = arith.constant 0 : i32
        %dma_start3A_311 = tpu.memref_slice %arg4[%dma_start3A_310] : memref<10240xf32, #tpu.memory_space<vmem_shared>> -> memref<10240xf32, #tpu.memory_space<vmem_shared>>
        tpu.enqueue_indirect_dma source(%dma_start3A_309 : memref<128xf32, #tpu.memory_space<vmem>>) target(%dma_start3A_311 : memref<10240xf32, #tpu.memory_space<vmem_shared>>) offsets(%arg5 : memref<128xi32, #tpu.memory_space<vmem>>) semaphore(%run_scoped3A : memref<!tpu.dma_semaphore, #tpu.memory_space<semaphore_mem>>) {add = true}
        %dma_wait3A = arith.constant 0 : i32
        %dma_wait3A_312 = tpu.memref_slice %arg6[%dma_wait3A] : memref<768xf32, #tpu.memory_space<vmem>> -> memref<128xf32, #tpu.memory_space<vmem>>
        %dma_wait3A_313 = arith.constant 0 : i32
        %dma_wait3A_314 = tpu.memref_slice %arg4[%dma_wait3A_313] : memref<10240xf32, #tpu.memory_space<vmem_shared>> -> memref<10240xf32, #tpu.memory_space<vmem_shared>>
        tpu.wait_indirect_dma semaphore(%run_scoped3A : memref<!tpu.dma_semaphore, #tpu.memory_space<semaphore_mem>>) src(%dma_wait3A_312 : memref<128xf32, #tpu.memory_space<vmem>>) dst(%dma_wait3A_314 : memref<10240xf32, #tpu.memory_space<vmem_shared>>)
        tpu.yield
      }) : () -> ()
    }
    %while3A_302 = arith.constant 1 : i32
    scf.for %while3A_308 = %while3A_300 to %while3A_296 step %while3A_302  : i32 {
      "tpu.region"() ({
        %run_scoped3A = tpu.sem_alloc : memref<!tpu.dma_semaphore, #tpu.memory_space<semaphore_mem>>
        %dma_start3A = arith.constant 0 : i32
        %dma_start3A_309 = tpu.memref_slice %arg2[%while3A_308, %dma_start3A] : memref<2560x128xi32, #tpu.memory_space<hbm>> -> memref<1x128xi32, #tpu.memory_space<hbm>>
        %dma_start3A_310 = tpu.memref_squeeze %dma_start3A_309 : memref<1x128xi32, #tpu.memory_space<hbm>> -> memref<128xi32, #tpu.memory_space<hbm>>
        %dma_start3A_311 = arith.constant 0 : i32
        %dma_start3A_312 = tpu.memref_slice %arg2[%while3A_308, %dma_start3A_311] : memref<2560x128xi32, #tpu.memory_space<hbm>> -> memref<1x128xi32, #tpu.memory_space<hbm>>
        %dma_start3A_313 = tpu.memref_squeeze %dma_start3A_312 : memref<1x128xi32, #tpu.memory_space<hbm>> -> memref<128xi32, #tpu.memory_space<hbm>>
        tpu.enqueue_dma source(%dma_start3A_313 : memref<128xi32, #tpu.memory_space<hbm>>) target(%arg5 : memref<128xi32, #tpu.memory_space<vmem>>) target_semaphore(%run_scoped3A : memref<!tpu.dma_semaphore, #tpu.memory_space<semaphore_mem>>)
        %dma_wait3A = arith.constant 0 : i32
        %dma_wait3A_314 = tpu.memref_slice %arg2[%while3A_308, %dma_wait3A] : memref<2560x128xi32, #tpu.memory_space<hbm>> -> memref<1x128xi32, #tpu.memory_space<hbm>>
        %dma_wait3A_315 = tpu.memref_squeeze %dma_wait3A_314 : memref<1x128xi32, #tpu.memory_space<hbm>> -> memref<128xi32, #tpu.memory_space<hbm>>
        %dma_wait3A_316 = arith.constant 0 : i32
        %dma_wait3A_317 = tpu.memref_slice %arg2[%while3A_308, %dma_wait3A_316] : memref<2560x128xi32, #tpu.memory_space<hbm>> -> memref<1x128xi32, #tpu.memory_space<hbm>>
        %dma_wait3A_318 = tpu.memref_squeeze %dma_wait3A_317 : memref<1x128xi32, #tpu.memory_space<hbm>> -> memref<128xi32, #tpu.memory_space<hbm>>
        tpu.wait_dma2 semaphore(%run_scoped3A : memref<!tpu.dma_semaphore, #tpu.memory_space<semaphore_mem>>) src(%dma_wait3A_318 : memref<128xi32, #tpu.memory_space<hbm>>) dst(%arg5 : memref<128xi32, #tpu.memory_space<vmem>>)
        tpu.yield
      }) : () -> ()
      "tpu.region"() ({
        %run_scoped3A = tpu.sem_alloc : memref<!tpu.dma_semaphore, #tpu.memory_space<semaphore_mem>>
        %dma_start3A = arith.constant 0 : i32
        %dma_start3A_309 = tpu.memref_slice %arg6[%dma_start3A] : memref<768xf32, #tpu.memory_space<vmem>> -> memref<128xf32, #tpu.memory_space<vmem>>
        %dma_start3A_310 = arith.constant 0 : i32
        %dma_start3A_311 = tpu.memref_slice %arg4[%dma_start3A_310] : memref<10240xf32, #tpu.memory_space<vmem_shared>> -> memref<10240xf32, #tpu.memory_space<vmem_shared>>
        tpu.enqueue_indirect_dma source(%dma_start3A_309 : memref<128xf32, #tpu.memory_space<vmem>>) target(%dma_start3A_311 : memref<10240xf32, #tpu.memory_space<vmem_shared>>) offsets(%arg5 : memref<128xi32, #tpu.memory_space<vmem>>) semaphore(%run_scoped3A : memref<!tpu.dma_semaphore, #tpu.memory_space<semaphore_mem>>) {add = true}
        %dma_wait3A = arith.constant 0 : i32
        %dma_wait3A_312 = tpu.memref_slice %arg6[%dma_wait3A] : memref<768xf32, #tpu.memory_space<vmem>> -> memref<128xf32, #tpu.memory_space<vmem>>
        %dma_wait3A_313 = arith.constant 0 : i32
        %dma_wait3A_314 = tpu.memref_slice %arg4[%dma_wait3A_313] : memref<10240xf32, #tpu.memory_space<vmem_shared>> -> memref<10240xf32, #tpu.memory_space<vmem_shared>>
        tpu.wait_indirect_dma semaphore(%run_scoped3A : memref<!tpu.dma_semaphore, #tpu.memory_space<semaphore_mem>>) src(%dma_wait3A_312 : memref<128xf32, #tpu.memory_space<vmem>>) dst(%dma_wait3A_314 : memref<10240xf32, #tpu.memory_space<vmem_shared>>)
        tpu.yield
      }) : () -> ()
    }
    %barrier3A_303 = arith.constant 0 : index
    tpu.barrier barrier_id(%barrier3A_303)
    %mul3A_304 = arith.constant 640 : i32
    %mul3A_305 = arith.muli %arg1, %mul3A_304 : i32
    %mul3A_306 = arith.constant 640 : i32
    %mul3A_307 = arith.muli %arg1, %mul3A_306 : i32
    "tpu.region"() ({
      %run_scoped3A = tpu.sem_alloc : memref<!tpu.dma_semaphore, #tpu.memory_space<semaphore_mem>>
      %dma_start3A = tpu.memref_slice %arg3[%arg0, %mul3A_307] : memref<2x10240xf32, #tpu.memory_space<hbm>> -> memref<1x640xf32, #tpu.memory_space<hbm>>
      %dma_start3A_308 = tpu.memref_squeeze %dma_start3A : memref<1x640xf32, #tpu.memory_space<hbm>> -> memref<640xf32, #tpu.memory_space<hbm>>
      %dma_start3A_309 = tpu.memref_slice %arg4[%mul3A_305] : memref<10240xf32, #tpu.memory_space<vmem_shared>> -> memref<640xf32, #tpu.memory_space<vmem_shared>>
      tpu.enqueue_dma source(%dma_start3A_309 : memref<640xf32, #tpu.memory_space<vmem_shared>>) target(%dma_start3A_308 : memref<640xf32, #tpu.memory_space<hbm>>) target_semaphore(%run_scoped3A : memref<!tpu.dma_semaphore, #tpu.memory_space<semaphore_mem>>)
      %dma_wait3A = tpu.memref_slice %arg3[%arg0, %mul3A_307] : memref<2x10240xf32, #tpu.memory_space<hbm>> -> memref<1x640xf32, #tpu.memory_space<hbm>>
      %dma_wait3A_310 = tpu.memref_squeeze %dma_wait3A : memref<1x640xf32, #tpu.memory_space<hbm>> -> memref<640xf32, #tpu.memory_space<hbm>>
      %dma_wait3A_311 = tpu.memref_slice %arg4[%mul3A_305] : memref<10240xf32, #tpu.memory_space<vmem_shared>> -> memref<640xf32, #tpu.memory_space<vmem_shared>>
      tpu.wait_dma2 semaphore(%run_scoped3A : memref<!tpu.dma_semaphore, #tpu.memory_space<semaphore_mem>>) src(%dma_wait3A_311 : memref<640xf32, #tpu.memory_space<vmem_shared>>) dst(%dma_wait3A_310 : memref<640xf32, #tpu.memory_space<hbm>>)
      tpu.yield
    }) : () -> ()
    return
  }
}

#map = affine_map<(d0, d1) -> (0, 0)>
#map1 = affine_map<(d0, d1) -> (0, 0, 0)>
module attributes {stable_mosaic.version = 14 : i64} {
  func.func @_prop_b_body(%arg0: i32, %arg1: i32, %arg2: memref<10640x128xf32, #tpu.memory_space<hbm>>, %arg3: memref<2x2560x128xi32, #tpu.memory_space<hbm>>, %arg4: memref<2x10240x128xf32, #tpu.memory_space<hbm>>, %arg5: memref<10240x128xf32, #tpu.memory_space<vmem_shared>>, %arg6: memref<40x128xi32, #tpu.memory_space<vmem>>, %arg7: memref<40x128xi32, #tpu.memory_space<vmem>>, %arg8: memref<128x128xf32, #tpu.memory_space<vmem>>, %arg9: memref<128x128xf32, #tpu.memory_space<vmem>>, %arg10: memref<!tpu.dma_semaphore, #tpu.memory_space<semaphore_mem>>, %arg11: memref<!tpu.dma_semaphore, #tpu.memory_space<semaphore_mem>>, %arg12: memref<!tpu.dma_semaphore, #tpu.memory_space<semaphore_mem>>, %arg13: memref<!tpu.dma_semaphore, #tpu.memory_space<semaphore_mem>>) attributes {dimension_semantics = [#tpu.dimension_semantics<core_parallel>, #tpu.dimension_semantics<subcore_parallel>], iteration_bounds = array<i64: 2, 16>, scalar_prefetch = 0 : i64, scratch_operands = 9 : i64, tpu.core_type = #tpu.core_type<sc_vector_subcore>, window_params = [{transform_indices = #map}, {transform_indices = #map1}, {transform_indices = #map1}]} {
    %scan3A = arith.constant 0 : i32
    %scan3A_0 = arith.constant 0 : i32
    %scan3A_1 = arith.constant 128 : i32
    %scan3A_2 = arith.addi %scan3A_0, %scan3A_1 : i32
    %scan3A_3 = arith.constant 1 : i32
    scf.for %scan3A_39 = %scan3A_0 to %scan3A_2 step %scan3A_3  : i32 {
      %broadcast_in_dim3A = arith.constant 0.000000e+00 : f32
      %broadcast_in_dim3A_40 = vector.broadcast %broadcast_in_dim3A : f32 to vector<16xf32>
      %swap3A = arith.index_cast %scan3A_39 : i32 to index
      %swap3A_41 = arith.constant 0 : index
      %swap3A_42 = tpu.vector_load %arg8[%swap3A, %swap3A_41] {strides = array<i32>} : memref<128x128xf32, #tpu.memory_space<vmem>>, vector<1x16xf32>,
      %swap3A_43 = vector.shape_cast %swap3A_42 : vector<1x16xf32> to vector<16xf32>
      %swap3A_44 = vector.shape_cast %broadcast_in_dim3A_40 : vector<16xf32> to vector<1x16xf32>
      tpu.vector_store %arg8[%swap3A, %swap3A_41], %swap3A_44 {strides = array<i32>} : memref<128x128xf32, #tpu.memory_space<vmem>>, vector<1x16xf32>,
      %broadcast_in_dim3A_45 = arith.constant 0.000000e+00 : f32
      %broadcast_in_dim3A_46 = vector.broadcast %broadcast_in_dim3A_45 : f32 to vector<16xf32>
      %swap3A_47 = arith.index_cast %scan3A_39 : i32 to index
      %swap3A_48 = arith.constant 16 : index
      %swap3A_49 = tpu.vector_load %arg8[%swap3A_47, %swap3A_48] {strides = array<i32>} : memref<128x128xf32, #tpu.memory_space<vmem>>, vector<1x16xf32>,
      %swap3A_50 = vector.shape_cast %swap3A_49 : vector<1x16xf32> to vector<16xf32>
      %swap3A_51 = vector.shape_cast %broadcast_in_dim3A_46 : vector<16xf32> to vector<1x16xf32>
      tpu.vector_store %arg8[%swap3A_47, %swap3A_48], %swap3A_51 {strides = array<i32>} : memref<128x128xf32, #tpu.memory_space<vmem>>, vector<1x16xf32>,
      %broadcast_in_dim3A_52 = arith.constant 0.000000e+00 : f32
      %broadcast_in_dim3A_53 = vector.broadcast %broadcast_in_dim3A_52 : f32 to vector<16xf32>
      %swap3A_54 = arith.index_cast %scan3A_39 : i32 to index
      %swap3A_55 = arith.constant 32 : index
      %swap3A_56 = tpu.vector_load %arg8[%swap3A_54, %swap3A_55] {strides = array<i32>} : memref<128x128xf32, #tpu.memory_space<vmem>>, vector<1x16xf32>,
      %swap3A_57 = vector.shape_cast %swap3A_56 : vector<1x16xf32> to vector<16xf32>
      %swap3A_58 = vector.shape_cast %broadcast_in_dim3A_53 : vector<16xf32> to vector<1x16xf32>
      tpu.vector_store %arg8[%swap3A_54, %swap3A_55], %swap3A_58 {strides = array<i32>} : memref<128x128xf32, #tpu.memory_space<vmem>>, vector<1x16xf32>,
      %broadcast_in_dim3A_59 = arith.constant 0.000000e+00 : f32
      %broadcast_in_dim3A_60 = vector.broadcast %broadcast_in_dim3A_59 : f32 to vector<16xf32>
      %swap3A_61 = arith.index_cast %scan3A_39 : i32 to index
      %swap3A_62 = arith.constant 48 : index
      %swap3A_63 = tpu.vector_load %arg8[%swap3A_61, %swap3A_62] {strides = array<i32>} : memref<128x128xf32, #tpu.memory_space<vmem>>, vector<1x16xf32>,
      %swap3A_64 = vector.shape_cast %swap3A_63 : vector<1x16xf32> to vector<16xf32>
      %swap3A_65 = vector.shape_cast %broadcast_in_dim3A_60 : vector<16xf32> to vector<1x16xf32>
      tpu.vector_store %arg8[%swap3A_61, %swap3A_62], %swap3A_65 {strides = array<i32>} : memref<128x128xf32, #tpu.memory_space<vmem>>, vector<1x16xf32>,
      %broadcast_in_dim3A_66 = arith.constant 0.000000e+00 : f32
      %broadcast_in_dim3A_67 = vector.broadcast %broadcast_in_dim3A_66 : f32 to vector<16xf32>
      %swap3A_68 = arith.index_cast %scan3A_39 : i32 to index
      %swap3A_69 = arith.constant 64 : index
      %swap3A_70 = tpu.vector_load %arg8[%swap3A_68, %swap3A_69] {strides = array<i32>} : memref<128x128xf32, #tpu.memory_space<vmem>>, vector<1x16xf32>,
      %swap3A_71 = vector.shape_cast %swap3A_70 : vector<1x16xf32> to vector<16xf32>
      %swap3A_72 = vector.shape_cast %broadcast_in_dim3A_67 : vector<16xf32> to vector<1x16xf32>
      tpu.vector_store %arg8[%swap3A_68, %swap3A_69], %swap3A_72 {strides = array<i32>} : memref<128x128xf32, #tpu.memory_space<vmem>>, vector<1x16xf32>,
      %broadcast_in_dim3A_73 = arith.constant 0.000000e+00 : f32
      %broadcast_in_dim3A_74 = vector.broadcast %broadcast_in_dim3A_73 : f32 to vector<16xf32>
      %swap3A_75 = arith.index_cast %scan3A_39 : i32 to index
      %swap3A_76 = arith.constant 80 : index
      %swap3A_77 = tpu.vector_load %arg8[%swap3A_75, %swap3A_76] {strides = array<i32>} : memref<128x128xf32, #tpu.memory_space<vmem>>, vector<1x16xf32>,
      %swap3A_78 = vector.shape_cast %swap3A_77 : vector<1x16xf32> to vector<16xf32>
      %swap3A_79 = vector.shape_cast %broadcast_in_dim3A_74 : vector<16xf32> to vector<1x16xf32>
      tpu.vector_store %arg8[%swap3A_75, %swap3A_76], %swap3A_79 {strides = array<i32>} : memref<128x128xf32, #tpu.memory_space<vmem>>, vector<1x16xf32>,
      %broadcast_in_dim3A_80 = arith.constant 0.000000e+00 : f32
      %broadcast_in_dim3A_81 = vector.broadcast %broadcast_in_dim3A_80 : f32 to vector<16xf32>
      %swap3A_82 = arith.index_cast %scan3A_39 : i32 to index
      %swap3A_83 = arith.constant 96 : index
      %swap3A_84 = tpu.vector_load %arg8[%swap3A_82, %swap3A_83] {strides = array<i32>} : memref<128x128xf32, #tpu.memory_space<vmem>>, vector<1x16xf32>,
      %swap3A_85 = vector.shape_cast %swap3A_84 : vector<1x16xf32> to vector<16xf32>
      %swap3A_86 = vector.shape_cast %broadcast_in_dim3A_81 : vector<16xf32> to vector<1x16xf32>
      tpu.vector_store %arg8[%swap3A_82, %swap3A_83], %swap3A_86 {strides = array<i32>} : memref<128x128xf32, #tpu.memory_space<vmem>>, vector<1x16xf32>,
      %broadcast_in_dim3A_87 = arith.constant 0.000000e+00 : f32
      %broadcast_in_dim3A_88 = vector.broadcast %broadcast_in_dim3A_87 : f32 to vector<16xf32>
      %swap3A_89 = arith.index_cast %scan3A_39 : i32 to index
      %swap3A_90 = arith.constant 112 : index
      %swap3A_91 = tpu.vector_load %arg8[%swap3A_89, %swap3A_90] {strides = array<i32>} : memref<128x128xf32, #tpu.memory_space<vmem>>, vector<1x16xf32>,
      %swap3A_92 = vector.shape_cast %swap3A_91 : vector<1x16xf32> to vector<16xf32>
      %swap3A_93 = vector.shape_cast %broadcast_in_dim3A_88 : vector<16xf32> to vector<1x16xf32>
      tpu.vector_store %arg8[%swap3A_89, %swap3A_90], %swap3A_93 {strides = array<i32>} : memref<128x128xf32, #tpu.memory_space<vmem>>, vector<1x16xf32>,
    }
    %scan3A_4 = arith.constant 128 : i32
    %mul3A = arith.constant 640 : i32
    %mul3A_5 = arith.muli %arg1, %mul3A : i32
    %add3A = arith.constant 0 : i32
    %add3A_6 = arith.addi %mul3A_5, %add3A : i32
    "tpu.region"() ({
      %run_scoped3A = tpu.sem_alloc : memref<!tpu.dma_semaphore, #tpu.memory_space<semaphore_mem>>
      %dma_start3A = arith.constant 0 : i32
      %dma_start3A_39 = tpu.memref_slice %arg5[%add3A_6, %dma_start3A] : memref<10240x128xf32, #tpu.memory_space<vmem_shared>> -> memref<128x128xf32, #tpu.memory_space<vmem_shared>>
      %dma_start3A_40 = arith.constant 0 : i32
      %dma_start3A_41 = tpu.memref_slice %arg5[%add3A_6, %dma_start3A_40] : memref<10240x128xf32, #tpu.memory_space<vmem_shared>> -> memref<128x128xf32, #tpu.memory_space<vmem_shared>>
      tpu.enqueue_dma source(%arg8 : memref<128x128xf32, #tpu.memory_space<vmem>>) target(%dma_start3A_41 : memref<128x128xf32, #tpu.memory_space<vmem_shared>>) target_semaphore(%run_scoped3A : memref<!tpu.dma_semaphore, #tpu.memory_space<semaphore_mem>>)
      %dma_wait3A = arith.constant 0 : i32
      %dma_wait3A_42 = tpu.memref_slice %arg5[%add3A_6, %dma_wait3A] : memref<10240x128xf32, #tpu.memory_space<vmem_shared>> -> memref<128x128xf32, #tpu.memory_space<vmem_shared>>
      %dma_wait3A_43 = arith.constant 0 : i32
      %dma_wait3A_44 = tpu.memref_slice %arg5[%add3A_6, %dma_wait3A_43] : memref<10240x128xf32, #tpu.memory_space<vmem_shared>> -> memref<128x128xf32, #tpu.memory_space<vmem_shared>>
      tpu.wait_dma2 semaphore(%run_scoped3A : memref<!tpu.dma_semaphore, #tpu.memory_space<semaphore_mem>>) src(%arg8 : memref<128x128xf32, #tpu.memory_space<vmem>>) dst(%dma_wait3A_44 : memref<128x128xf32, #tpu.memory_space<vmem_shared>>)
      tpu.yield
    }) : () -> ()
    %mul3A_7 = arith.constant 640 : i32
    %mul3A_8 = arith.muli %arg1, %mul3A_7 : i32
    %add3A_9 = arith.constant 128 : i32
    %add3A_10 = arith.addi %mul3A_8, %add3A_9 : i32
    "tpu.region"() ({
      %run_scoped3A = tpu.sem_alloc : memref<!tpu.dma_semaphore, #tpu.memory_space<semaphore_mem>>
      %dma_start3A = arith.constant 0 : i32
      %dma_start3A_39 = tpu.memref_slice %arg5[%add3A_10, %dma_start3A] : memref<10240x128xf32, #tpu.memory_space<vmem_shared>> -> memref<128x128xf32, #tpu.memory_space<vmem_shared>>
      %dma_start3A_40 = arith.constant 0 : i32
      %dma_start3A_41 = tpu.memref_slice %arg5[%add3A_10, %dma_start3A_40] : memref<10240x128xf32, #tpu.memory_space<vmem_shared>> -> memref<128x128xf32, #tpu.memory_space<vmem_shared>>
      tpu.enqueue_dma source(%arg8 : memref<128x128xf32, #tpu.memory_space<vmem>>) target(%dma_start3A_41 : memref<128x128xf32, #tpu.memory_space<vmem_shared>>) target_semaphore(%run_scoped3A : memref<!tpu.dma_semaphore, #tpu.memory_space<semaphore_mem>>)
      %dma_wait3A = arith.constant 0 : i32
      %dma_wait3A_42 = tpu.memref_slice %arg5[%add3A_10, %dma_wait3A] : memref<10240x128xf32, #tpu.memory_space<vmem_shared>> -> memref<128x128xf32, #tpu.memory_space<vmem_shared>>
      %dma_wait3A_43 = arith.constant 0 : i32
      %dma_wait3A_44 = tpu.memref_slice %arg5[%add3A_10, %dma_wait3A_43] : memref<10240x128xf32, #tpu.memory_space<vmem_shared>> -> memref<128x128xf32, #tpu.memory_space<vmem_shared>>
      tpu.wait_dma2 semaphore(%run_scoped3A : memref<!tpu.dma_semaphore, #tpu.memory_space<semaphore_mem>>) src(%arg8 : memref<128x128xf32, #tpu.memory_space<vmem>>) dst(%dma_wait3A_44 : memref<128x128xf32, #tpu.memory_space<vmem_shared>>)
      tpu.yield
    }) : () -> ()
    %mul3A_11 = arith.constant 640 : i32
    %mul3A_12 = arith.muli %arg1, %mul3A_11 : i32
    %add3A_13 = arith.constant 256 : i32
    %add3A_14 = arith.addi %mul3A_12, %add3A_13 : i32
    "tpu.region"() ({
      %run_scoped3A = tpu.sem_alloc : memref<!tpu.dma_semaphore, #tpu.memory_space<semaphore_mem>>
      %dma_start3A = arith.constant 0 : i32
      %dma_start3A_39 = tpu.memref_slice %arg5[%add3A_14, %dma_start3A] : memref<10240x128xf32, #tpu.memory_space<vmem_shared>> -> memref<128x128xf32, #tpu.memory_space<vmem_shared>>
      %dma_start3A_40 = arith.constant 0 : i32
      %dma_start3A_41 = tpu.memref_slice %arg5[%add3A_14, %dma_start3A_40] : memref<10240x128xf32, #tpu.memory_space<vmem_shared>> -> memref<128x128xf32, #tpu.memory_space<vmem_shared>>
      tpu.enqueue_dma source(%arg8 : memref<128x128xf32, #tpu.memory_space<vmem>>) target(%dma_start3A_41 : memref<128x128xf32, #tpu.memory_space<vmem_shared>>) target_semaphore(%run_scoped3A : memref<!tpu.dma_semaphore, #tpu.memory_space<semaphore_mem>>)
      %dma_wait3A = arith.constant 0 : i32
      %dma_wait3A_42 = tpu.memref_slice %arg5[%add3A_14, %dma_wait3A] : memref<10240x128xf32, #tpu.memory_space<vmem_shared>> -> memref<128x128xf32, #tpu.memory_space<vmem_shared>>
      %dma_wait3A_43 = arith.constant 0 : i32
      %dma_wait3A_44 = tpu.memref_slice %arg5[%add3A_14, %dma_wait3A_43] : memref<10240x128xf32, #tpu.memory_space<vmem_shared>> -> memref<128x128xf32, #tpu.memory_space<vmem_shared>>
      tpu.wait_dma2 semaphore(%run_scoped3A : memref<!tpu.dma_semaphore, #tpu.memory_space<semaphore_mem>>) src(%arg8 : memref<128x128xf32, #tpu.memory_space<vmem>>) dst(%dma_wait3A_44 : memref<128x128xf32, #tpu.memory_space<vmem_shared>>)
      tpu.yield
    }) : () -> ()
    %mul3A_15 = arith.constant 640 : i32
    %mul3A_16 = arith.muli %arg1, %mul3A_15 : i32
    %add3A_17 = arith.constant 384 : i32
    %add3A_18 = arith.addi %mul3A_16, %add3A_17 : i32
    "tpu.region"() ({
      %run_scoped3A = tpu.sem_alloc : memref<!tpu.dma_semaphore, #tpu.memory_space<semaphore_mem>>
      %dma_start3A = arith.constant 0 : i32
      %dma_start3A_39 = tpu.memref_slice %arg5[%add3A_18, %dma_start3A] : memref<10240x128xf32, #tpu.memory_space<vmem_shared>> -> memref<128x128xf32, #tpu.memory_space<vmem_shared>>
      %dma_start3A_40 = arith.constant 0 : i32
      %dma_start3A_41 = tpu.memref_slice %arg5[%add3A_18, %dma_start3A_40] : memref<10240x128xf32, #tpu.memory_space<vmem_shared>> -> memref<128x128xf32, #tpu.memory_space<vmem_shared>>
      tpu.enqueue_dma source(%arg8 : memref<128x128xf32, #tpu.memory_space<vmem>>) target(%dma_start3A_41 : memref<128x128xf32, #tpu.memory_space<vmem_shared>>) target_semaphore(%run_scoped3A : memref<!tpu.dma_semaphore, #tpu.memory_space<semaphore_mem>>)
      %dma_wait3A = arith.constant 0 : i32
      %dma_wait3A_42 = tpu.memref_slice %arg5[%add3A_18, %dma_wait3A] : memref<10240x128xf32, #tpu.memory_space<vmem_shared>> -> memref<128x128xf32, #tpu.memory_space<vmem_shared>>
      %dma_wait3A_43 = arith.constant 0 : i32
      %dma_wait3A_44 = tpu.memref_slice %arg5[%add3A_18, %dma_wait3A_43] : memref<10240x128xf32, #tpu.memory_space<vmem_shared>> -> memref<128x128xf32, #tpu.memory_space<vmem_shared>>
      tpu.wait_dma2 semaphore(%run_scoped3A : memref<!tpu.dma_semaphore, #tpu.memory_space<semaphore_mem>>) src(%arg8 : memref<128x128xf32, #tpu.memory_space<vmem>>) dst(%dma_wait3A_44 : memref<128x128xf32, #tpu.memory_space<vmem_shared>>)
      tpu.yield
    }) : () -> ()
    %mul3A_19 = arith.constant 640 : i32
    %mul3A_20 = arith.muli %arg1, %mul3A_19 : i32
    %add3A_21 = arith.constant 512 : i32
    %add3A_22 = arith.addi %mul3A_20, %add3A_21 : i32
    "tpu.region"() ({
      %run_scoped3A = tpu.sem_alloc : memref<!tpu.dma_semaphore, #tpu.memory_space<semaphore_mem>>
      %dma_start3A = arith.constant 0 : i32
      %dma_start3A_39 = tpu.memref_slice %arg5[%add3A_22, %dma_start3A] : memref<10240x128xf32, #tpu.memory_space<vmem_shared>> -> memref<128x128xf32, #tpu.memory_space<vmem_shared>>
      %dma_start3A_40 = arith.constant 0 : i32
      %dma_start3A_41 = tpu.memref_slice %arg5[%add3A_22, %dma_start3A_40] : memref<10240x128xf32, #tpu.memory_space<vmem_shared>> -> memref<128x128xf32, #tpu.memory_space<vmem_shared>>
      tpu.enqueue_dma source(%arg8 : memref<128x128xf32, #tpu.memory_space<vmem>>) target(%dma_start3A_41 : memref<128x128xf32, #tpu.memory_space<vmem_shared>>) target_semaphore(%run_scoped3A : memref<!tpu.dma_semaphore, #tpu.memory_space<semaphore_mem>>)
      %dma_wait3A = arith.constant 0 : i32
      %dma_wait3A_42 = tpu.memref_slice %arg5[%add3A_22, %dma_wait3A] : memref<10240x128xf32, #tpu.memory_space<vmem_shared>> -> memref<128x128xf32, #tpu.memory_space<vmem_shared>>
      %dma_wait3A_43 = arith.constant 0 : i32
      %dma_wait3A_44 = tpu.memref_slice %arg5[%add3A_22, %dma_wait3A_43] : memref<10240x128xf32, #tpu.memory_space<vmem_shared>> -> memref<128x128xf32, #tpu.memory_space<vmem_shared>>
      tpu.wait_dma2 semaphore(%run_scoped3A : memref<!tpu.dma_semaphore, #tpu.memory_space<semaphore_mem>>) src(%arg8 : memref<128x128xf32, #tpu.memory_space<vmem>>) dst(%dma_wait3A_44 : memref<128x128xf32, #tpu.memory_space<vmem_shared>>)
      tpu.yield
    }) : () -> ()
    %barrier3A = arith.constant 0 : index
    tpu.barrier barrier_id(%barrier3A)
    %mul3A_23 = arith.constant 16 : i32
    %mul3A_24 = arith.muli %arg0, %mul3A_23 : i32
    %add3A_25 = arith.addi %mul3A_24, %arg1 : i32
    %mul3A_26 = arith.constant 80 : i32
    %mul3A_27 = arith.muli %add3A_25, %mul3A_26 : i32
    %scan3A_28 = arith.constant 0 : i32
    %scan3A_29 = arith.constant 0 : i32
    %scan3A_30 = arith.constant 2 : i32
    %scan3A_31 = arith.addi %scan3A_29, %scan3A_30 : i32
    %scan3A_32 = arith.constant 1 : i32
    scf.for %scan3A_39 = %scan3A_29 to %scan3A_31 step %scan3A_32  : i32 {
      %mul3A_40 = arith.constant 40 : i32
      %mul3A_41 = arith.muli %scan3A_39, %mul3A_40 : i32
      %add3A_42 = arith.addi %mul3A_27, %mul3A_41 : i32
      %run_scoped3A = arith.constant 0 : i32
      "tpu.region"() ({
        %run_scoped3A_76 = tpu.sem_alloc : memref<!tpu.dma_semaphore, #tpu.memory_space<semaphore_mem>>
        %dma_start3A_77 = arith.constant 0 : i32
        %dma_start3A_78 = tpu.memref_slice %arg3[%run_scoped3A, %add3A_42, %dma_start3A_77] : memref<2x2560x128xi32, #tpu.memory_space<hbm>> -> memref<1x40x128xi32, #tpu.memory_space<hbm>>
        %dma_start3A_79 = tpu.memref_squeeze %dma_start3A_78 : memref<1x40x128xi32, #tpu.memory_space<hbm>> -> memref<40x128xi32, #tpu.memory_space<hbm>>
        %dma_start3A_80 = arith.constant 0 : i32
        %dma_start3A_81 = tpu.memref_slice %arg3[%run_scoped3A, %add3A_42, %dma_start3A_80] : memref<2x2560x128xi32, #tpu.memory_space<hbm>> -> memref<1x40x128xi32, #tpu.memory_space<hbm>>
        %dma_start3A_82 = tpu.memref_squeeze %dma_start3A_81 : memref<1x40x128xi32, #tpu.memory_space<hbm>> -> memref<40x128xi32, #tpu.memory_space<hbm>>
        tpu.enqueue_dma source(%dma_start3A_82 : memref<40x128xi32, #tpu.memory_space<hbm>>) target(%arg6 : memref<40x128xi32, #tpu.memory_space<vmem>>) target_semaphore(%run_scoped3A_76 : memref<!tpu.dma_semaphore, #tpu.memory_space<semaphore_mem>>)
        %dma_wait3A_83 = arith.constant 0 : i32
        %dma_wait3A_84 = tpu.memref_slice %arg3[%run_scoped3A, %add3A_42, %dma_wait3A_83] : memref<2x2560x128xi32, #tpu.memory_space<hbm>> -> memref<1x40x128xi32, #tpu.memory_space<hbm>>
        %dma_wait3A_85 = tpu.memref_squeeze %dma_wait3A_84 : memref<1x40x128xi32, #tpu.memory_space<hbm>> -> memref<40x128xi32, #tpu.memory_space<hbm>>
        %dma_wait3A_86 = arith.constant 0 : i32
        %dma_wait3A_87 = tpu.memref_slice %arg3[%run_scoped3A, %add3A_42, %dma_wait3A_86] : memref<2x2560x128xi32, #tpu.memory_space<hbm>> -> memref<1x40x128xi32, #tpu.memory_space<hbm>>
        %dma_wait3A_88 = tpu.memref_squeeze %dma_wait3A_87 : memref<1x40x128xi32, #tpu.memory_space<hbm>> -> memref<40x128xi32, #tpu.memory_space<hbm>>
        tpu.wait_dma2 semaphore(%run_scoped3A_76 : memref<!tpu.dma_semaphore, #tpu.memory_space<semaphore_mem>>) src(%dma_wait3A_88 : memref<40x128xi32, #tpu.memory_space<hbm>>) dst(%arg6 : memref<40x128xi32, #tpu.memory_space<vmem>>)
        tpu.yield
      }) : () -> ()
      %run_scoped3A_43 = arith.constant 1 : i32
      "tpu.region"() ({
        %run_scoped3A_76 = tpu.sem_alloc : memref<!tpu.dma_semaphore, #tpu.memory_space<semaphore_mem>>
        %dma_start3A_77 = arith.constant 0 : i32
        %dma_start3A_78 = tpu.memref_slice %arg3[%run_scoped3A_43, %add3A_42, %dma_start3A_77] : memref<2x2560x128xi32, #tpu.memory_space<hbm>> -> memref<1x40x128xi32, #tpu.memory_space<hbm>>
        %dma_start3A_79 = tpu.memref_squeeze %dma_start3A_78 : memref<1x40x128xi32, #tpu.memory_space<hbm>> -> memref<40x128xi32, #tpu.memory_space<hbm>>
        %dma_start3A_80 = arith.constant 0 : i32
        %dma_start3A_81 = tpu.memref_slice %arg3[%run_scoped3A_43, %add3A_42, %dma_start3A_80] : memref<2x2560x128xi32, #tpu.memory_space<hbm>> -> memref<1x40x128xi32, #tpu.memory_space<hbm>>
        %dma_start3A_82 = tpu.memref_squeeze %dma_start3A_81 : memref<1x40x128xi32, #tpu.memory_space<hbm>> -> memref<40x128xi32, #tpu.memory_space<hbm>>
        tpu.enqueue_dma source(%dma_start3A_82 : memref<40x128xi32, #tpu.memory_space<hbm>>) target(%arg7 : memref<40x128xi32, #tpu.memory_space<vmem>>) target_semaphore(%run_scoped3A_76 : memref<!tpu.dma_semaphore, #tpu.memory_space<semaphore_mem>>)
        %dma_wait3A_83 = arith.constant 0 : i32
        %dma_wait3A_84 = tpu.memref_slice %arg3[%run_scoped3A_43, %add3A_42, %dma_wait3A_83] : memref<2x2560x128xi32, #tpu.memory_space<hbm>> -> memref<1x40x128xi32, #tpu.memory_space<hbm>>
        %dma_wait3A_85 = tpu.memref_squeeze %dma_wait3A_84 : memref<1x40x128xi32, #tpu.memory_space<hbm>> -> memref<40x128xi32, #tpu.memory_space<hbm>>
        %dma_wait3A_86 = arith.constant 0 : i32
        %dma_wait3A_87 = tpu.memref_slice %arg3[%run_scoped3A_43, %add3A_42, %dma_wait3A_86] : memref<2x2560x128xi32, #tpu.memory_space<hbm>> -> memref<1x40x128xi32, #tpu.memory_space<hbm>>
        %dma_wait3A_88 = tpu.memref_squeeze %dma_wait3A_87 : memref<1x40x128xi32, #tpu.memory_space<hbm>> -> memref<40x128xi32, #tpu.memory_space<hbm>>
        tpu.wait_dma2 semaphore(%run_scoped3A_76 : memref<!tpu.dma_semaphore, #tpu.memory_space<semaphore_mem>>) src(%dma_wait3A_88 : memref<40x128xi32, #tpu.memory_space<hbm>>) dst(%arg7 : memref<40x128xi32, #tpu.memory_space<vmem>>)
        tpu.yield
      }) : () -> ()
      %dma_start3A = arith.constant 0 : i32
      %dma_start3A_44 = arith.constant 0 : i32
      %dma_start3A_45 = tpu.memref_slice %arg6[%dma_start3A, %dma_start3A_44] : memref<40x128xi32, #tpu.memory_space<vmem>> -> memref<1x128xi32, #tpu.memory_space<vmem>>
      %dma_start3A_46 = tpu.memref_squeeze %dma_start3A_45 : memref<1x128xi32, #tpu.memory_space<vmem>> -> memref<128xi32, #tpu.memory_space<vmem>>
      %dma_start3A_47 = arith.constant 0 : i32
      %dma_start3A_48 = arith.constant 0 : i32
      %dma_start3A_49 = tpu.memref_slice %arg2[%dma_start3A_47, %dma_start3A_48] : memref<10640x128xf32, #tpu.memory_space<hbm>> -> memref<10640x128xf32, #tpu.memory_space<hbm>>
      tpu.enqueue_indirect_dma source(%dma_start3A_49 : memref<10640x128xf32, #tpu.memory_space<hbm>>) target(%arg8 : memref<128x128xf32, #tpu.memory_space<vmem>>) offsets(%dma_start3A_46 : memref<128xi32, #tpu.memory_space<vmem>>) semaphore(%arg10 : memref<!tpu.dma_semaphore, #tpu.memory_space<semaphore_mem>>)
      %dma_start3A_50 = arith.constant 1 : i32
      %dma_start3A_51 = arith.constant 0 : i32
      %dma_start3A_52 = tpu.memref_slice %arg6[%dma_start3A_50, %dma_start3A_51] : memref<40x128xi32, #tpu.memory_space<vmem>> -> memref<1x128xi32, #tpu.memory_space<vmem>>
      %dma_start3A_53 = tpu.memref_squeeze %dma_start3A_52 : memref<1x128xi32, #tpu.memory_space<vmem>> -> memref<128xi32, #tpu.memory_space<vmem>>
      %dma_start3A_54 = arith.constant 0 : i32
      %dma_start3A_55 = arith.constant 0 : i32
      %dma_start3A_56 = tpu.memref_slice %arg2[%dma_start3A_54, %dma_start3A_55] : memref<10640x128xf32, #tpu.memory_space<hbm>> -> memref<10640x128xf32, #tpu.memory_space<hbm>>
      tpu.enqueue_indirect_dma source(%dma_start3A_56 : memref<10640x128xf32, #tpu.memory_space<hbm>>) target(%arg9 : memref<128x128xf32, #tpu.memory_space<vmem>>) offsets(%dma_start3A_53 : memref<128xi32, #tpu.memory_space<vmem>>) semaphore(%arg11 : memref<!tpu.dma_semaphore, #tpu.memory_space<semaphore_mem>>)
      %scan3A_57 = arith.constant 0 : i32
      %scan3A_58 = arith.constant 0 : i32
      %scan3A_59 = arith.constant 20 : i32
      %scan3A_60 = arith.addi %scan3A_58, %scan3A_59 : i32
      %scan3A_61 = arith.constant 1 : i32
      scf.for %scan3A_76 = %scan3A_58 to %scan3A_60 step %scan3A_61  : i32 {
        %mul3A_77 = arith.constant 2 : i32
        %mul3A_78 = arith.muli %scan3A_76, %mul3A_77 : i32
        %add3A_79 = arith.constant 0 : i32
        %add3A_80 = arith.addi %mul3A_78, %add3A_79 : i32
        %dma_wait3A_81 = arith.constant 0 : i32
        %dma_wait3A_82 = tpu.memref_slice %arg6[%add3A_80, %dma_wait3A_81] : memref<40x128xi32, #tpu.memory_space<vmem>> -> memref<1x128xi32, #tpu.memory_space<vmem>>
        %dma_wait3A_83 = tpu.memref_squeeze %dma_wait3A_82 : memref<1x128xi32, #tpu.memory_space<vmem>> -> memref<128xi32, #tpu.memory_space<vmem>>
        %dma_wait3A_84 = arith.constant 0 : i32
        %dma_wait3A_85 = arith.constant 0 : i32
        %dma_wait3A_86 = tpu.memref_slice %arg2[%dma_wait3A_84, %dma_wait3A_85] : memref<10640x128xf32, #tpu.memory_space<hbm>> -> memref<10640x128xf32, #tpu.memory_space<hbm>>
        tpu.wait_indirect_dma semaphore(%arg10 : memref<!tpu.dma_semaphore, #tpu.memory_space<semaphore_mem>>) src(%dma_wait3A_86 : memref<10640x128xf32, #tpu.memory_space<hbm>>) dst(%arg8 : memref<128x128xf32, #tpu.memory_space<vmem>>)
        %dma_start3A_87 = arith.constant 0 : i32
        %dma_start3A_88 = tpu.memref_slice %arg7[%add3A_80, %dma_start3A_87] : memref<40x128xi32, #tpu.memory_space<vmem>> -> memref<1x128xi32, #tpu.memory_space<vmem>>
        %dma_start3A_89 = tpu.memref_squeeze %dma_start3A_88 : memref<1x128xi32, #tpu.memory_space<vmem>> -> memref<128xi32, #tpu.memory_space<vmem>>
        %dma_start3A_90 = arith.constant 0 : i32
        %dma_start3A_91 = arith.constant 0 : i32
        %dma_start3A_92 = tpu.memref_slice %arg5[%dma_start3A_90, %dma_start3A_91] : memref<10240x128xf32, #tpu.memory_space<vmem_shared>> -> memref<10240x128xf32, #tpu.memory_space<vmem_shared>>
        tpu.enqueue_indirect_dma source(%arg8 : memref<128x128xf32, #tpu.memory_space<vmem>>) target(%dma_start3A_92 : memref<10240x128xf32, #tpu.memory_space<vmem_shared>>) offsets(%dma_start3A_89 : memref<128xi32, #tpu.memory_space<vmem>>) semaphore(%arg12 : memref<!tpu.dma_semaphore, #tpu.memory_space<semaphore_mem>>) {add = true}
        %add3A_93 = arith.constant 2 : i32
        %add3A_94 = arith.addi %add3A_80, %add3A_93 : i32
        %lt3A = arith.constant 40 : i32
        %lt3A_95 = arith.cmpi slt, %add3A_94, %lt3A : i32
        %convert_element_type3A = arith.extui %lt3A_95 : i1 to i32
        %cond3A = arith.constant 0 : i32
        %cond3A_96 = arith.cmpi ne, %convert_element_type3A, %cond3A : i32
        scf.if %cond3A_96 {
          %dma_wait3A_120 = arith.constant 0 : i32
          %dma_wait3A_121 = tpu.memref_slice %arg7[%add3A_80, %dma_wait3A_120] : memref<40x128xi32, #tpu.memory_space<vmem>> -> memref<1x128xi32, #tpu.memory_space<vmem>>
          %dma_wait3A_122 = tpu.memref_squeeze %dma_wait3A_121 : memref<1x128xi32, #tpu.memory_space<vmem>> -> memref<128xi32, #tpu.memory_space<vmem>>
          %dma_wait3A_123 = arith.constant 0 : i32
          %dma_wait3A_124 = arith.constant 0 : i32
          %dma_wait3A_125 = tpu.memref_slice %arg5[%dma_wait3A_123, %dma_wait3A_124] : memref<10240x128xf32, #tpu.memory_space<vmem_shared>> -> memref<10240x128xf32, #tpu.memory_space<vmem_shared>>
          tpu.wait_indirect_dma semaphore(%arg12 : memref<!tpu.dma_semaphore, #tpu.memory_space<semaphore_mem>>) src(%arg8 : memref<128x128xf32, #tpu.memory_space<vmem>>) dst(%dma_wait3A_125 : memref<10240x128xf32, #tpu.memory_space<vmem_shared>>)
          %add3A_126 = arith.constant 2 : i32
          %add3A_127 = arith.addi %add3A_80, %add3A_126 : i32
          %dma_start3A_128 = arith.constant 0 : i32
          %dma_start3A_129 = tpu.memref_slice %arg6[%add3A_127, %dma_start3A_128] : memref<40x128xi32, #tpu.memory_space<vmem>> -> memref<1x128xi32, #tpu.memory_space<vmem>>
          %dma_start3A_130 = tpu.memref_squeeze %dma_start3A_129 : memref<1x128xi32, #tpu.memory_space<vmem>> -> memref<128xi32, #tpu.memory_space<vmem>>
          %dma_start3A_131 = arith.constant 0 : i32
          %dma_start3A_132 = arith.constant 0 : i32
          %dma_start3A_133 = tpu.memref_slice %arg2[%dma_start3A_131, %dma_start3A_132] : memref<10640x128xf32, #tpu.memory_space<hbm>> -> memref<10640x128xf32, #tpu.memory_space<hbm>>
          tpu.enqueue_indirect_dma source(%dma_start3A_133 : memref<10640x128xf32, #tpu.memory_space<hbm>>) target(%arg8 : memref<128x128xf32, #tpu.memory_space<vmem>>) offsets(%dma_start3A_130 : memref<128xi32, #tpu.memory_space<vmem>>) semaphore(%arg10 : memref<!tpu.dma_semaphore, #tpu.memory_space<semaphore_mem>>)
        } else {
        }
        %mul3A_97 = arith.constant 2 : i32
        %mul3A_98 = arith.muli %scan3A_76, %mul3A_97 : i32
        %add3A_99 = arith.constant 1 : i32
        %add3A_100 = arith.addi %mul3A_98, %add3A_99 : i32
        %dma_wait3A_101 = arith.constant 0 : i32
        %dma_wait3A_102 = tpu.memref_slice %arg6[%add3A_100, %dma_wait3A_101] : memref<40x128xi32, #tpu.memory_space<vmem>> -> memref<1x128xi32, #tpu.memory_space<vmem>>
        %dma_wait3A_103 = tpu.memref_squeeze %dma_wait3A_102 : memref<1x128xi32, #tpu.memory_space<vmem>> -> memref<128xi32, #tpu.memory_space<vmem>>
        %dma_wait3A_104 = arith.constant 0 : i32
        %dma_wait3A_105 = arith.constant 0 : i32
        %dma_wait3A_106 = tpu.memref_slice %arg2[%dma_wait3A_104, %dma_wait3A_105] : memref<10640x128xf32, #tpu.memory_space<hbm>> -> memref<10640x128xf32, #tpu.memory_space<hbm>>
        tpu.wait_indirect_dma semaphore(%arg11 : memref<!tpu.dma_semaphore, #tpu.memory_space<semaphore_mem>>) src(%dma_wait3A_106 : memref<10640x128xf32, #tpu.memory_space<hbm>>) dst(%arg9 : memref<128x128xf32, #tpu.memory_space<vmem>>)
        %dma_start3A_107 = arith.constant 0 : i32
        %dma_start3A_108 = tpu.memref_slice %arg7[%add3A_100, %dma_start3A_107] : memref<40x128xi32, #tpu.memory_space<vmem>> -> memref<1x128xi32, #tpu.memory_space<vmem>>
        %dma_start3A_109 = tpu.memref_squeeze %dma_start3A_108 : memref<1x128xi32, #tpu.memory_space<vmem>> -> memref<128xi32, #tpu.memory_space<vmem>>
        %dma_start3A_110 = arith.constant 0 : i32
        %dma_start3A_111 = arith.constant 0 : i32
        %dma_start3A_112 = tpu.memref_slice %arg5[%dma_start3A_110, %dma_start3A_111] : memref<10240x128xf32, #tpu.memory_space<vmem_shared>> -> memref<10240x128xf32, #tpu.memory_space<vmem_shared>>
        tpu.enqueue_indirect_dma source(%arg9 : memref<128x128xf32, #tpu.memory_space<vmem>>) target(%dma_start3A_112 : memref<10240x128xf32, #tpu.memory_space<vmem_shared>>) offsets(%dma_start3A_109 : memref<128xi32, #tpu.memory_space<vmem>>) semaphore(%arg13 : memref<!tpu.dma_semaphore, #tpu.memory_space<semaphore_mem>>) {add = true}
        %add3A_113 = arith.constant 2 : i32
        %add3A_114 = arith.addi %add3A_100, %add3A_113 : i32
        %lt3A_115 = arith.constant 40 : i32
        %lt3A_116 = arith.cmpi slt, %add3A_114, %lt3A_115 : i32
        %convert_element_type3A_117 = arith.extui %lt3A_116 : i1 to i32
        %cond3A_118 = arith.constant 0 : i32
        %cond3A_119 = arith.cmpi ne, %convert_element_type3A_117, %cond3A_118 : i32
        scf.if %cond3A_119 {
          %dma_wait3A_120 = arith.constant 0 : i32
          %dma_wait3A_121 = tpu.memref_slice %arg7[%add3A_100, %dma_wait3A_120] : memref<40x128xi32, #tpu.memory_space<vmem>> -> memref<1x128xi32, #tpu.memory_space<vmem>>
          %dma_wait3A_122 = tpu.memref_squeeze %dma_wait3A_121 : memref<1x128xi32, #tpu.memory_space<vmem>> -> memref<128xi32, #tpu.memory_space<vmem>>
          %dma_wait3A_123 = arith.constant 0 : i32
          %dma_wait3A_124 = arith.constant 0 : i32
          %dma_wait3A_125 = tpu.memref_slice %arg5[%dma_wait3A_123, %dma_wait3A_124] : memref<10240x128xf32, #tpu.memory_space<vmem_shared>> -> memref<10240x128xf32, #tpu.memory_space<vmem_shared>>
          tpu.wait_indirect_dma semaphore(%arg13 : memref<!tpu.dma_semaphore, #tpu.memory_space<semaphore_mem>>) src(%arg9 : memref<128x128xf32, #tpu.memory_space<vmem>>) dst(%dma_wait3A_125 : memref<10240x128xf32, #tpu.memory_space<vmem_shared>>)
          %add3A_126 = arith.constant 2 : i32
          %add3A_127 = arith.addi %add3A_100, %add3A_126 : i32
          %dma_start3A_128 = arith.constant 0 : i32
          %dma_start3A_129 = tpu.memref_slice %arg6[%add3A_127, %dma_start3A_128] : memref<40x128xi32, #tpu.memory_space<vmem>> -> memref<1x128xi32, #tpu.memory_space<vmem>>
          %dma_start3A_130 = tpu.memref_squeeze %dma_start3A_129 : memref<1x128xi32, #tpu.memory_space<vmem>> -> memref<128xi32, #tpu.memory_space<vmem>>
          %dma_start3A_131 = arith.constant 0 : i32
          %dma_start3A_132 = arith.constant 0 : i32
          %dma_start3A_133 = tpu.memref_slice %arg2[%dma_start3A_131, %dma_start3A_132] : memref<10640x128xf32, #tpu.memory_space<hbm>> -> memref<10640x128xf32, #tpu.memory_space<hbm>>
          tpu.enqueue_indirect_dma source(%dma_start3A_133 : memref<10640x128xf32, #tpu.memory_space<hbm>>) target(%arg9 : memref<128x128xf32, #tpu.memory_space<vmem>>) offsets(%dma_start3A_130 : memref<128xi32, #tpu.memory_space<vmem>>) semaphore(%arg11 : memref<!tpu.dma_semaphore, #tpu.memory_space<semaphore_mem>>)
        } else {
        }
      }
      %scan3A_62 = arith.constant 20 : i32
      %dma_wait3A = arith.constant 38 : i32
      %dma_wait3A_63 = arith.constant 0 : i32
      %dma_wait3A_64 = tpu.memref_slice %arg7[%dma_wait3A, %dma_wait3A_63] : memref<40x128xi32, #tpu.memory_space<vmem>> -> memref<1x128xi32, #tpu.memory_space<vmem>>
      %dma_wait3A_65 = tpu.memref_squeeze %dma_wait3A_64 : memref<1x128xi32, #tpu.memory_space<vmem>> -> memref<128xi32, #tpu.memory_space<vmem>>
      %dma_wait3A_66 = arith.constant 0 : i32
      %dma_wait3A_67 = arith.constant 0 : i32
      %dma_wait3A_68 = tpu.memref_slice %arg5[%dma_wait3A_66, %dma_wait3A_67] : memref<10240x128xf32, #tpu.memory_space<vmem_shared>> -> memref<10240x128xf32, #tpu.memory_space<vmem_shared>>
      tpu.wait_indirect_dma semaphore(%arg12 : memref<!tpu.dma_semaphore, #tpu.memory_space<semaphore_mem>>) src(%arg8 : memref<128x128xf32, #tpu.memory_space<vmem>>) dst(%dma_wait3A_68 : memref<10240x128xf32, #tpu.memory_space<vmem_shared>>)
      %dma_wait3A_69 = arith.constant 39 : i32
      %dma_wait3A_70 = arith.constant 0 : i32
      %dma_wait3A_71 = tpu.memref_slice %arg7[%dma_wait3A_69, %dma_wait3A_70] : memref<40x128xi32, #tpu.memory_space<vmem>> -> memref<1x128xi32, #tpu.memory_space<vmem>>
      %dma_wait3A_72 = tpu.memref_squeeze %dma_wait3A_71 : memref<1x128xi32, #tpu.memory_space<vmem>> -> memref<128xi32, #tpu.memory_space<vmem>>
      %dma_wait3A_73 = arith.constant 0 : i32
      %dma_wait3A_74 = arith.constant 0 : i32
      %dma_wait3A_75 = tpu.memref_slice %arg5[%dma_wait3A_73, %dma_wait3A_74] : memref<10240x128xf32, #tpu.memory_space<vmem_shared>> -> memref<10240x128xf32, #tpu.memory_space<vmem_shared>>
      tpu.wait_indirect_dma semaphore(%arg13 : memref<!tpu.dma_semaphore, #tpu.memory_space<semaphore_mem>>) src(%arg9 : memref<128x128xf32, #tpu.memory_space<vmem>>) dst(%dma_wait3A_75 : memref<10240x128xf32, #tpu.memory_space<vmem_shared>>)
    }
    %scan3A_33 = arith.constant 2 : i32
    %barrier3A_34 = arith.constant 0 : index
    tpu.barrier barrier_id(%barrier3A_34)
    %mul3A_35 = arith.constant 640 : i32
    %mul3A_36 = arith.muli %arg1, %mul3A_35 : i32
    %mul3A_37 = arith.constant 640 : i32
    %mul3A_38 = arith.muli %arg1, %mul3A_37 : i32
    "tpu.region"() ({
      %run_scoped3A = tpu.sem_alloc : memref<!tpu.dma_semaphore, #tpu.memory_space<semaphore_mem>>
      %dma_start3A = arith.constant 0 : i32
      %dma_start3A_39 = tpu.memref_slice %arg4[%arg0, %mul3A_38, %dma_start3A] : memref<2x10240x128xf32, #tpu.memory_space<hbm>> -> memref<1x640x128xf32, #tpu.memory_space<hbm>>
      %dma_start3A_40 = tpu.memref_squeeze %dma_start3A_39 : memref<1x640x128xf32, #tpu.memory_space<hbm>> -> memref<640x128xf32, #tpu.memory_space<hbm>>
      %dma_start3A_41 = arith.constant 0 : i32
      %dma_start3A_42 = tpu.memref_slice %arg5[%mul3A_36, %dma_start3A_41] : memref<10240x128xf32, #tpu.memory_space<vmem_shared>> -> memref<640x128xf32, #tpu.memory_space<vmem_shared>>
      tpu.enqueue_dma source(%dma_start3A_42 : memref<640x128xf32, #tpu.memory_space<vmem_shared>>) target(%dma_start3A_40 : memref<640x128xf32, #tpu.memory_space<hbm>>) target_semaphore(%run_scoped3A : memref<!tpu.dma_semaphore, #tpu.memory_space<semaphore_mem>>)
      %dma_wait3A = arith.constant 0 : i32
      %dma_wait3A_43 = tpu.memref_slice %arg4[%arg0, %mul3A_38, %dma_wait3A] : memref<2x10240x128xf32, #tpu.memory_space<hbm>> -> memref<1x640x128xf32, #tpu.memory_space<hbm>>
      %dma_wait3A_44 = tpu.memref_squeeze %dma_wait3A_43 : memref<1x640x128xf32, #tpu.memory_space<hbm>> -> memref<640x128xf32, #tpu.memory_space<hbm>>
      %dma_wait3A_45 = arith.constant 0 : i32
      %dma_wait3A_46 = tpu.memref_slice %arg5[%mul3A_36, %dma_wait3A_45] : memref<10240x128xf32, #tpu.memory_space<vmem_shared>> -> memref<640x128xf32, #tpu.memory_space<vmem_shared>>
      tpu.wait_dma2 semaphore(%run_scoped3A : memref<!tpu.dma_semaphore, #tpu.memory_space<semaphore_mem>>) src(%dma_wait3A_46 : memref<640x128xf32, #tpu.memory_space<vmem_shared>>) dst(%dma_wait3A_44 : memref<640x128xf32, #tpu.memory_space<hbm>>)
      tpu.yield
    }) : () -> ()
    return
  }
}

#map = affine_map<(d0, d1) -> (0, 0, 0)>
#map1 = affine_map<(d0, d1) -> (0, 0, 0, 0)>
module attributes {stable_mosaic.version = 14 : i64} {
  func.func @_prop_c_body(%arg0: i32, %arg1: i32, %arg2: memref<2x10640x128xf32, #tpu.memory_space<hbm>>, %arg3: memref<2x2560x128xi32, #tpu.memory_space<hbm>>, %arg4: memref<2x2x10240x128xf32, #tpu.memory_space<hbm>>, %arg5: memref<10240x128xf32, #tpu.memory_space<vmem_shared>>, %arg6: memref<40x128xi32, #tpu.memory_space<vmem>>, %arg7: memref<40x128xi32, #tpu.memory_space<vmem>>, %arg8: memref<128x128xf32, #tpu.memory_space<vmem>>, %arg9: memref<128x128xf32, #tpu.memory_space<vmem>>, %arg10: memref<!tpu.dma_semaphore, #tpu.memory_space<semaphore_mem>>, %arg11: memref<!tpu.dma_semaphore, #tpu.memory_space<semaphore_mem>>, %arg12: memref<!tpu.dma_semaphore, #tpu.memory_space<semaphore_mem>>, %arg13: memref<!tpu.dma_semaphore, #tpu.memory_space<semaphore_mem>>) attributes {dimension_semantics = [#tpu.dimension_semantics<core_parallel>, #tpu.dimension_semantics<subcore_parallel>], iteration_bounds = array<i64: 2, 16>, scalar_prefetch = 0 : i64, scratch_operands = 9 : i64, tpu.core_type = #tpu.core_type<sc_vector_subcore>, window_params = [{transform_indices = #map}, {transform_indices = #map}, {transform_indices = #map1}]} {
    %scan3A = arith.constant 0 : i32
    %scan3A_0 = arith.constant 0 : i32
    %scan3A_1 = arith.constant 128 : i32
    %scan3A_2 = arith.addi %scan3A_0, %scan3A_1 : i32
    %scan3A_3 = arith.constant 1 : i32
    scf.for %scan3A_85 = %scan3A_0 to %scan3A_2 step %scan3A_3  : i32 {
      %broadcast_in_dim3A = arith.constant 0.000000e+00 : f32
      %broadcast_in_dim3A_86 = vector.broadcast %broadcast_in_dim3A : f32 to vector<16xf32>
      %swap3A = arith.index_cast %scan3A_85 : i32 to index
      %swap3A_87 = arith.constant 0 : index
      %swap3A_88 = tpu.vector_load %arg8[%swap3A, %swap3A_87] {strides = array<i32>} : memref<128x128xf32, #tpu.memory_space<vmem>>, vector<1x16xf32>,
      %swap3A_89 = vector.shape_cast %swap3A_88 : vector<1x16xf32> to vector<16xf32>
      %swap3A_90 = vector.shape_cast %broadcast_in_dim3A_86 : vector<16xf32> to vector<1x16xf32>
      tpu.vector_store %arg8[%swap3A, %swap3A_87], %swap3A_90 {strides = array<i32>} : memref<128x128xf32, #tpu.memory_space<vmem>>, vector<1x16xf32>,
      %broadcast_in_dim3A_91 = arith.constant 0.000000e+00 : f32
      %broadcast_in_dim3A_92 = vector.broadcast %broadcast_in_dim3A_91 : f32 to vector<16xf32>
      %swap3A_93 = arith.index_cast %scan3A_85 : i32 to index
      %swap3A_94 = arith.constant 16 : index
      %swap3A_95 = tpu.vector_load %arg8[%swap3A_93, %swap3A_94] {strides = array<i32>} : memref<128x128xf32, #tpu.memory_space<vmem>>, vector<1x16xf32>,
      %swap3A_96 = vector.shape_cast %swap3A_95 : vector<1x16xf32> to vector<16xf32>
      %swap3A_97 = vector.shape_cast %broadcast_in_dim3A_92 : vector<16xf32> to vector<1x16xf32>
      tpu.vector_store %arg8[%swap3A_93, %swap3A_94], %swap3A_97 {strides = array<i32>} : memref<128x128xf32, #tpu.memory_space<vmem>>, vector<1x16xf32>,
      %broadcast_in_dim3A_98 = arith.constant 0.000000e+00 : f32
      %broadcast_in_dim3A_99 = vector.broadcast %broadcast_in_dim3A_98 : f32 to vector<16xf32>
      %swap3A_100 = arith.index_cast %scan3A_85 : i32 to index
      %swap3A_101 = arith.constant 32 : index
      %swap3A_102 = tpu.vector_load %arg8[%swap3A_100, %swap3A_101] {strides = array<i32>} : memref<128x128xf32, #tpu.memory_space<vmem>>, vector<1x16xf32>,
      %swap3A_103 = vector.shape_cast %swap3A_102 : vector<1x16xf32> to vector<16xf32>
      %swap3A_104 = vector.shape_cast %broadcast_in_dim3A_99 : vector<16xf32> to vector<1x16xf32>
      tpu.vector_store %arg8[%swap3A_100, %swap3A_101], %swap3A_104 {strides = array<i32>} : memref<128x128xf32, #tpu.memory_space<vmem>>, vector<1x16xf32>,
      %broadcast_in_dim3A_105 = arith.constant 0.000000e+00 : f32
      %broadcast_in_dim3A_106 = vector.broadcast %broadcast_in_dim3A_105 : f32 to vector<16xf32>
      %swap3A_107 = arith.index_cast %scan3A_85 : i32 to index
      %swap3A_108 = arith.constant 48 : index
      %swap3A_109 = tpu.vector_load %arg8[%swap3A_107, %swap3A_108] {strides = array<i32>} : memref<128x128xf32, #tpu.memory_space<vmem>>, vector<1x16xf32>,
      %swap3A_110 = vector.shape_cast %swap3A_109 : vector<1x16xf32> to vector<16xf32>
      %swap3A_111 = vector.shape_cast %broadcast_in_dim3A_106 : vector<16xf32> to vector<1x16xf32>
      tpu.vector_store %arg8[%swap3A_107, %swap3A_108], %swap3A_111 {strides = array<i32>} : memref<128x128xf32, #tpu.memory_space<vmem>>, vector<1x16xf32>,
      %broadcast_in_dim3A_112 = arith.constant 0.000000e+00 : f32
      %broadcast_in_dim3A_113 = vector.broadcast %broadcast_in_dim3A_112 : f32 to vector<16xf32>
      %swap3A_114 = arith.index_cast %scan3A_85 : i32 to index
      %swap3A_115 = arith.constant 64 : index
      %swap3A_116 = tpu.vector_load %arg8[%swap3A_114, %swap3A_115] {strides = array<i32>} : memref<128x128xf32, #tpu.memory_space<vmem>>, vector<1x16xf32>,
      %swap3A_117 = vector.shape_cast %swap3A_116 : vector<1x16xf32> to vector<16xf32>
      %swap3A_118 = vector.shape_cast %broadcast_in_dim3A_113 : vector<16xf32> to vector<1x16xf32>
      tpu.vector_store %arg8[%swap3A_114, %swap3A_115], %swap3A_118 {strides = array<i32>} : memref<128x128xf32, #tpu.memory_space<vmem>>, vector<1x16xf32>,
      %broadcast_in_dim3A_119 = arith.constant 0.000000e+00 : f32
      %broadcast_in_dim3A_120 = vector.broadcast %broadcast_in_dim3A_119 : f32 to vector<16xf32>
      %swap3A_121 = arith.index_cast %scan3A_85 : i32 to index
      %swap3A_122 = arith.constant 80 : index
      %swap3A_123 = tpu.vector_load %arg8[%swap3A_121, %swap3A_122] {strides = array<i32>} : memref<128x128xf32, #tpu.memory_space<vmem>>, vector<1x16xf32>,
      %swap3A_124 = vector.shape_cast %swap3A_123 : vector<1x16xf32> to vector<16xf32>
      %swap3A_125 = vector.shape_cast %broadcast_in_dim3A_120 : vector<16xf32> to vector<1x16xf32>
      tpu.vector_store %arg8[%swap3A_121, %swap3A_122], %swap3A_125 {strides = array<i32>} : memref<128x128xf32, #tpu.memory_space<vmem>>, vector<1x16xf32>,
      %broadcast_in_dim3A_126 = arith.constant 0.000000e+00 : f32
      %broadcast_in_dim3A_127 = vector.broadcast %broadcast_in_dim3A_126 : f32 to vector<16xf32>
      %swap3A_128 = arith.index_cast %scan3A_85 : i32 to index
      %swap3A_129 = arith.constant 96 : index
      %swap3A_130 = tpu.vector_load %arg8[%swap3A_128, %swap3A_129] {strides = array<i32>} : memref<128x128xf32, #tpu.memory_space<vmem>>, vector<1x16xf32>,
      %swap3A_131 = vector.shape_cast %swap3A_130 : vector<1x16xf32> to vector<16xf32>
      %swap3A_132 = vector.shape_cast %broadcast_in_dim3A_127 : vector<16xf32> to vector<1x16xf32>
      tpu.vector_store %arg8[%swap3A_128, %swap3A_129], %swap3A_132 {strides = array<i32>} : memref<128x128xf32, #tpu.memory_space<vmem>>, vector<1x16xf32>,
      %broadcast_in_dim3A_133 = arith.constant 0.000000e+00 : f32
      %broadcast_in_dim3A_134 = vector.broadcast %broadcast_in_dim3A_133 : f32 to vector<16xf32>
      %swap3A_135 = arith.index_cast %scan3A_85 : i32 to index
      %swap3A_136 = arith.constant 112 : index
      %swap3A_137 = tpu.vector_load %arg8[%swap3A_135, %swap3A_136] {strides = array<i32>} : memref<128x128xf32, #tpu.memory_space<vmem>>, vector<1x16xf32>,
      %swap3A_138 = vector.shape_cast %swap3A_137 : vector<1x16xf32> to vector<16xf32>
      %swap3A_139 = vector.shape_cast %broadcast_in_dim3A_134 : vector<16xf32> to vector<1x16xf32>
      tpu.vector_store %arg8[%swap3A_135, %swap3A_136], %swap3A_139 {strides = array<i32>} : memref<128x128xf32, #tpu.memory_space<vmem>>, vector<1x16xf32>,
    }
    %scan3A_4 = arith.constant 128 : i32
    %mul3A = arith.constant 640 : i32
    %mul3A_5 = arith.muli %arg1, %mul3A : i32
    %add3A = arith.constant 0 : i32
    %add3A_6 = arith.addi %mul3A_5, %add3A : i32
    "tpu.region"() ({
      %run_scoped3A_85 = tpu.sem_alloc : memref<!tpu.dma_semaphore, #tpu.memory_space<semaphore_mem>>
      %dma_start3A = arith.constant 0 : i32
      %dma_start3A_86 = tpu.memref_slice %arg5[%add3A_6, %dma_start3A] : memref<10240x128xf32, #tpu.memory_space<vmem_shared>> -> memref<128x128xf32, #tpu.memory_space<vmem_shared>>
      %dma_start3A_87 = arith.constant 0 : i32
      %dma_start3A_88 = tpu.memref_slice %arg5[%add3A_6, %dma_start3A_87] : memref<10240x128xf32, #tpu.memory_space<vmem_shared>> -> memref<128x128xf32, #tpu.memory_space<vmem_shared>>
      tpu.enqueue_dma source(%arg8 : memref<128x128xf32, #tpu.memory_space<vmem>>) target(%dma_start3A_88 : memref<128x128xf32, #tpu.memory_space<vmem_shared>>) target_semaphore(%run_scoped3A_85 : memref<!tpu.dma_semaphore, #tpu.memory_space<semaphore_mem>>)
      %dma_wait3A = arith.constant 0 : i32
      %dma_wait3A_89 = tpu.memref_slice %arg5[%add3A_6, %dma_wait3A] : memref<10240x128xf32, #tpu.memory_space<vmem_shared>> -> memref<128x128xf32, #tpu.memory_space<vmem_shared>>
      %dma_wait3A_90 = arith.constant 0 : i32
      %dma_wait3A_91 = tpu.memref_slice %arg5[%add3A_6, %dma_wait3A_90] : memref<10240x128xf32, #tpu.memory_space<vmem_shared>> -> memref<128x128xf32, #tpu.memory_space<vmem_shared>>
      tpu.wait_dma2 semaphore(%run_scoped3A_85 : memref<!tpu.dma_semaphore, #tpu.memory_space<semaphore_mem>>) src(%arg8 : memref<128x128xf32, #tpu.memory_space<vmem>>) dst(%dma_wait3A_91 : memref<128x128xf32, #tpu.memory_space<vmem_shared>>)
      tpu.yield
    }) : () -> ()
    %mul3A_7 = arith.constant 640 : i32
    %mul3A_8 = arith.muli %arg1, %mul3A_7 : i32
    %add3A_9 = arith.constant 128 : i32
    %add3A_10 = arith.addi %mul3A_8, %add3A_9 : i32
    "tpu.region"() ({
      %run_scoped3A_85 = tpu.sem_alloc : memref<!tpu.dma_semaphore, #tpu.memory_space<semaphore_mem>>
      %dma_start3A = arith.constant 0 : i32
      %dma_start3A_86 = tpu.memref_slice %arg5[%add3A_10, %dma_start3A] : memref<10240x128xf32, #tpu.memory_space<vmem_shared>> -> memref<128x128xf32, #tpu.memory_space<vmem_shared>>
      %dma_start3A_87 = arith.constant 0 : i32
      %dma_start3A_88 = tpu.memref_slice %arg5[%add3A_10, %dma_start3A_87] : memref<10240x128xf32, #tpu.memory_space<vmem_shared>> -> memref<128x128xf32, #tpu.memory_space<vmem_shared>>
      tpu.enqueue_dma source(%arg8 : memref<128x128xf32, #tpu.memory_space<vmem>>) target(%dma_start3A_88 : memref<128x128xf32, #tpu.memory_space<vmem_shared>>) target_semaphore(%run_scoped3A_85 : memref<!tpu.dma_semaphore, #tpu.memory_space<semaphore_mem>>)
      %dma_wait3A = arith.constant 0 : i32
      %dma_wait3A_89 = tpu.memref_slice %arg5[%add3A_10, %dma_wait3A] : memref<10240x128xf32, #tpu.memory_space<vmem_shared>> -> memref<128x128xf32, #tpu.memory_space<vmem_shared>>
      %dma_wait3A_90 = arith.constant 0 : i32
      %dma_wait3A_91 = tpu.memref_slice %arg5[%add3A_10, %dma_wait3A_90] : memref<10240x128xf32, #tpu.memory_space<vmem_shared>> -> memref<128x128xf32, #tpu.memory_space<vmem_shared>>
      tpu.wait_dma2 semaphore(%run_scoped3A_85 : memref<!tpu.dma_semaphore, #tpu.memory_space<semaphore_mem>>) src(%arg8 : memref<128x128xf32, #tpu.memory_space<vmem>>) dst(%dma_wait3A_91 : memref<128x128xf32, #tpu.memory_space<vmem_shared>>)
      tpu.yield
    }) : () -> ()
    %mul3A_11 = arith.constant 640 : i32
    %mul3A_12 = arith.muli %arg1, %mul3A_11 : i32
    %add3A_13 = arith.constant 256 : i32
    %add3A_14 = arith.addi %mul3A_12, %add3A_13 : i32
    "tpu.region"() ({
      %run_scoped3A_85 = tpu.sem_alloc : memref<!tpu.dma_semaphore, #tpu.memory_space<semaphore_mem>>
      %dma_start3A = arith.constant 0 : i32
      %dma_start3A_86 = tpu.memref_slice %arg5[%add3A_14, %dma_start3A] : memref<10240x128xf32, #tpu.memory_space<vmem_shared>> -> memref<128x128xf32, #tpu.memory_space<vmem_shared>>
      %dma_start3A_87 = arith.constant 0 : i32
      %dma_start3A_88 = tpu.memref_slice %arg5[%add3A_14, %dma_start3A_87] : memref<10240x128xf32, #tpu.memory_space<vmem_shared>> -> memref<128x128xf32, #tpu.memory_space<vmem_shared>>
      tpu.enqueue_dma source(%arg8 : memref<128x128xf32, #tpu.memory_space<vmem>>) target(%dma_start3A_88 : memref<128x128xf32, #tpu.memory_space<vmem_shared>>) target_semaphore(%run_scoped3A_85 : memref<!tpu.dma_semaphore, #tpu.memory_space<semaphore_mem>>)
      %dma_wait3A = arith.constant 0 : i32
      %dma_wait3A_89 = tpu.memref_slice %arg5[%add3A_14, %dma_wait3A] : memref<10240x128xf32, #tpu.memory_space<vmem_shared>> -> memref<128x128xf32, #tpu.memory_space<vmem_shared>>
      %dma_wait3A_90 = arith.constant 0 : i32
      %dma_wait3A_91 = tpu.memref_slice %arg5[%add3A_14, %dma_wait3A_90] : memref<10240x128xf32, #tpu.memory_space<vmem_shared>> -> memref<128x128xf32, #tpu.memory_space<vmem_shared>>
      tpu.wait_dma2 semaphore(%run_scoped3A_85 : memref<!tpu.dma_semaphore, #tpu.memory_space<semaphore_mem>>) src(%arg8 : memref<128x128xf32, #tpu.memory_space<vmem>>) dst(%dma_wait3A_91 : memref<128x128xf32, #tpu.memory_space<vmem_shared>>)
      tpu.yield
    }) : () -> ()
    %mul3A_15 = arith.constant 640 : i32
    %mul3A_16 = arith.muli %arg1, %mul3A_15 : i32
    %add3A_17 = arith.constant 384 : i32
    %add3A_18 = arith.addi %mul3A_16, %add3A_17 : i32
    "tpu.region"() ({
      %run_scoped3A_85 = tpu.sem_alloc : memref<!tpu.dma_semaphore, #tpu.memory_space<semaphore_mem>>
      %dma_start3A = arith.constant 0 : i32
      %dma_start3A_86 = tpu.memref_slice %arg5[%add3A_18, %dma_start3A] : memref<10240x128xf32, #tpu.memory_space<vmem_shared>> -> memref<128x128xf32, #tpu.memory_space<vmem_shared>>
      %dma_start3A_87 = arith.constant 0 : i32
      %dma_start3A_88 = tpu.memref_slice %arg5[%add3A_18, %dma_start3A_87] : memref<10240x128xf32, #tpu.memory_space<vmem_shared>> -> memref<128x128xf32, #tpu.memory_space<vmem_shared>>
      tpu.enqueue_dma source(%arg8 : memref<128x128xf32, #tpu.memory_space<vmem>>) target(%dma_start3A_88 : memref<128x128xf32, #tpu.memory_space<vmem_shared>>) target_semaphore(%run_scoped3A_85 : memref<!tpu.dma_semaphore, #tpu.memory_space<semaphore_mem>>)
      %dma_wait3A = arith.constant 0 : i32
      %dma_wait3A_89 = tpu.memref_slice %arg5[%add3A_18, %dma_wait3A] : memref<10240x128xf32, #tpu.memory_space<vmem_shared>> -> memref<128x128xf32, #tpu.memory_space<vmem_shared>>
      %dma_wait3A_90 = arith.constant 0 : i32
      %dma_wait3A_91 = tpu.memref_slice %arg5[%add3A_18, %dma_wait3A_90] : memref<10240x128xf32, #tpu.memory_space<vmem_shared>> -> memref<128x128xf32, #tpu.memory_space<vmem_shared>>
      tpu.wait_dma2 semaphore(%run_scoped3A_85 : memref<!tpu.dma_semaphore, #tpu.memory_space<semaphore_mem>>) src(%arg8 : memref<128x128xf32, #tpu.memory_space<vmem>>) dst(%dma_wait3A_91 : memref<128x128xf32, #tpu.memory_space<vmem_shared>>)
      tpu.yield
    }) : () -> ()
    %mul3A_19 = arith.constant 640 : i32
    %mul3A_20 = arith.muli %arg1, %mul3A_19 : i32
    %add3A_21 = arith.constant 512 : i32
    %add3A_22 = arith.addi %mul3A_20, %add3A_21 : i32
    "tpu.region"() ({
      %run_scoped3A_85 = tpu.sem_alloc : memref<!tpu.dma_semaphore, #tpu.memory_space<semaphore_mem>>
      %dma_start3A = arith.constant 0 : i32
      %dma_start3A_86 = tpu.memref_slice %arg5[%add3A_22, %dma_start3A] : memref<10240x128xf32, #tpu.memory_space<vmem_shared>> -> memref<128x128xf32, #tpu.memory_space<vmem_shared>>
      %dma_start3A_87 = arith.constant 0 : i32
      %dma_start3A_88 = tpu.memref_slice %arg5[%add3A_22, %dma_start3A_87] : memref<10240x128xf32, #tpu.memory_space<vmem_shared>> -> memref<128x128xf32, #tpu.memory_space<vmem_shared>>
      tpu.enqueue_dma source(%arg8 : memref<128x128xf32, #tpu.memory_space<vmem>>) target(%dma_start3A_88 : memref<128x128xf32, #tpu.memory_space<vmem_shared>>) target_semaphore(%run_scoped3A_85 : memref<!tpu.dma_semaphore, #tpu.memory_space<semaphore_mem>>)
      %dma_wait3A = arith.constant 0 : i32
      %dma_wait3A_89 = tpu.memref_slice %arg5[%add3A_22, %dma_wait3A] : memref<10240x128xf32, #tpu.memory_space<vmem_shared>> -> memref<128x128xf32, #tpu.memory_space<vmem_shared>>
      %dma_wait3A_90 = arith.constant 0 : i32
      %dma_wait3A_91 = tpu.memref_slice %arg5[%add3A_22, %dma_wait3A_90] : memref<10240x128xf32, #tpu.memory_space<vmem_shared>> -> memref<128x128xf32, #tpu.memory_space<vmem_shared>>
      tpu.wait_dma2 semaphore(%run_scoped3A_85 : memref<!tpu.dma_semaphore, #tpu.memory_space<semaphore_mem>>) src(%arg8 : memref<128x128xf32, #tpu.memory_space<vmem>>) dst(%dma_wait3A_91 : memref<128x128xf32, #tpu.memory_space<vmem_shared>>)
      tpu.yield
    }) : () -> ()
    %barrier3A = arith.constant 0 : index
    tpu.barrier barrier_id(%barrier3A)
    %mul3A_23 = arith.constant 16 : i32
    %mul3A_24 = arith.muli %arg0, %mul3A_23 : i32
    %add3A_25 = arith.addi %mul3A_24, %arg1 : i32
    %mul3A_26 = arith.constant 80 : i32
    %mul3A_27 = arith.muli %add3A_25, %mul3A_26 : i32
    %scan3A_28 = arith.constant 0 : i32
    %scan3A_29 = arith.constant 0 : i32
    %scan3A_30 = arith.constant 0 : i32
    %scan3A_31 = arith.constant 2 : i32
    %scan3A_32 = arith.addi %scan3A_30, %scan3A_31 : i32
    %scan3A_33 = arith.constant 1 : i32
    scf.for %scan3A_85 = %scan3A_30 to %scan3A_32 step %scan3A_33  : i32 {
      %mul3A_86 = arith.constant 40 : i32
      %mul3A_87 = arith.muli %scan3A_85, %mul3A_86 : i32
      %add3A_88 = arith.addi %mul3A_27, %mul3A_87 : i32
      %run_scoped3A_89 = arith.constant 0 : i32
      "tpu.region"() ({
        %run_scoped3A_131 = tpu.sem_alloc : memref<!tpu.dma_semaphore, #tpu.memory_space<semaphore_mem>>
        %dma_start3A_132 = arith.constant 0 : i32
        %dma_start3A_133 = tpu.memref_slice %arg3[%run_scoped3A_89, %add3A_88, %dma_start3A_132] : memref<2x2560x128xi32, #tpu.memory_space<hbm>> -> memref<1x40x128xi32, #tpu.memory_space<hbm>>
        %dma_start3A_134 = tpu.memref_squeeze %dma_start3A_133 : memref<1x40x128xi32, #tpu.memory_space<hbm>> -> memref<40x128xi32, #tpu.memory_space<hbm>>
        %dma_start3A_135 = arith.constant 0 : i32
        %dma_start3A_136 = tpu.memref_slice %arg3[%run_scoped3A_89, %add3A_88, %dma_start3A_135] : memref<2x2560x128xi32, #tpu.memory_space<hbm>> -> memref<1x40x128xi32, #tpu.memory_space<hbm>>
        %dma_start3A_137 = tpu.memref_squeeze %dma_start3A_136 : memref<1x40x128xi32, #tpu.memory_space<hbm>> -> memref<40x128xi32, #tpu.memory_space<hbm>>
        tpu.enqueue_dma source(%dma_start3A_137 : memref<40x128xi32, #tpu.memory_space<hbm>>) target(%arg6 : memref<40x128xi32, #tpu.memory_space<vmem>>) target_semaphore(%run_scoped3A_131 : memref<!tpu.dma_semaphore, #tpu.memory_space<semaphore_mem>>)
        %dma_wait3A_138 = arith.constant 0 : i32
        %dma_wait3A_139 = tpu.memref_slice %arg3[%run_scoped3A_89, %add3A_88, %dma_wait3A_138] : memref<2x2560x128xi32, #tpu.memory_space<hbm>> -> memref<1x40x128xi32, #tpu.memory_space<hbm>>
        %dma_wait3A_140 = tpu.memref_squeeze %dma_wait3A_139 : memref<1x40x128xi32, #tpu.memory_space<hbm>> -> memref<40x128xi32, #tpu.memory_space<hbm>>
        %dma_wait3A_141 = arith.constant 0 : i32
        %dma_wait3A_142 = tpu.memref_slice %arg3[%run_scoped3A_89, %add3A_88, %dma_wait3A_141] : memref<2x2560x128xi32, #tpu.memory_space<hbm>> -> memref<1x40x128xi32, #tpu.memory_space<hbm>>
        %dma_wait3A_143 = tpu.memref_squeeze %dma_wait3A_142 : memref<1x40x128xi32, #tpu.memory_space<hbm>> -> memref<40x128xi32, #tpu.memory_space<hbm>>
        tpu.wait_dma2 semaphore(%run_scoped3A_131 : memref<!tpu.dma_semaphore, #tpu.memory_space<semaphore_mem>>) src(%dma_wait3A_143 : memref<40x128xi32, #tpu.memory_space<hbm>>) dst(%arg6 : memref<40x128xi32, #tpu.memory_space<vmem>>)
        tpu.yield
      }) : () -> ()
      %run_scoped3A_90 = arith.constant 1 : i32
      "tpu.region"() ({
        %run_scoped3A_131 = tpu.sem_alloc : memref<!tpu.dma_semaphore, #tpu.memory_space<semaphore_mem>>
        %dma_start3A_132 = arith.constant 0 : i32
        %dma_start3A_133 = tpu.memref_slice %arg3[%run_scoped3A_90, %add3A_88, %dma_start3A_132] : memref<2x2560x128xi32, #tpu.memory_space<hbm>> -> memref<1x40x128xi32, #tpu.memory_space<hbm>>
        %dma_start3A_134 = tpu.memref_squeeze %dma_start3A_133 : memref<1x40x128xi32, #tpu.memory_space<hbm>> -> memref<40x128xi32, #tpu.memory_space<hbm>>
        %dma_start3A_135 = arith.constant 0 : i32
        %dma_start3A_136 = tpu.memref_slice %arg3[%run_scoped3A_90, %add3A_88, %dma_start3A_135] : memref<2x2560x128xi32, #tpu.memory_space<hbm>> -> memref<1x40x128xi32, #tpu.memory_space<hbm>>
        %dma_start3A_137 = tpu.memref_squeeze %dma_start3A_136 : memref<1x40x128xi32, #tpu.memory_space<hbm>> -> memref<40x128xi32, #tpu.memory_space<hbm>>
        tpu.enqueue_dma source(%dma_start3A_137 : memref<40x128xi32, #tpu.memory_space<hbm>>) target(%arg7 : memref<40x128xi32, #tpu.memory_space<vmem>>) target_semaphore(%run_scoped3A_131 : memref<!tpu.dma_semaphore, #tpu.memory_space<semaphore_mem>>)
        %dma_wait3A_138 = arith.constant 0 : i32
        %dma_wait3A_139 = tpu.memref_slice %arg3[%run_scoped3A_90, %add3A_88, %dma_wait3A_138] : memref<2x2560x128xi32, #tpu.memory_space<hbm>> -> memref<1x40x128xi32, #tpu.memory_space<hbm>>
        %dma_wait3A_140 = tpu.memref_squeeze %dma_wait3A_139 : memref<1x40x128xi32, #tpu.memory_space<hbm>> -> memref<40x128xi32, #tpu.memory_space<hbm>>
        %dma_wait3A_141 = arith.constant 0 : i32
        %dma_wait3A_142 = tpu.memref_slice %arg3[%run_scoped3A_90, %add3A_88, %dma_wait3A_141] : memref<2x2560x128xi32, #tpu.memory_space<hbm>> -> memref<1x40x128xi32, #tpu.memory_space<hbm>>
        %dma_wait3A_143 = tpu.memref_squeeze %dma_wait3A_142 : memref<1x40x128xi32, #tpu.memory_space<hbm>> -> memref<40x128xi32, #tpu.memory_space<hbm>>
        tpu.wait_dma2 semaphore(%run_scoped3A_131 : memref<!tpu.dma_semaphore, #tpu.memory_space<semaphore_mem>>) src(%dma_wait3A_143 : memref<40x128xi32, #tpu.memory_space<hbm>>) dst(%arg7 : memref<40x128xi32, #tpu.memory_space<vmem>>)
        tpu.yield
      }) : () -> ()
      %dma_start3A = arith.constant 0 : i32
      %dma_start3A_91 = arith.constant 0 : i32
      %dma_start3A_92 = tpu.memref_slice %arg6[%dma_start3A, %dma_start3A_91] : memref<40x128xi32, #tpu.memory_space<vmem>> -> memref<1x128xi32, #tpu.memory_space<vmem>>
      %dma_start3A_93 = tpu.memref_squeeze %dma_start3A_92 : memref<1x128xi32, #tpu.memory_space<vmem>> -> memref<128xi32, #tpu.memory_space<vmem>>
      %dma_start3A_94 = arith.constant 0 : i32
      %dma_start3A_95 = arith.constant 0 : i32
      %dma_start3A_96 = tpu.memref_slice %arg2[%scan3A_29, %dma_start3A_94, %dma_start3A_95] : memref<2x10640x128xf32, #tpu.memory_space<hbm>> -> memref<1x10640x128xf32, #tpu.memory_space<hbm>>
      %dma_start3A_97 = tpu.memref_squeeze %dma_start3A_96 : memref<1x10640x128xf32, #tpu.memory_space<hbm>> -> memref<10640x128xf32, #tpu.memory_space<hbm>>
      %dma_start3A_98 = arith.constant 0 : i32
      %dma_start3A_99 = arith.constant 0 : i32
      %dma_start3A_100 = tpu.memref_slice %dma_start3A_97[%dma_start3A_98, %dma_start3A_99] : memref<10640x128xf32, #tpu.memory_space<hbm>> -> memref<10640x128xf32, #tpu.memory_space<hbm>>
      tpu.enqueue_indirect_dma source(%dma_start3A_100 : memref<10640x128xf32, #tpu.memory_space<hbm>>) target(%arg8 : memref<128x128xf32, #tpu.memory_space<vmem>>) offsets(%dma_start3A_93 : memref<128xi32, #tpu.memory_space<vmem>>) semaphore(%arg10 : memref<!tpu.dma_semaphore, #tpu.memory_space<semaphore_mem>>)
      %dma_start3A_101 = arith.constant 1 : i32
      %dma_start3A_102 = arith.constant 0 : i32
      %dma_start3A_103 = tpu.memref_slice %arg6[%dma_start3A_101, %dma_start3A_102] : memref<40x128xi32, #tpu.memory_space<vmem>> -> memref<1x128xi32, #tpu.memory_space<vmem>>
      %dma_start3A_104 = tpu.memref_squeeze %dma_start3A_103 : memref<1x128xi32, #tpu.memory_space<vmem>> -> memref<128xi32, #tpu.memory_space<vmem>>
      %dma_start3A_105 = arith.constant 0 : i32
      %dma_start3A_106 = arith.constant 0 : i32
      %dma_start3A_107 = tpu.memref_slice %arg2[%scan3A_29, %dma_start3A_105, %dma_start3A_106] : memref<2x10640x128xf32, #tpu.memory_space<hbm>> -> memref<1x10640x128xf32, #tpu.memory_space<hbm>>
      %dma_start3A_108 = tpu.memref_squeeze %dma_start3A_107 : memref<1x10640x128xf32, #tpu.memory_space<hbm>> -> memref<10640x128xf32, #tpu.memory_space<hbm>>
      %dma_start3A_109 = arith.constant 0 : i32
      %dma_start3A_110 = arith.constant 0 : i32
      %dma_start3A_111 = tpu.memref_slice %dma_start3A_108[%dma_start3A_109, %dma_start3A_110] : memref<10640x128xf32, #tpu.memory_space<hbm>> -> memref<10640x128xf32, #tpu.memory_space<hbm>>
      tpu.enqueue_indirect_dma source(%dma_start3A_111 : memref<10640x128xf32, #tpu.memory_space<hbm>>) target(%arg9 : memref<128x128xf32, #tpu.memory_space<vmem>>) offsets(%dma_start3A_104 : memref<128xi32, #tpu.memory_space<vmem>>) semaphore(%arg11 : memref<!tpu.dma_semaphore, #tpu.memory_space<semaphore_mem>>)
      %scan3A_112 = arith.constant 0 : i32
      %scan3A_113 = arith.constant 0 : i32
      %scan3A_114 = arith.constant 20 : i32
      %scan3A_115 = arith.addi %scan3A_113, %scan3A_114 : i32
      %scan3A_116 = arith.constant 1 : i32
      scf.for %scan3A_131 = %scan3A_113 to %scan3A_115 step %scan3A_116  : i32 {
        %mul3A_132 = arith.constant 2 : i32
        %mul3A_133 = arith.muli %scan3A_131, %mul3A_132 : i32
        %add3A_134 = arith.constant 0 : i32
        %add3A_135 = arith.addi %mul3A_133, %add3A_134 : i32
        %dma_wait3A_136 = arith.constant 0 : i32
        %dma_wait3A_137 = tpu.memref_slice %arg6[%add3A_135, %dma_wait3A_136] : memref<40x128xi32, #tpu.memory_space<vmem>> -> memref<1x128xi32, #tpu.memory_space<vmem>>
        %dma_wait3A_138 = tpu.memref_squeeze %dma_wait3A_137 : memref<1x128xi32, #tpu.memory_space<vmem>> -> memref<128xi32, #tpu.memory_space<vmem>>
        %dma_wait3A_139 = arith.constant 0 : i32
        %dma_wait3A_140 = arith.constant 0 : i32
        %dma_wait3A_141 = tpu.memref_slice %arg2[%scan3A_29, %dma_wait3A_139, %dma_wait3A_140] : memref<2x10640x128xf32, #tpu.memory_space<hbm>> -> memref<1x10640x128xf32, #tpu.memory_space<hbm>>
        %dma_wait3A_142 = tpu.memref_squeeze %dma_wait3A_141 : memref<1x10640x128xf32, #tpu.memory_space<hbm>> -> memref<10640x128xf32, #tpu.memory_space<hbm>>
        %dma_wait3A_143 = arith.constant 0 : i32
        %dma_wait3A_144 = arith.constant 0 : i32
        %dma_wait3A_145 = tpu.memref_slice %dma_wait3A_142[%dma_wait3A_143, %dma_wait3A_144] : memref<10640x128xf32, #tpu.memory_space<hbm>> -> memref<10640x128xf32, #tpu.memory_space<hbm>>
        tpu.wait_indirect_dma semaphore(%arg10 : memref<!tpu.dma_semaphore, #tpu.memory_space<semaphore_mem>>) src(%dma_wait3A_145 : memref<10640x128xf32, #tpu.memory_space<hbm>>) dst(%arg8 : memref<128x128xf32, #tpu.memory_space<vmem>>)
        %dma_start3A_146 = arith.constant 0 : i32
        %dma_start3A_147 = tpu.memref_slice %arg7[%add3A_135, %dma_start3A_146] : memref<40x128xi32, #tpu.memory_space<vmem>> -> memref<1x128xi32, #tpu.memory_space<vmem>>
        %dma_start3A_148 = tpu.memref_squeeze %dma_start3A_147 : memref<1x128xi32, #tpu.memory_space<vmem>> -> memref<128xi32, #tpu.memory_space<vmem>>
        %dma_start3A_149 = arith.constant 0 : i32
        %dma_start3A_150 = arith.constant 0 : i32
        %dma_start3A_151 = tpu.memref_slice %arg5[%dma_start3A_149, %dma_start3A_150] : memref<10240x128xf32, #tpu.memory_space<vmem_shared>> -> memref<10240x128xf32, #tpu.memory_space<vmem_shared>>
        tpu.enqueue_indirect_dma source(%arg8 : memref<128x128xf32, #tpu.memory_space<vmem>>) target(%dma_start3A_151 : memref<10240x128xf32, #tpu.memory_space<vmem_shared>>) offsets(%dma_start3A_148 : memref<128xi32, #tpu.memory_space<vmem>>) semaphore(%arg12 : memref<!tpu.dma_semaphore, #tpu.memory_space<semaphore_mem>>) {add = true}
        %add3A_152 = arith.constant 2 : i32
        %add3A_153 = arith.addi %add3A_135, %add3A_152 : i32
        %lt3A = arith.constant 40 : i32
        %lt3A_154 = arith.cmpi slt, %add3A_153, %lt3A : i32
        %convert_element_type3A = arith.extui %lt3A_154 : i1 to i32
        %cond3A = arith.constant 0 : i32
        %cond3A_155 = arith.cmpi ne, %convert_element_type3A, %cond3A : i32
        scf.if %cond3A_155 {
          %dma_wait3A_183 = arith.constant 0 : i32
          %dma_wait3A_184 = tpu.memref_slice %arg7[%add3A_135, %dma_wait3A_183] : memref<40x128xi32, #tpu.memory_space<vmem>> -> memref<1x128xi32, #tpu.memory_space<vmem>>
          %dma_wait3A_185 = tpu.memref_squeeze %dma_wait3A_184 : memref<1x128xi32, #tpu.memory_space<vmem>> -> memref<128xi32, #tpu.memory_space<vmem>>
          %dma_wait3A_186 = arith.constant 0 : i32
          %dma_wait3A_187 = arith.constant 0 : i32
          %dma_wait3A_188 = tpu.memref_slice %arg5[%dma_wait3A_186, %dma_wait3A_187] : memref<10240x128xf32, #tpu.memory_space<vmem_shared>> -> memref<10240x128xf32, #tpu.memory_space<vmem_shared>>
          tpu.wait_indirect_dma semaphore(%arg12 : memref<!tpu.dma_semaphore, #tpu.memory_space<semaphore_mem>>) src(%arg8 : memref<128x128xf32, #tpu.memory_space<vmem>>) dst(%dma_wait3A_188 : memref<10240x128xf32, #tpu.memory_space<vmem_shared>>)
          %add3A_189 = arith.constant 2 : i32
          %add3A_190 = arith.addi %add3A_135, %add3A_189 : i32
          %dma_start3A_191 = arith.constant 0 : i32
          %dma_start3A_192 = tpu.memref_slice %arg6[%add3A_190, %dma_start3A_191] : memref<40x128xi32, #tpu.memory_space<vmem>> -> memref<1x128xi32, #tpu.memory_space<vmem>>
          %dma_start3A_193 = tpu.memref_squeeze %dma_start3A_192 : memref<1x128xi32, #tpu.memory_space<vmem>> -> memref<128xi32, #tpu.memory_space<vmem>>
          %dma_start3A_194 = arith.constant 0 : i32
          %dma_start3A_195 = arith.constant 0 : i32
          %dma_start3A_196 = tpu.memref_slice %arg2[%scan3A_29, %dma_start3A_194, %dma_start3A_195] : memref<2x10640x128xf32, #tpu.memory_space<hbm>> -> memref<1x10640x128xf32, #tpu.memory_space<hbm>>
          %dma_start3A_197 = tpu.memref_squeeze %dma_start3A_196 : memref<1x10640x128xf32, #tpu.memory_space<hbm>> -> memref<10640x128xf32, #tpu.memory_space<hbm>>
          %dma_start3A_198 = arith.constant 0 : i32
          %dma_start3A_199 = arith.constant 0 : i32
          %dma_start3A_200 = tpu.memref_slice %dma_start3A_197[%dma_start3A_198, %dma_start3A_199] : memref<10640x128xf32, #tpu.memory_space<hbm>> -> memref<10640x128xf32, #tpu.memory_space<hbm>>
          tpu.enqueue_indirect_dma source(%dma_start3A_200 : memref<10640x128xf32, #tpu.memory_space<hbm>>) target(%arg8 : memref<128x128xf32, #tpu.memory_space<vmem>>) offsets(%dma_start3A_193 : memref<128xi32, #tpu.memory_space<vmem>>) semaphore(%arg10 : memref<!tpu.dma_semaphore, #tpu.memory_space<semaphore_mem>>)
        } else {
        }
        %mul3A_156 = arith.constant 2 : i32
        %mul3A_157 = arith.muli %scan3A_131, %mul3A_156 : i32
        %add3A_158 = arith.constant 1 : i32
        %add3A_159 = arith.addi %mul3A_157, %add3A_158 : i32
        %dma_wait3A_160 = arith.constant 0 : i32
        %dma_wait3A_161 = tpu.memref_slice %arg6[%add3A_159, %dma_wait3A_160] : memref<40x128xi32, #tpu.memory_space<vmem>> -> memref<1x128xi32, #tpu.memory_space<vmem>>
        %dma_wait3A_162 = tpu.memref_squeeze %dma_wait3A_161 : memref<1x128xi32, #tpu.memory_space<vmem>> -> memref<128xi32, #tpu.memory_space<vmem>>
        %dma_wait3A_163 = arith.constant 0 : i32
        %dma_wait3A_164 = arith.constant 0 : i32
        %dma_wait3A_165 = tpu.memref_slice %arg2[%scan3A_29, %dma_wait3A_163, %dma_wait3A_164] : memref<2x10640x128xf32, #tpu.memory_space<hbm>> -> memref<1x10640x128xf32, #tpu.memory_space<hbm>>
        %dma_wait3A_166 = tpu.memref_squeeze %dma_wait3A_165 : memref<1x10640x128xf32, #tpu.memory_space<hbm>> -> memref<10640x128xf32, #tpu.memory_space<hbm>>
        %dma_wait3A_167 = arith.constant 0 : i32
        %dma_wait3A_168 = arith.constant 0 : i32
        %dma_wait3A_169 = tpu.memref_slice %dma_wait3A_166[%dma_wait3A_167, %dma_wait3A_168] : memref<10640x128xf32, #tpu.memory_space<hbm>> -> memref<10640x128xf32, #tpu.memory_space<hbm>>
        tpu.wait_indirect_dma semaphore(%arg11 : memref<!tpu.dma_semaphore, #tpu.memory_space<semaphore_mem>>) src(%dma_wait3A_169 : memref<10640x128xf32, #tpu.memory_space<hbm>>) dst(%arg9 : memref<128x128xf32, #tpu.memory_space<vmem>>)
        %dma_start3A_170 = arith.constant 0 : i32
        %dma_start3A_171 = tpu.memref_slice %arg7[%add3A_159, %dma_start3A_170] : memref<40x128xi32, #tpu.memory_space<vmem>> -> memref<1x128xi32, #tpu.memory_space<vmem>>
        %dma_start3A_172 = tpu.memref_squeeze %dma_start3A_171 : memref<1x128xi32, #tpu.memory_space<vmem>> -> memref<128xi32, #tpu.memory_space<vmem>>
        %dma_start3A_173 = arith.constant 0 : i32
        %dma_start3A_174 = arith.constant 0 : i32
        %dma_start3A_175 = tpu.memref_slice %arg5[%dma_start3A_173, %dma_start3A_174] : memref<10240x128xf32, #tpu.memory_space<vmem_shared>> -> memref<10240x128xf32, #tpu.memory_space<vmem_shared>>
        tpu.enqueue_indirect_dma source(%arg9 : memref<128x128xf32, #tpu.memory_space<vmem>>) target(%dma_start3A_175 : memref<10240x128xf32, #tpu.memory_space<vmem_shared>>) offsets(%dma_start3A_172 : memref<128xi32, #tpu.memory_space<vmem>>) semaphore(%arg13 : memref<!tpu.dma_semaphore, #tpu.memory_space<semaphore_mem>>) {add = true}
        %add3A_176 = arith.constant 2 : i32
        %add3A_177 = arith.addi %add3A_159, %add3A_176 : i32
        %lt3A_178 = arith.constant 40 : i32
        %lt3A_179 = arith.cmpi slt, %add3A_177, %lt3A_178 : i32
        %convert_element_type3A_180 = arith.extui %lt3A_179 : i1 to i32
        %cond3A_181 = arith.constant 0 : i32
        %cond3A_182 = arith.cmpi ne, %convert_element_type3A_180, %cond3A_181 : i32
        scf.if %cond3A_182 {
          %dma_wait3A_183 = arith.constant 0 : i32
          %dma_wait3A_184 = tpu.memref_slice %arg7[%add3A_159, %dma_wait3A_183] : memref<40x128xi32, #tpu.memory_space<vmem>> -> memref<1x128xi32, #tpu.memory_space<vmem>>
          %dma_wait3A_185 = tpu.memref_squeeze %dma_wait3A_184 : memref<1x128xi32, #tpu.memory_space<vmem>> -> memref<128xi32, #tpu.memory_space<vmem>>
          %dma_wait3A_186 = arith.constant 0 : i32
          %dma_wait3A_187 = arith.constant 0 : i32
          %dma_wait3A_188 = tpu.memref_slice %arg5[%dma_wait3A_186, %dma_wait3A_187] : memref<10240x128xf32, #tpu.memory_space<vmem_shared>> -> memref<10240x128xf32, #tpu.memory_space<vmem_shared>>
          tpu.wait_indirect_dma semaphore(%arg13 : memref<!tpu.dma_semaphore, #tpu.memory_space<semaphore_mem>>) src(%arg9 : memref<128x128xf32, #tpu.memory_space<vmem>>) dst(%dma_wait3A_188 : memref<10240x128xf32, #tpu.memory_space<vmem_shared>>)
          %add3A_189 = arith.constant 2 : i32
          %add3A_190 = arith.addi %add3A_159, %add3A_189 : i32
          %dma_start3A_191 = arith.constant 0 : i32
          %dma_start3A_192 = tpu.memref_slice %arg6[%add3A_190, %dma_start3A_191] : memref<40x128xi32, #tpu.memory_space<vmem>> -> memref<1x128xi32, #tpu.memory_space<vmem>>
          %dma_start3A_193 = tpu.memref_squeeze %dma_start3A_192 : memref<1x128xi32, #tpu.memory_space<vmem>> -> memref<128xi32, #tpu.memory_space<vmem>>
          %dma_start3A_194 = arith.constant 0 : i32
          %dma_start3A_195 = arith.constant 0 : i32
          %dma_start3A_196 = tpu.memref_slice %arg2[%scan3A_29, %dma_start3A_194, %dma_start3A_195] : memref<2x10640x128xf32, #tpu.memory_space<hbm>> -> memref<1x10640x128xf32, #tpu.memory_space<hbm>>
          %dma_start3A_197 = tpu.memref_squeeze %dma_start3A_196 : memref<1x10640x128xf32, #tpu.memory_space<hbm>> -> memref<10640x128xf32, #tpu.memory_space<hbm>>
          %dma_start3A_198 = arith.constant 0 : i32
          %dma_start3A_199 = arith.constant 0 : i32
          %dma_start3A_200 = tpu.memref_slice %dma_start3A_197[%dma_start3A_198, %dma_start3A_199] : memref<10640x128xf32, #tpu.memory_space<hbm>> -> memref<10640x128xf32, #tpu.memory_space<hbm>>
          tpu.enqueue_indirect_dma source(%dma_start3A_200 : memref<10640x128xf32, #tpu.memory_space<hbm>>) target(%arg9 : memref<128x128xf32, #tpu.memory_space<vmem>>) offsets(%dma_start3A_193 : memref<128xi32, #tpu.memory_space<vmem>>) semaphore(%arg11 : memref<!tpu.dma_semaphore, #tpu.memory_space<semaphore_mem>>)
        } else {
        }
      }
      %scan3A_117 = arith.constant 20 : i32
      %dma_wait3A = arith.constant 38 : i32
      %dma_wait3A_118 = arith.constant 0 : i32
      %dma_wait3A_119 = tpu.memref_slice %arg7[%dma_wait3A, %dma_wait3A_118] : memref<40x128xi32, #tpu.memory_space<vmem>> -> memref<1x128xi32, #tpu.memory_space<vmem>>
      %dma_wait3A_120 = tpu.memref_squeeze %dma_wait3A_119 : memref<1x128xi32, #tpu.memory_space<vmem>> -> memref<128xi32, #tpu.memory_space<vmem>>
      %dma_wait3A_121 = arith.constant 0 : i32
      %dma_wait3A_122 = arith.constant 0 : i32
      %dma_wait3A_123 = tpu.memref_slice %arg5[%dma_wait3A_121, %dma_wait3A_122] : memref<10240x128xf32, #tpu.memory_space<vmem_shared>> -> memref<10240x128xf32, #tpu.memory_space<vmem_shared>>
      tpu.wait_indirect_dma semaphore(%arg12 : memref<!tpu.dma_semaphore, #tpu.memory_space<semaphore_mem>>) src(%arg8 : memref<128x128xf32, #tpu.memory_space<vmem>>) dst(%dma_wait3A_123 : memref<10240x128xf32, #tpu.memory_space<vmem_shared>>)
      %dma_wait3A_124 = arith.constant 39 : i32
      %dma_wait3A_125 = arith.constant 0 : i32
      %dma_wait3A_126 = tpu.memref_slice %arg7[%dma_wait3A_124, %dma_wait3A_125] : memref<40x128xi32, #tpu.memory_space<vmem>> -> memref<1x128xi32, #tpu.memory_space<vmem>>
      %dma_wait3A_127 = tpu.memref_squeeze %dma_wait3A_126 : memref<1x128xi32, #tpu.memory_space<vmem>> -> memref<128xi32, #tpu.memory_space<vmem>>
      %dma_wait3A_128 = arith.constant 0 : i32
      %dma_wait3A_129 = arith.constant 0 : i32
      %dma_wait3A_130 = tpu.memref_slice %arg5[%dma_wait3A_128, %dma_wait3A_129] : memref<10240x128xf32, #tpu.memory_space<vmem_shared>> -> memref<10240x128xf32, #tpu.memory_space<vmem_shared>>
      tpu.wait_indirect_dma semaphore(%arg13 : memref<!tpu.dma_semaphore, #tpu.memory_space<semaphore_mem>>) src(%arg9 : memref<128x128xf32, #tpu.memory_space<vmem>>) dst(%dma_wait3A_130 : memref<10240x128xf32, #tpu.memory_space<vmem_shared>>)
    }
    %scan3A_34 = arith.constant 2 : i32
    %barrier3A_35 = arith.constant 0 : index
    tpu.barrier barrier_id(%barrier3A_35)
    %mul3A_36 = arith.constant 640 : i32
    %mul3A_37 = arith.muli %arg1, %mul3A_36 : i32
    %mul3A_38 = arith.constant 640 : i32
    %mul3A_39 = arith.muli %arg1, %mul3A_38 : i32
    %run_scoped3A = arith.constant 0 : i32
    "tpu.region"() ({
      %run_scoped3A_85 = tpu.sem_alloc : memref<!tpu.dma_semaphore, #tpu.memory_space<semaphore_mem>>
      %dma_start3A = arith.constant 0 : i32
      %dma_start3A_86 = tpu.memref_slice %arg4[%run_scoped3A, %arg0, %mul3A_39, %dma_start3A] : memref<2x2x10240x128xf32, #tpu.memory_space<hbm>> -> memref<1x1x640x128xf32, #tpu.memory_space<hbm>>
      %dma_start3A_87 = tpu.memref_squeeze %dma_start3A_86 : memref<1x1x640x128xf32, #tpu.memory_space<hbm>> -> memref<640x128xf32, #tpu.memory_space<hbm>>
      %dma_start3A_88 = arith.constant 0 : i32
      %dma_start3A_89 = tpu.memref_slice %arg5[%mul3A_37, %dma_start3A_88] : memref<10240x128xf32, #tpu.memory_space<vmem_shared>> -> memref<640x128xf32, #tpu.memory_space<vmem_shared>>
      tpu.enqueue_dma source(%dma_start3A_89 : memref<640x128xf32, #tpu.memory_space<vmem_shared>>) target(%dma_start3A_87 : memref<640x128xf32, #tpu.memory_space<hbm>>) target_semaphore(%run_scoped3A_85 : memref<!tpu.dma_semaphore, #tpu.memory_space<semaphore_mem>>)
      %dma_wait3A = arith.constant 0 : i32
      %dma_wait3A_90 = tpu.memref_slice %arg4[%run_scoped3A, %arg0, %mul3A_39, %dma_wait3A] : memref<2x2x10240x128xf32, #tpu.memory_space<hbm>> -> memref<1x1x640x128xf32, #tpu.memory_space<hbm>>
      %dma_wait3A_91 = tpu.memref_squeeze %dma_wait3A_90 : memref<1x1x640x128xf32, #tpu.memory_space<hbm>> -> memref<640x128xf32, #tpu.memory_space<hbm>>
      %dma_wait3A_92 = arith.constant 0 : i32
      %dma_wait3A_93 = tpu.memref_slice %arg5[%mul3A_37, %dma_wait3A_92] : memref<10240x128xf32, #tpu.memory_space<vmem_shared>> -> memref<640x128xf32, #tpu.memory_space<vmem_shared>>
      tpu.wait_dma2 semaphore(%run_scoped3A_85 : memref<!tpu.dma_semaphore, #tpu.memory_space<semaphore_mem>>) src(%dma_wait3A_93 : memref<640x128xf32, #tpu.memory_space<vmem_shared>>) dst(%dma_wait3A_91 : memref<640x128xf32, #tpu.memory_space<hbm>>)
      tpu.yield
    }) : () -> ()
    %scan3A_40 = arith.constant 0 : i32
    %scan3A_41 = arith.constant 0 : i32
    %scan3A_42 = arith.constant 128 : i32
    %scan3A_43 = arith.addi %scan3A_41, %scan3A_42 : i32
    %scan3A_44 = arith.constant 1 : i32
    scf.for %scan3A_85 = %scan3A_41 to %scan3A_43 step %scan3A_44  : i32 {
      %broadcast_in_dim3A = arith.constant 0.000000e+00 : f32
      %broadcast_in_dim3A_86 = vector.broadcast %broadcast_in_dim3A : f32 to vector<16xf32>
      %swap3A = arith.index_cast %scan3A_85 : i32 to index
      %swap3A_87 = arith.constant 0 : index
      %swap3A_88 = tpu.vector_load %arg8[%swap3A, %swap3A_87] {strides = array<i32>} : memref<128x128xf32, #tpu.memory_space<vmem>>, vector<1x16xf32>,
      %swap3A_89 = vector.shape_cast %swap3A_88 : vector<1x16xf32> to vector<16xf32>
      %swap3A_90 = vector.shape_cast %broadcast_in_dim3A_86 : vector<16xf32> to vector<1x16xf32>
      tpu.vector_store %arg8[%swap3A, %swap3A_87], %swap3A_90 {strides = array<i32>} : memref<128x128xf32, #tpu.memory_space<vmem>>, vector<1x16xf32>,
      %broadcast_in_dim3A_91 = arith.constant 0.000000e+00 : f32
      %broadcast_in_dim3A_92 = vector.broadcast %broadcast_in_dim3A_91 : f32 to vector<16xf32>
      %swap3A_93 = arith.index_cast %scan3A_85 : i32 to index
      %swap3A_94 = arith.constant 16 : index
      %swap3A_95 = tpu.vector_load %arg8[%swap3A_93, %swap3A_94] {strides = array<i32>} : memref<128x128xf32, #tpu.memory_space<vmem>>, vector<1x16xf32>,
      %swap3A_96 = vector.shape_cast %swap3A_95 : vector<1x16xf32> to vector<16xf32>
      %swap3A_97 = vector.shape_cast %broadcast_in_dim3A_92 : vector<16xf32> to vector<1x16xf32>
      tpu.vector_store %arg8[%swap3A_93, %swap3A_94], %swap3A_97 {strides = array<i32>} : memref<128x128xf32, #tpu.memory_space<vmem>>, vector<1x16xf32>,
      %broadcast_in_dim3A_98 = arith.constant 0.000000e+00 : f32
      %broadcast_in_dim3A_99 = vector.broadcast %broadcast_in_dim3A_98 : f32 to vector<16xf32>
      %swap3A_100 = arith.index_cast %scan3A_85 : i32 to index
      %swap3A_101 = arith.constant 32 : index
      %swap3A_102 = tpu.vector_load %arg8[%swap3A_100, %swap3A_101] {strides = array<i32>} : memref<128x128xf32, #tpu.memory_space<vmem>>, vector<1x16xf32>,
      %swap3A_103 = vector.shape_cast %swap3A_102 : vector<1x16xf32> to vector<16xf32>
      %swap3A_104 = vector.shape_cast %broadcast_in_dim3A_99 : vector<16xf32> to vector<1x16xf32>
      tpu.vector_store %arg8[%swap3A_100, %swap3A_101], %swap3A_104 {strides = array<i32>} : memref<128x128xf32, #tpu.memory_space<vmem>>, vector<1x16xf32>,
      %broadcast_in_dim3A_105 = arith.constant 0.000000e+00 : f32
      %broadcast_in_dim3A_106 = vector.broadcast %broadcast_in_dim3A_105 : f32 to vector<16xf32>
      %swap3A_107 = arith.index_cast %scan3A_85 : i32 to index
      %swap3A_108 = arith.constant 48 : index
      %swap3A_109 = tpu.vector_load %arg8[%swap3A_107, %swap3A_108] {strides = array<i32>} : memref<128x128xf32, #tpu.memory_space<vmem>>, vector<1x16xf32>,
      %swap3A_110 = vector.shape_cast %swap3A_109 : vector<1x16xf32> to vector<16xf32>
      %swap3A_111 = vector.shape_cast %broadcast_in_dim3A_106 : vector<16xf32> to vector<1x16xf32>
      tpu.vector_store %arg8[%swap3A_107, %swap3A_108], %swap3A_111 {strides = array<i32>} : memref<128x128xf32, #tpu.memory_space<vmem>>, vector<1x16xf32>,
      %broadcast_in_dim3A_112 = arith.constant 0.000000e+00 : f32
      %broadcast_in_dim3A_113 = vector.broadcast %broadcast_in_dim3A_112 : f32 to vector<16xf32>
      %swap3A_114 = arith.index_cast %scan3A_85 : i32 to index
      %swap3A_115 = arith.constant 64 : index
      %swap3A_116 = tpu.vector_load %arg8[%swap3A_114, %swap3A_115] {strides = array<i32>} : memref<128x128xf32, #tpu.memory_space<vmem>>, vector<1x16xf32>,
      %swap3A_117 = vector.shape_cast %swap3A_116 : vector<1x16xf32> to vector<16xf32>
      %swap3A_118 = vector.shape_cast %broadcast_in_dim3A_113 : vector<16xf32> to vector<1x16xf32>
      tpu.vector_store %arg8[%swap3A_114, %swap3A_115], %swap3A_118 {strides = array<i32>} : memref<128x128xf32, #tpu.memory_space<vmem>>, vector<1x16xf32>,
      %broadcast_in_dim3A_119 = arith.constant 0.000000e+00 : f32
      %broadcast_in_dim3A_120 = vector.broadcast %broadcast_in_dim3A_119 : f32 to vector<16xf32>
      %swap3A_121 = arith.index_cast %scan3A_85 : i32 to index
      %swap3A_122 = arith.constant 80 : index
      %swap3A_123 = tpu.vector_load %arg8[%swap3A_121, %swap3A_122] {strides = array<i32>} : memref<128x128xf32, #tpu.memory_space<vmem>>, vector<1x16xf32>,
      %swap3A_124 = vector.shape_cast %swap3A_123 : vector<1x16xf32> to vector<16xf32>
      %swap3A_125 = vector.shape_cast %broadcast_in_dim3A_120 : vector<16xf32> to vector<1x16xf32>
      tpu.vector_store %arg8[%swap3A_121, %swap3A_122], %swap3A_125 {strides = array<i32>} : memref<128x128xf32, #tpu.memory_space<vmem>>, vector<1x16xf32>,
      %broadcast_in_dim3A_126 = arith.constant 0.000000e+00 : f32
      %broadcast_in_dim3A_127 = vector.broadcast %broadcast_in_dim3A_126 : f32 to vector<16xf32>
      %swap3A_128 = arith.index_cast %scan3A_85 : i32 to index
      %swap3A_129 = arith.constant 96 : index
      %swap3A_130 = tpu.vector_load %arg8[%swap3A_128, %swap3A_129] {strides = array<i32>} : memref<128x128xf32, #tpu.memory_space<vmem>>, vector<1x16xf32>,
      %swap3A_131 = vector.shape_cast %swap3A_130 : vector<1x16xf32> to vector<16xf32>
      %swap3A_132 = vector.shape_cast %broadcast_in_dim3A_127 : vector<16xf32> to vector<1x16xf32>
      tpu.vector_store %arg8[%swap3A_128, %swap3A_129], %swap3A_132 {strides = array<i32>} : memref<128x128xf32, #tpu.memory_space<vmem>>, vector<1x16xf32>,
      %broadcast_in_dim3A_133 = arith.constant 0.000000e+00 : f32
      %broadcast_in_dim3A_134 = vector.broadcast %broadcast_in_dim3A_133 : f32 to vector<16xf32>
      %swap3A_135 = arith.index_cast %scan3A_85 : i32 to index
      %swap3A_136 = arith.constant 112 : index
      %swap3A_137 = tpu.vector_load %arg8[%swap3A_135, %swap3A_136] {strides = array<i32>} : memref<128x128xf32, #tpu.memory_space<vmem>>, vector<1x16xf32>,
      %swap3A_138 = vector.shape_cast %swap3A_137 : vector<1x16xf32> to vector<16xf32>
      %swap3A_139 = vector.shape_cast %broadcast_in_dim3A_134 : vector<16xf32> to vector<1x16xf32>
      tpu.vector_store %arg8[%swap3A_135, %swap3A_136], %swap3A_139 {strides = array<i32>} : memref<128x128xf32, #tpu.memory_space<vmem>>, vector<1x16xf32>,
    }
    %scan3A_45 = arith.constant 128 : i32
    %mul3A_46 = arith.constant 640 : i32
    %mul3A_47 = arith.muli %arg1, %mul3A_46 : i32
    %add3A_48 = arith.constant 0 : i32
    %add3A_49 = arith.addi %mul3A_47, %add3A_48 : i32
    "tpu.region"() ({
      %run_scoped3A_85 = tpu.sem_alloc : memref<!tpu.dma_semaphore, #tpu.memory_space<semaphore_mem>>
      %dma_start3A = arith.constant 0 : i32
      %dma_start3A_86 = tpu.memref_slice %arg5[%add3A_49, %dma_start3A] : memref<10240x128xf32, #tpu.memory_space<vmem_shared>> -> memref<128x128xf32, #tpu.memory_space<vmem_shared>>
      %dma_start3A_87 = arith.constant 0 : i32
      %dma_start3A_88 = tpu.memref_slice %arg5[%add3A_49, %dma_start3A_87] : memref<10240x128xf32, #tpu.memory_space<vmem_shared>> -> memref<128x128xf32, #tpu.memory_space<vmem_shared>>
      tpu.enqueue_dma source(%arg8 : memref<128x128xf32, #tpu.memory_space<vmem>>) target(%dma_start3A_88 : memref<128x128xf32, #tpu.memory_space<vmem_shared>>) target_semaphore(%run_scoped3A_85 : memref<!tpu.dma_semaphore, #tpu.memory_space<semaphore_mem>>)
      %dma_wait3A = arith.constant 0 : i32
      %dma_wait3A_89 = tpu.memref_slice %arg5[%add3A_49, %dma_wait3A] : memref<10240x128xf32, #tpu.memory_space<vmem_shared>> -> memref<128x128xf32, #tpu.memory_space<vmem_shared>>
      %dma_wait3A_90 = arith.constant 0 : i32
      %dma_wait3A_91 = tpu.memref_slice %arg5[%add3A_49, %dma_wait3A_90] : memref<10240x128xf32, #tpu.memory_space<vmem_shared>> -> memref<128x128xf32, #tpu.memory_space<vmem_shared>>
      tpu.wait_dma2 semaphore(%run_scoped3A_85 : memref<!tpu.dma_semaphore, #tpu.memory_space<semaphore_mem>>) src(%arg8 : memref<128x128xf32, #tpu.memory_space<vmem>>) dst(%dma_wait3A_91 : memref<128x128xf32, #tpu.memory_space<vmem_shared>>)
      tpu.yield
    }) : () -> ()
    %mul3A_50 = arith.constant 640 : i32
    %mul3A_51 = arith.muli %arg1, %mul3A_50 : i32
    %add3A_52 = arith.constant 128 : i32
    %add3A_53 = arith.addi %mul3A_51, %add3A_52 : i32
    "tpu.region"() ({
      %run_scoped3A_85 = tpu.sem_alloc : memref<!tpu.dma_semaphore, #tpu.memory_space<semaphore_mem>>
      %dma_start3A = arith.constant 0 : i32
      %dma_start3A_86 = tpu.memref_slice %arg5[%add3A_53, %dma_start3A] : memref<10240x128xf32, #tpu.memory_space<vmem_shared>> -> memref<128x128xf32, #tpu.memory_space<vmem_shared>>
      %dma_start3A_87 = arith.constant 0 : i32
      %dma_start3A_88 = tpu.memref_slice %arg5[%add3A_53, %dma_start3A_87] : memref<10240x128xf32, #tpu.memory_space<vmem_shared>> -> memref<128x128xf32, #tpu.memory_space<vmem_shared>>
      tpu.enqueue_dma source(%arg8 : memref<128x128xf32, #tpu.memory_space<vmem>>) target(%dma_start3A_88 : memref<128x128xf32, #tpu.memory_space<vmem_shared>>) target_semaphore(%run_scoped3A_85 : memref<!tpu.dma_semaphore, #tpu.memory_space<semaphore_mem>>)
      %dma_wait3A = arith.constant 0 : i32
      %dma_wait3A_89 = tpu.memref_slice %arg5[%add3A_53, %dma_wait3A] : memref<10240x128xf32, #tpu.memory_space<vmem_shared>> -> memref<128x128xf32, #tpu.memory_space<vmem_shared>>
      %dma_wait3A_90 = arith.constant 0 : i32
      %dma_wait3A_91 = tpu.memref_slice %arg5[%add3A_53, %dma_wait3A_90] : memref<10240x128xf32, #tpu.memory_space<vmem_shared>> -> memref<128x128xf32, #tpu.memory_space<vmem_shared>>
      tpu.wait_dma2 semaphore(%run_scoped3A_85 : memref<!tpu.dma_semaphore, #tpu.memory_space<semaphore_mem>>) src(%arg8 : memref<128x128xf32, #tpu.memory_space<vmem>>) dst(%dma_wait3A_91 : memref<128x128xf32, #tpu.memory_space<vmem_shared>>)
      tpu.yield
    }) : () -> ()
    %mul3A_54 = arith.constant 640 : i32
    %mul3A_55 = arith.muli %arg1, %mul3A_54 : i32
    %add3A_56 = arith.constant 256 : i32
    %add3A_57 = arith.addi %mul3A_55, %add3A_56 : i32
    "tpu.region"() ({
      %run_scoped3A_85 = tpu.sem_alloc : memref<!tpu.dma_semaphore, #tpu.memory_space<semaphore_mem>>
      %dma_start3A = arith.constant 0 : i32
      %dma_start3A_86 = tpu.memref_slice %arg5[%add3A_57, %dma_start3A] : memref<10240x128xf32, #tpu.memory_space<vmem_shared>> -> memref<128x128xf32, #tpu.memory_space<vmem_shared>>
      %dma_start3A_87 = arith.constant 0 : i32
      %dma_start3A_88 = tpu.memref_slice %arg5[%add3A_57, %dma_start3A_87] : memref<10240x128xf32, #tpu.memory_space<vmem_shared>> -> memref<128x128xf32, #tpu.memory_space<vmem_shared>>
      tpu.enqueue_dma source(%arg8 : memref<128x128xf32, #tpu.memory_space<vmem>>) target(%dma_start3A_88 : memref<128x128xf32, #tpu.memory_space<vmem_shared>>) target_semaphore(%run_scoped3A_85 : memref<!tpu.dma_semaphore, #tpu.memory_space<semaphore_mem>>)
      %dma_wait3A = arith.constant 0 : i32
      %dma_wait3A_89 = tpu.memref_slice %arg5[%add3A_57, %dma_wait3A] : memref<10240x128xf32, #tpu.memory_space<vmem_shared>> -> memref<128x128xf32, #tpu.memory_space<vmem_shared>>
      %dma_wait3A_90 = arith.constant 0 : i32
      %dma_wait3A_91 = tpu.memref_slice %arg5[%add3A_57, %dma_wait3A_90] : memref<10240x128xf32, #tpu.memory_space<vmem_shared>> -> memref<128x128xf32, #tpu.memory_space<vmem_shared>>
      tpu.wait_dma2 semaphore(%run_scoped3A_85 : memref<!tpu.dma_semaphore, #tpu.memory_space<semaphore_mem>>) src(%arg8 : memref<128x128xf32, #tpu.memory_space<vmem>>) dst(%dma_wait3A_91 : memref<128x128xf32, #tpu.memory_space<vmem_shared>>)
      tpu.yield
    }) : () -> ()
    %mul3A_58 = arith.constant 640 : i32
    %mul3A_59 = arith.muli %arg1, %mul3A_58 : i32
    %add3A_60 = arith.constant 384 : i32
    %add3A_61 = arith.addi %mul3A_59, %add3A_60 : i32
    "tpu.region"() ({
      %run_scoped3A_85 = tpu.sem_alloc : memref<!tpu.dma_semaphore, #tpu.memory_space<semaphore_mem>>
      %dma_start3A = arith.constant 0 : i32
      %dma_start3A_86 = tpu.memref_slice %arg5[%add3A_61, %dma_start3A] : memref<10240x128xf32, #tpu.memory_space<vmem_shared>> -> memref<128x128xf32, #tpu.memory_space<vmem_shared>>
      %dma_start3A_87 = arith.constant 0 : i32
      %dma_start3A_88 = tpu.memref_slice %arg5[%add3A_61, %dma_start3A_87] : memref<10240x128xf32, #tpu.memory_space<vmem_shared>> -> memref<128x128xf32, #tpu.memory_space<vmem_shared>>
      tpu.enqueue_dma source(%arg8 : memref<128x128xf32, #tpu.memory_space<vmem>>) target(%dma_start3A_88 : memref<128x128xf32, #tpu.memory_space<vmem_shared>>) target_semaphore(%run_scoped3A_85 : memref<!tpu.dma_semaphore, #tpu.memory_space<semaphore_mem>>)
      %dma_wait3A = arith.constant 0 : i32
      %dma_wait3A_89 = tpu.memref_slice %arg5[%add3A_61, %dma_wait3A] : memref<10240x128xf32, #tpu.memory_space<vmem_shared>> -> memref<128x128xf32, #tpu.memory_space<vmem_shared>>
      %dma_wait3A_90 = arith.constant 0 : i32
      %dma_wait3A_91 = tpu.memref_slice %arg5[%add3A_61, %dma_wait3A_90] : memref<10240x128xf32, #tpu.memory_space<vmem_shared>> -> memref<128x128xf32, #tpu.memory_space<vmem_shared>>
      tpu.wait_dma2 semaphore(%run_scoped3A_85 : memref<!tpu.dma_semaphore, #tpu.memory_space<semaphore_mem>>) src(%arg8 : memref<128x128xf32, #tpu.memory_space<vmem>>) dst(%dma_wait3A_91 : memref<128x128xf32, #tpu.memory_space<vmem_shared>>)
      tpu.yield
    }) : () -> ()
    %mul3A_62 = arith.constant 640 : i32
    %mul3A_63 = arith.muli %arg1, %mul3A_62 : i32
    %add3A_64 = arith.constant 512 : i32
    %add3A_65 = arith.addi %mul3A_63, %add3A_64 : i32
    "tpu.region"() ({
      %run_scoped3A_85 = tpu.sem_alloc : memref<!tpu.dma_semaphore, #tpu.memory_space<semaphore_mem>>
      %dma_start3A = arith.constant 0 : i32
      %dma_start3A_86 = tpu.memref_slice %arg5[%add3A_65, %dma_start3A] : memref<10240x128xf32, #tpu.memory_space<vmem_shared>> -> memref<128x128xf32, #tpu.memory_space<vmem_shared>>
      %dma_start3A_87 = arith.constant 0 : i32
      %dma_start3A_88 = tpu.memref_slice %arg5[%add3A_65, %dma_start3A_87] : memref<10240x128xf32, #tpu.memory_space<vmem_shared>> -> memref<128x128xf32, #tpu.memory_space<vmem_shared>>
      tpu.enqueue_dma source(%arg8 : memref<128x128xf32, #tpu.memory_space<vmem>>) target(%dma_start3A_88 : memref<128x128xf32, #tpu.memory_space<vmem_shared>>) target_semaphore(%run_scoped3A_85 : memref<!tpu.dma_semaphore, #tpu.memory_space<semaphore_mem>>)
      %dma_wait3A = arith.constant 0 : i32
      %dma_wait3A_89 = tpu.memref_slice %arg5[%add3A_65, %dma_wait3A] : memref<10240x128xf32, #tpu.memory_space<vmem_shared>> -> memref<128x128xf32, #tpu.memory_space<vmem_shared>>
      %dma_wait3A_90 = arith.constant 0 : i32
      %dma_wait3A_91 = tpu.memref_slice %arg5[%add3A_65, %dma_wait3A_90] : memref<10240x128xf32, #tpu.memory_space<vmem_shared>> -> memref<128x128xf32, #tpu.memory_space<vmem_shared>>
      tpu.wait_dma2 semaphore(%run_scoped3A_85 : memref<!tpu.dma_semaphore, #tpu.memory_space<semaphore_mem>>) src(%arg8 : memref<128x128xf32, #tpu.memory_space<vmem>>) dst(%dma_wait3A_91 : memref<128x128xf32, #tpu.memory_space<vmem_shared>>)
      tpu.yield
    }) : () -> ()
    %barrier3A_66 = arith.constant 0 : index
    tpu.barrier barrier_id(%barrier3A_66)
    %mul3A_67 = arith.constant 16 : i32
    %mul3A_68 = arith.muli %arg0, %mul3A_67 : i32
    %add3A_69 = arith.addi %mul3A_68, %arg1 : i32
    %mul3A_70 = arith.constant 80 : i32
    %mul3A_71 = arith.muli %add3A_69, %mul3A_70 : i32
    %scan3A_72 = arith.constant 0 : i32
    %scan3A_73 = arith.constant 1 : i32
    %scan3A_74 = arith.constant 0 : i32
    %scan3A_75 = arith.constant 2 : i32
    %scan3A_76 = arith.addi %scan3A_74, %scan3A_75 : i32
    %scan3A_77 = arith.constant 1 : i32
    scf.for %scan3A_85 = %scan3A_74 to %scan3A_76 step %scan3A_77  : i32 {
      %mul3A_86 = arith.constant 40 : i32
      %mul3A_87 = arith.muli %scan3A_85, %mul3A_86 : i32
      %add3A_88 = arith.addi %mul3A_71, %mul3A_87 : i32
      %run_scoped3A_89 = arith.constant 0 : i32
      "tpu.region"() ({
        %run_scoped3A_131 = tpu.sem_alloc : memref<!tpu.dma_semaphore, #tpu.memory_space<semaphore_mem>>
        %dma_start3A_132 = arith.constant 0 : i32
        %dma_start3A_133 = tpu.memref_slice %arg3[%run_scoped3A_89, %add3A_88, %dma_start3A_132] : memref<2x2560x128xi32, #tpu.memory_space<hbm>> -> memref<1x40x128xi32, #tpu.memory_space<hbm>>
        %dma_start3A_134 = tpu.memref_squeeze %dma_start3A_133 : memref<1x40x128xi32, #tpu.memory_space<hbm>> -> memref<40x128xi32, #tpu.memory_space<hbm>>
        %dma_start3A_135 = arith.constant 0 : i32
        %dma_start3A_136 = tpu.memref_slice %arg3[%run_scoped3A_89, %add3A_88, %dma_start3A_135] : memref<2x2560x128xi32, #tpu.memory_space<hbm>> -> memref<1x40x128xi32, #tpu.memory_space<hbm>>
        %dma_start3A_137 = tpu.memref_squeeze %dma_start3A_136 : memref<1x40x128xi32, #tpu.memory_space<hbm>> -> memref<40x128xi32, #tpu.memory_space<hbm>>
        tpu.enqueue_dma source(%dma_start3A_137 : memref<40x128xi32, #tpu.memory_space<hbm>>) target(%arg6 : memref<40x128xi32, #tpu.memory_space<vmem>>) target_semaphore(%run_scoped3A_131 : memref<!tpu.dma_semaphore, #tpu.memory_space<semaphore_mem>>)
        %dma_wait3A_138 = arith.constant 0 : i32
        %dma_wait3A_139 = tpu.memref_slice %arg3[%run_scoped3A_89, %add3A_88, %dma_wait3A_138] : memref<2x2560x128xi32, #tpu.memory_space<hbm>> -> memref<1x40x128xi32, #tpu.memory_space<hbm>>
        %dma_wait3A_140 = tpu.memref_squeeze %dma_wait3A_139 : memref<1x40x128xi32, #tpu.memory_space<hbm>> -> memref<40x128xi32, #tpu.memory_space<hbm>>
        %dma_wait3A_141 = arith.constant 0 : i32
        %dma_wait3A_142 = tpu.memref_slice %arg3[%run_scoped3A_89, %add3A_88, %dma_wait3A_141] : memref<2x2560x128xi32, #tpu.memory_space<hbm>> -> memref<1x40x128xi32, #tpu.memory_space<hbm>>
        %dma_wait3A_143 = tpu.memref_squeeze %dma_wait3A_142 : memref<1x40x128xi32, #tpu.memory_space<hbm>> -> memref<40x128xi32, #tpu.memory_space<hbm>>
        tpu.wait_dma2 semaphore(%run_scoped3A_131 : memref<!tpu.dma_semaphore, #tpu.memory_space<semaphore_mem>>) src(%dma_wait3A_143 : memref<40x128xi32, #tpu.memory_space<hbm>>) dst(%arg6 : memref<40x128xi32, #tpu.memory_space<vmem>>)
        tpu.yield
      }) : () -> ()
      %run_scoped3A_90 = arith.constant 1 : i32
      "tpu.region"() ({
        %run_scoped3A_131 = tpu.sem_alloc : memref<!tpu.dma_semaphore, #tpu.memory_space<semaphore_mem>>
        %dma_start3A_132 = arith.constant 0 : i32
        %dma_start3A_133 = tpu.memref_slice %arg3[%run_scoped3A_90, %add3A_88, %dma_start3A_132] : memref<2x2560x128xi32, #tpu.memory_space<hbm>> -> memref<1x40x128xi32, #tpu.memory_space<hbm>>
        %dma_start3A_134 = tpu.memref_squeeze %dma_start3A_133 : memref<1x40x128xi32, #tpu.memory_space<hbm>> -> memref<40x128xi32, #tpu.memory_space<hbm>>
        %dma_start3A_135 = arith.constant 0 : i32
        %dma_start3A_136 = tpu.memref_slice %arg3[%run_scoped3A_90, %add3A_88, %dma_start3A_135] : memref<2x2560x128xi32, #tpu.memory_space<hbm>> -> memref<1x40x128xi32, #tpu.memory_space<hbm>>
        %dma_start3A_137 = tpu.memref_squeeze %dma_start3A_136 : memref<1x40x128xi32, #tpu.memory_space<hbm>> -> memref<40x128xi32, #tpu.memory_space<hbm>>
        tpu.enqueue_dma source(%dma_start3A_137 : memref<40x128xi32, #tpu.memory_space<hbm>>) target(%arg7 : memref<40x128xi32, #tpu.memory_space<vmem>>) target_semaphore(%run_scoped3A_131 : memref<!tpu.dma_semaphore, #tpu.memory_space<semaphore_mem>>)
        %dma_wait3A_138 = arith.constant 0 : i32
        %dma_wait3A_139 = tpu.memref_slice %arg3[%run_scoped3A_90, %add3A_88, %dma_wait3A_138] : memref<2x2560x128xi32, #tpu.memory_space<hbm>> -> memref<1x40x128xi32, #tpu.memory_space<hbm>>
        %dma_wait3A_140 = tpu.memref_squeeze %dma_wait3A_139 : memref<1x40x128xi32, #tpu.memory_space<hbm>> -> memref<40x128xi32, #tpu.memory_space<hbm>>
        %dma_wait3A_141 = arith.constant 0 : i32
        %dma_wait3A_142 = tpu.memref_slice %arg3[%run_scoped3A_90, %add3A_88, %dma_wait3A_141] : memref<2x2560x128xi32, #tpu.memory_space<hbm>> -> memref<1x40x128xi32, #tpu.memory_space<hbm>>
        %dma_wait3A_143 = tpu.memref_squeeze %dma_wait3A_142 : memref<1x40x128xi32, #tpu.memory_space<hbm>> -> memref<40x128xi32, #tpu.memory_space<hbm>>
        tpu.wait_dma2 semaphore(%run_scoped3A_131 : memref<!tpu.dma_semaphore, #tpu.memory_space<semaphore_mem>>) src(%dma_wait3A_143 : memref<40x128xi32, #tpu.memory_space<hbm>>) dst(%arg7 : memref<40x128xi32, #tpu.memory_space<vmem>>)
        tpu.yield
      }) : () -> ()
      %dma_start3A = arith.constant 0 : i32
      %dma_start3A_91 = arith.constant 0 : i32
      %dma_start3A_92 = tpu.memref_slice %arg6[%dma_start3A, %dma_start3A_91] : memref<40x128xi32, #tpu.memory_space<vmem>> -> memref<1x128xi32, #tpu.memory_space<vmem>>
      %dma_start3A_93 = tpu.memref_squeeze %dma_start3A_92 : memref<1x128xi32, #tpu.memory_space<vmem>> -> memref<128xi32, #tpu.memory_space<vmem>>
      %dma_start3A_94 = arith.constant 0 : i32
      %dma_start3A_95 = arith.constant 0 : i32
      %dma_start3A_96 = tpu.memref_slice %arg2[%scan3A_73, %dma_start3A_94, %dma_start3A_95] : memref<2x10640x128xf32, #tpu.memory_space<hbm>> -> memref<1x10640x128xf32, #tpu.memory_space<hbm>>
      %dma_start3A_97 = tpu.memref_squeeze %dma_start3A_96 : memref<1x10640x128xf32, #tpu.memory_space<hbm>> -> memref<10640x128xf32, #tpu.memory_space<hbm>>
      %dma_start3A_98 = arith.constant 0 : i32
      %dma_start3A_99 = arith.constant 0 : i32
      %dma_start3A_100 = tpu.memref_slice %dma_start3A_97[%dma_start3A_98, %dma_start3A_99] : memref<10640x128xf32, #tpu.memory_space<hbm>> -> memref<10640x128xf32, #tpu.memory_space<hbm>>
      tpu.enqueue_indirect_dma source(%dma_start3A_100 : memref<10640x128xf32, #tpu.memory_space<hbm>>) target(%arg8 : memref<128x128xf32, #tpu.memory_space<vmem>>) offsets(%dma_start3A_93 : memref<128xi32, #tpu.memory_space<vmem>>) semaphore(%arg10 : memref<!tpu.dma_semaphore, #tpu.memory_space<semaphore_mem>>)
      %dma_start3A_101 = arith.constant 1 : i32
      %dma_start3A_102 = arith.constant 0 : i32
      %dma_start3A_103 = tpu.memref_slice %arg6[%dma_start3A_101, %dma_start3A_102] : memref<40x128xi32, #tpu.memory_space<vmem>> -> memref<1x128xi32, #tpu.memory_space<vmem>>
      %dma_start3A_104 = tpu.memref_squeeze %dma_start3A_103 : memref<1x128xi32, #tpu.memory_space<vmem>> -> memref<128xi32, #tpu.memory_space<vmem>>
      %dma_start3A_105 = arith.constant 0 : i32
      %dma_start3A_106 = arith.constant 0 : i32
      %dma_start3A_107 = tpu.memref_slice %arg2[%scan3A_73, %dma_start3A_105, %dma_start3A_106] : memref<2x10640x128xf32, #tpu.memory_space<hbm>> -> memref<1x10640x128xf32, #tpu.memory_space<hbm>>
      %dma_start3A_108 = tpu.memref_squeeze %dma_start3A_107 : memref<1x10640x128xf32, #tpu.memory_space<hbm>> -> memref<10640x128xf32, #tpu.memory_space<hbm>>
      %dma_start3A_109 = arith.constant 0 : i32
      %dma_start3A_110 = arith.constant 0 : i32
      %dma_start3A_111 = tpu.memref_slice %dma_start3A_108[%dma_start3A_109, %dma_start3A_110] : memref<10640x128xf32, #tpu.memory_space<hbm>> -> memref<10640x128xf32, #tpu.memory_space<hbm>>
      tpu.enqueue_indirect_dma source(%dma_start3A_111 : memref<10640x128xf32, #tpu.memory_space<hbm>>) target(%arg9 : memref<128x128xf32, #tpu.memory_space<vmem>>) offsets(%dma_start3A_104 : memref<128xi32, #tpu.memory_space<vmem>>) semaphore(%arg11 : memref<!tpu.dma_semaphore, #tpu.memory_space<semaphore_mem>>)
      %scan3A_112 = arith.constant 0 : i32
      %scan3A_113 = arith.constant 0 : i32
      %scan3A_114 = arith.constant 20 : i32
      %scan3A_115 = arith.addi %scan3A_113, %scan3A_114 : i32
      %scan3A_116 = arith.constant 1 : i32
      scf.for %scan3A_131 = %scan3A_113 to %scan3A_115 step %scan3A_116  : i32 {
        %mul3A_132 = arith.constant 2 : i32
        %mul3A_133 = arith.muli %scan3A_131, %mul3A_132 : i32
        %add3A_134 = arith.constant 0 : i32
        %add3A_135 = arith.addi %mul3A_133, %add3A_134 : i32
        %dma_wait3A_136 = arith.constant 0 : i32
        %dma_wait3A_137 = tpu.memref_slice %arg6[%add3A_135, %dma_wait3A_136] : memref<40x128xi32, #tpu.memory_space<vmem>> -> memref<1x128xi32, #tpu.memory_space<vmem>>
        %dma_wait3A_138 = tpu.memref_squeeze %dma_wait3A_137 : memref<1x128xi32, #tpu.memory_space<vmem>> -> memref<128xi32, #tpu.memory_space<vmem>>
        %dma_wait3A_139 = arith.constant 0 : i32
        %dma_wait3A_140 = arith.constant 0 : i32
        %dma_wait3A_141 = tpu.memref_slice %arg2[%scan3A_73, %dma_wait3A_139, %dma_wait3A_140] : memref<2x10640x128xf32, #tpu.memory_space<hbm>> -> memref<1x10640x128xf32, #tpu.memory_space<hbm>>
        %dma_wait3A_142 = tpu.memref_squeeze %dma_wait3A_141 : memref<1x10640x128xf32, #tpu.memory_space<hbm>> -> memref<10640x128xf32, #tpu.memory_space<hbm>>
        %dma_wait3A_143 = arith.constant 0 : i32
        %dma_wait3A_144 = arith.constant 0 : i32
        %dma_wait3A_145 = tpu.memref_slice %dma_wait3A_142[%dma_wait3A_143, %dma_wait3A_144] : memref<10640x128xf32, #tpu.memory_space<hbm>> -> memref<10640x128xf32, #tpu.memory_space<hbm>>
        tpu.wait_indirect_dma semaphore(%arg10 : memref<!tpu.dma_semaphore, #tpu.memory_space<semaphore_mem>>) src(%dma_wait3A_145 : memref<10640x128xf32, #tpu.memory_space<hbm>>) dst(%arg8 : memref<128x128xf32, #tpu.memory_space<vmem>>)
        %dma_start3A_146 = arith.constant 0 : i32
        %dma_start3A_147 = tpu.memref_slice %arg7[%add3A_135, %dma_start3A_146] : memref<40x128xi32, #tpu.memory_space<vmem>> -> memref<1x128xi32, #tpu.memory_space<vmem>>
        %dma_start3A_148 = tpu.memref_squeeze %dma_start3A_147 : memref<1x128xi32, #tpu.memory_space<vmem>> -> memref<128xi32, #tpu.memory_space<vmem>>
        %dma_start3A_149 = arith.constant 0 : i32
        %dma_start3A_150 = arith.constant 0 : i32
        %dma_start3A_151 = tpu.memref_slice %arg5[%dma_start3A_149, %dma_start3A_150] : memref<10240x128xf32, #tpu.memory_space<vmem_shared>> -> memref<10240x128xf32, #tpu.memory_space<vmem_shared>>
        tpu.enqueue_indirect_dma source(%arg8 : memref<128x128xf32, #tpu.memory_space<vmem>>) target(%dma_start3A_151 : memref<10240x128xf32, #tpu.memory_space<vmem_shared>>) offsets(%dma_start3A_148 : memref<128xi32, #tpu.memory_space<vmem>>) semaphore(%arg12 : memref<!tpu.dma_semaphore, #tpu.memory_space<semaphore_mem>>) {add = true}
        %add3A_152 = arith.constant 2 : i32
        %add3A_153 = arith.addi %add3A_135, %add3A_152 : i32
        %lt3A = arith.constant 40 : i32
        %lt3A_154 = arith.cmpi slt, %add3A_153, %lt3A : i32
        %convert_element_type3A = arith.extui %lt3A_154 : i1 to i32
        %cond3A = arith.constant 0 : i32
        %cond3A_155 = arith.cmpi ne, %convert_element_type3A, %cond3A : i32
        scf.if %cond3A_155 {
          %dma_wait3A_183 = arith.constant 0 : i32
          %dma_wait3A_184 = tpu.memref_slice %arg7[%add3A_135, %dma_wait3A_183] : memref<40x128xi32, #tpu.memory_space<vmem>> -> memref<1x128xi32, #tpu.memory_space<vmem>>
          %dma_wait3A_185 = tpu.memref_squeeze %dma_wait3A_184 : memref<1x128xi32, #tpu.memory_space<vmem>> -> memref<128xi32, #tpu.memory_space<vmem>>
          %dma_wait3A_186 = arith.constant 0 : i32
          %dma_wait3A_187 = arith.constant 0 : i32
          %dma_wait3A_188 = tpu.memref_slice %arg5[%dma_wait3A_186, %dma_wait3A_187] : memref<10240x128xf32, #tpu.memory_space<vmem_shared>> -> memref<10240x128xf32, #tpu.memory_space<vmem_shared>>
          tpu.wait_indirect_dma semaphore(%arg12 : memref<!tpu.dma_semaphore, #tpu.memory_space<semaphore_mem>>) src(%arg8 : memref<128x128xf32, #tpu.memory_space<vmem>>) dst(%dma_wait3A_188 : memref<10240x128xf32, #tpu.memory_space<vmem_shared>>)
          %add3A_189 = arith.constant 2 : i32
          %add3A_190 = arith.addi %add3A_135, %add3A_189 : i32
          %dma_start3A_191 = arith.constant 0 : i32
          %dma_start3A_192 = tpu.memref_slice %arg6[%add3A_190, %dma_start3A_191] : memref<40x128xi32, #tpu.memory_space<vmem>> -> memref<1x128xi32, #tpu.memory_space<vmem>>
          %dma_start3A_193 = tpu.memref_squeeze %dma_start3A_192 : memref<1x128xi32, #tpu.memory_space<vmem>> -> memref<128xi32, #tpu.memory_space<vmem>>
          %dma_start3A_194 = arith.constant 0 : i32
          %dma_start3A_195 = arith.constant 0 : i32
          %dma_start3A_196 = tpu.memref_slice %arg2[%scan3A_73, %dma_start3A_194, %dma_start3A_195] : memref<2x10640x128xf32, #tpu.memory_space<hbm>> -> memref<1x10640x128xf32, #tpu.memory_space<hbm>>
          %dma_start3A_197 = tpu.memref_squeeze %dma_start3A_196 : memref<1x10640x128xf32, #tpu.memory_space<hbm>> -> memref<10640x128xf32, #tpu.memory_space<hbm>>
          %dma_start3A_198 = arith.constant 0 : i32
          %dma_start3A_199 = arith.constant 0 : i32
          %dma_start3A_200 = tpu.memref_slice %dma_start3A_197[%dma_start3A_198, %dma_start3A_199] : memref<10640x128xf32, #tpu.memory_space<hbm>> -> memref<10640x128xf32, #tpu.memory_space<hbm>>
          tpu.enqueue_indirect_dma source(%dma_start3A_200 : memref<10640x128xf32, #tpu.memory_space<hbm>>) target(%arg8 : memref<128x128xf32, #tpu.memory_space<vmem>>) offsets(%dma_start3A_193 : memref<128xi32, #tpu.memory_space<vmem>>) semaphore(%arg10 : memref<!tpu.dma_semaphore, #tpu.memory_space<semaphore_mem>>)
        } else {
        }
        %mul3A_156 = arith.constant 2 : i32
        %mul3A_157 = arith.muli %scan3A_131, %mul3A_156 : i32
        %add3A_158 = arith.constant 1 : i32
        %add3A_159 = arith.addi %mul3A_157, %add3A_158 : i32
        %dma_wait3A_160 = arith.constant 0 : i32
        %dma_wait3A_161 = tpu.memref_slice %arg6[%add3A_159, %dma_wait3A_160] : memref<40x128xi32, #tpu.memory_space<vmem>> -> memref<1x128xi32, #tpu.memory_space<vmem>>
        %dma_wait3A_162 = tpu.memref_squeeze %dma_wait3A_161 : memref<1x128xi32, #tpu.memory_space<vmem>> -> memref<128xi32, #tpu.memory_space<vmem>>
        %dma_wait3A_163 = arith.constant 0 : i32
        %dma_wait3A_164 = arith.constant 0 : i32
        %dma_wait3A_165 = tpu.memref_slice %arg2[%scan3A_73, %dma_wait3A_163, %dma_wait3A_164] : memref<2x10640x128xf32, #tpu.memory_space<hbm>> -> memref<1x10640x128xf32, #tpu.memory_space<hbm>>
        %dma_wait3A_166 = tpu.memref_squeeze %dma_wait3A_165 : memref<1x10640x128xf32, #tpu.memory_space<hbm>> -> memref<10640x128xf32, #tpu.memory_space<hbm>>
        %dma_wait3A_167 = arith.constant 0 : i32
        %dma_wait3A_168 = arith.constant 0 : i32
        %dma_wait3A_169 = tpu.memref_slice %dma_wait3A_166[%dma_wait3A_167, %dma_wait3A_168] : memref<10640x128xf32, #tpu.memory_space<hbm>> -> memref<10640x128xf32, #tpu.memory_space<hbm>>
        tpu.wait_indirect_dma semaphore(%arg11 : memref<!tpu.dma_semaphore, #tpu.memory_space<semaphore_mem>>) src(%dma_wait3A_169 : memref<10640x128xf32, #tpu.memory_space<hbm>>) dst(%arg9 : memref<128x128xf32, #tpu.memory_space<vmem>>)
        %dma_start3A_170 = arith.constant 0 : i32
        %dma_start3A_171 = tpu.memref_slice %arg7[%add3A_159, %dma_start3A_170] : memref<40x128xi32, #tpu.memory_space<vmem>> -> memref<1x128xi32, #tpu.memory_space<vmem>>
        %dma_start3A_172 = tpu.memref_squeeze %dma_start3A_171 : memref<1x128xi32, #tpu.memory_space<vmem>> -> memref<128xi32, #tpu.memory_space<vmem>>
        %dma_start3A_173 = arith.constant 0 : i32
        %dma_start3A_174 = arith.constant 0 : i32
        %dma_start3A_175 = tpu.memref_slice %arg5[%dma_start3A_173, %dma_start3A_174] : memref<10240x128xf32, #tpu.memory_space<vmem_shared>> -> memref<10240x128xf32, #tpu.memory_space<vmem_shared>>
        tpu.enqueue_indirect_dma source(%arg9 : memref<128x128xf32, #tpu.memory_space<vmem>>) target(%dma_start3A_175 : memref<10240x128xf32, #tpu.memory_space<vmem_shared>>) offsets(%dma_start3A_172 : memref<128xi32, #tpu.memory_space<vmem>>) semaphore(%arg13 : memref<!tpu.dma_semaphore, #tpu.memory_space<semaphore_mem>>) {add = true}
        %add3A_176 = arith.constant 2 : i32
        %add3A_177 = arith.addi %add3A_159, %add3A_176 : i32
        %lt3A_178 = arith.constant 40 : i32
        %lt3A_179 = arith.cmpi slt, %add3A_177, %lt3A_178 : i32
        %convert_element_type3A_180 = arith.extui %lt3A_179 : i1 to i32
        %cond3A_181 = arith.constant 0 : i32
        %cond3A_182 = arith.cmpi ne, %convert_element_type3A_180, %cond3A_181 : i32
        scf.if %cond3A_182 {
          %dma_wait3A_183 = arith.constant 0 : i32
          %dma_wait3A_184 = tpu.memref_slice %arg7[%add3A_159, %dma_wait3A_183] : memref<40x128xi32, #tpu.memory_space<vmem>> -> memref<1x128xi32, #tpu.memory_space<vmem>>
          %dma_wait3A_185 = tpu.memref_squeeze %dma_wait3A_184 : memref<1x128xi32, #tpu.memory_space<vmem>> -> memref<128xi32, #tpu.memory_space<vmem>>
          %dma_wait3A_186 = arith.constant 0 : i32
          %dma_wait3A_187 = arith.constant 0 : i32
          %dma_wait3A_188 = tpu.memref_slice %arg5[%dma_wait3A_186, %dma_wait3A_187] : memref<10240x128xf32, #tpu.memory_space<vmem_shared>> -> memref<10240x128xf32, #tpu.memory_space<vmem_shared>>
          tpu.wait_indirect_dma semaphore(%arg13 : memref<!tpu.dma_semaphore, #tpu.memory_space<semaphore_mem>>) src(%arg9 : memref<128x128xf32, #tpu.memory_space<vmem>>) dst(%dma_wait3A_188 : memref<10240x128xf32, #tpu.memory_space<vmem_shared>>)
          %add3A_189 = arith.constant 2 : i32
          %add3A_190 = arith.addi %add3A_159, %add3A_189 : i32
          %dma_start3A_191 = arith.constant 0 : i32
          %dma_start3A_192 = tpu.memref_slice %arg6[%add3A_190, %dma_start3A_191] : memref<40x128xi32, #tpu.memory_space<vmem>> -> memref<1x128xi32, #tpu.memory_space<vmem>>
          %dma_start3A_193 = tpu.memref_squeeze %dma_start3A_192 : memref<1x128xi32, #tpu.memory_space<vmem>> -> memref<128xi32, #tpu.memory_space<vmem>>
          %dma_start3A_194 = arith.constant 0 : i32
          %dma_start3A_195 = arith.constant 0 : i32
          %dma_start3A_196 = tpu.memref_slice %arg2[%scan3A_73, %dma_start3A_194, %dma_start3A_195] : memref<2x10640x128xf32, #tpu.memory_space<hbm>> -> memref<1x10640x128xf32, #tpu.memory_space<hbm>>
          %dma_start3A_197 = tpu.memref_squeeze %dma_start3A_196 : memref<1x10640x128xf32, #tpu.memory_space<hbm>> -> memref<10640x128xf32, #tpu.memory_space<hbm>>
          %dma_start3A_198 = arith.constant 0 : i32
          %dma_start3A_199 = arith.constant 0 : i32
          %dma_start3A_200 = tpu.memref_slice %dma_start3A_197[%dma_start3A_198, %dma_start3A_199] : memref<10640x128xf32, #tpu.memory_space<hbm>> -> memref<10640x128xf32, #tpu.memory_space<hbm>>
          tpu.enqueue_indirect_dma source(%dma_start3A_200 : memref<10640x128xf32, #tpu.memory_space<hbm>>) target(%arg9 : memref<128x128xf32, #tpu.memory_space<vmem>>) offsets(%dma_start3A_193 : memref<128xi32, #tpu.memory_space<vmem>>) semaphore(%arg11 : memref<!tpu.dma_semaphore, #tpu.memory_space<semaphore_mem>>)
        } else {
        }
      }
      %scan3A_117 = arith.constant 20 : i32
      %dma_wait3A = arith.constant 38 : i32
      %dma_wait3A_118 = arith.constant 0 : i32
      %dma_wait3A_119 = tpu.memref_slice %arg7[%dma_wait3A, %dma_wait3A_118] : memref<40x128xi32, #tpu.memory_space<vmem>> -> memref<1x128xi32, #tpu.memory_space<vmem>>
      %dma_wait3A_120 = tpu.memref_squeeze %dma_wait3A_119 : memref<1x128xi32, #tpu.memory_space<vmem>> -> memref<128xi32, #tpu.memory_space<vmem>>
      %dma_wait3A_121 = arith.constant 0 : i32
      %dma_wait3A_122 = arith.constant 0 : i32
      %dma_wait3A_123 = tpu.memref_slice %arg5[%dma_wait3A_121, %dma_wait3A_122] : memref<10240x128xf32, #tpu.memory_space<vmem_shared>> -> memref<10240x128xf32, #tpu.memory_space<vmem_shared>>
      tpu.wait_indirect_dma semaphore(%arg12 : memref<!tpu.dma_semaphore, #tpu.memory_space<semaphore_mem>>) src(%arg8 : memref<128x128xf32, #tpu.memory_space<vmem>>) dst(%dma_wait3A_123 : memref<10240x128xf32, #tpu.memory_space<vmem_shared>>)
      %dma_wait3A_124 = arith.constant 39 : i32
      %dma_wait3A_125 = arith.constant 0 : i32
      %dma_wait3A_126 = tpu.memref_slice %arg7[%dma_wait3A_124, %dma_wait3A_125] : memref<40x128xi32, #tpu.memory_space<vmem>> -> memref<1x128xi32, #tpu.memory_space<vmem>>
      %dma_wait3A_127 = tpu.memref_squeeze %dma_wait3A_126 : memref<1x128xi32, #tpu.memory_space<vmem>> -> memref<128xi32, #tpu.memory_space<vmem>>
      %dma_wait3A_128 = arith.constant 0 : i32
      %dma_wait3A_129 = arith.constant 0 : i32
      %dma_wait3A_130 = tpu.memref_slice %arg5[%dma_wait3A_128, %dma_wait3A_129] : memref<10240x128xf32, #tpu.memory_space<vmem_shared>> -> memref<10240x128xf32, #tpu.memory_space<vmem_shared>>
      tpu.wait_indirect_dma semaphore(%arg13 : memref<!tpu.dma_semaphore, #tpu.memory_space<semaphore_mem>>) src(%arg9 : memref<128x128xf32, #tpu.memory_space<vmem>>) dst(%dma_wait3A_130 : memref<10240x128xf32, #tpu.memory_space<vmem_shared>>)
    }
    %scan3A_78 = arith.constant 2 : i32
    %barrier3A_79 = arith.constant 0 : index
    tpu.barrier barrier_id(%barrier3A_79)
    %mul3A_80 = arith.constant 640 : i32
    %mul3A_81 = arith.muli %arg1, %mul3A_80 : i32
    %mul3A_82 = arith.constant 640 : i32
    %mul3A_83 = arith.muli %arg1, %mul3A_82 : i32
    %run_scoped3A_84 = arith.constant 1 : i32
    "tpu.region"() ({
      %run_scoped3A_85 = tpu.sem_alloc : memref<!tpu.dma_semaphore, #tpu.memory_space<semaphore_mem>>
      %dma_start3A = arith.constant 0 : i32
      %dma_start3A_86 = tpu.memref_slice %arg4[%run_scoped3A_84, %arg0, %mul3A_83, %dma_start3A] : memref<2x2x10240x128xf32, #tpu.memory_space<hbm>> -> memref<1x1x640x128xf32, #tpu.memory_space<hbm>>
      %dma_start3A_87 = tpu.memref_squeeze %dma_start3A_86 : memref<1x1x640x128xf32, #tpu.memory_space<hbm>> -> memref<640x128xf32, #tpu.memory_space<hbm>>
      %dma_start3A_88 = arith.constant 0 : i32
      %dma_start3A_89 = tpu.memref_slice %arg5[%mul3A_81, %dma_start3A_88] : memref<10240x128xf32, #tpu.memory_space<vmem_shared>> -> memref<640x128xf32, #tpu.memory_space<vmem_shared>>
      tpu.enqueue_dma source(%dma_start3A_89 : memref<640x128xf32, #tpu.memory_space<vmem_shared>>) target(%dma_start3A_87 : memref<640x128xf32, #tpu.memory_space<hbm>>) target_semaphore(%run_scoped3A_85 : memref<!tpu.dma_semaphore, #tpu.memory_space<semaphore_mem>>)
      %dma_wait3A = arith.constant 0 : i32
      %dma_wait3A_90 = tpu.memref_slice %arg4[%run_scoped3A_84, %arg0, %mul3A_83, %dma_wait3A] : memref<2x2x10240x128xf32, #tpu.memory_space<hbm>> -> memref<1x1x640x128xf32, #tpu.memory_space<hbm>>
      %dma_wait3A_91 = tpu.memref_squeeze %dma_wait3A_90 : memref<1x1x640x128xf32, #tpu.memory_space<hbm>> -> memref<640x128xf32, #tpu.memory_space<hbm>>
      %dma_wait3A_92 = arith.constant 0 : i32
      %dma_wait3A_93 = tpu.memref_slice %arg5[%mul3A_81, %dma_wait3A_92] : memref<10240x128xf32, #tpu.memory_space<vmem_shared>> -> memref<640x128xf32, #tpu.memory_space<vmem_shared>>
      tpu.wait_dma2 semaphore(%run_scoped3A_85 : memref<!tpu.dma_semaphore, #tpu.memory_space<semaphore_mem>>) src(%dma_wait3A_93 : memref<640x128xf32, #tpu.memory_space<vmem_shared>>) dst(%dma_wait3A_91 : memref<640x128xf32, #tpu.memory_space<hbm>>)
      tpu.yield
    }) : () -> ()
    return
  }
}

module attributes {stable_mosaic.version = 14 : i64} {
  func.func @_tc1_body(%arg0: i32, %arg1: memref<1000x128xf32, #tpu.memory_space<vmem>>, %arg2: memref<2x1000x1xf32, #tpu.memory_space<vmem>>, %arg3: memref<128x128xf32, #tpu.memory_space<vmem>>, %arg4: memref<1x128xf32, #tpu.memory_space<vmem>>, %arg5: memref<1000x128xf32, #tpu.memory_space<vmem>>, %arg6: memref<1000x128xf32, #tpu.memory_space<vmem>>, %arg7: memref<1000x1xf32, #tpu.memory_space<vmem>>, %arg8: memref<1000x1xf32, #tpu.memory_space<vmem>>) attributes {dimension_semantics = [#tpu.dimension_semantics<arbitrary>], iteration_bounds = array<i64: 10>, scalar_prefetch = 0 : i64, scratch_operands = 0 : i64, tpu.core_type = #tpu.core_type<tc>, window_params = [{transform_indices = @transform_0, window_bounds = array<i64: 1000, 128>}, {transform_indices = @transform_1, window_bounds = array<i64: 2, 1000, 1>}, {pipeline_mode = #tpu.pipeline_mode<synchronous>, transform_indices = @transform_2, window_bounds = array<i64: 128, 128>}, {pipeline_mode = #tpu.pipeline_mode<synchronous>, transform_indices = @transform_3, window_bounds = array<i64: 1, 128>}, {transform_indices = @transform_4, window_bounds = array<i64: 1000, 128>}, {transform_indices = @transform_5, window_bounds = array<i64: 1000, 128>}, {transform_indices = @transform_6, window_bounds = array<i64: 1000, 1>}, {transform_indices = @transform_7, window_bounds = array<i64: 1000, 1>}]} {
    %get3A = arith.constant 0 : index
    %get3A_0 = arith.constant 0 : index
    %get3A_1 = arith.constant 0 : index
    %get3A_2 = vector.load %arg2[%get3A, %get3A_0, %get3A_1] : memref<2x1000x1xf32, #tpu.memory_space<vmem>>, vector<1x1000x1xf32>
    %get3A_3 = vector.shape_cast %get3A_2 : vector<1x1000x1xf32> to vector<1000x1xf32>
    %get3A_4 = arith.constant 1 : index
    %get3A_5 = arith.constant 0 : index
    %get3A_6 = arith.constant 0 : index
    %get3A_7 = vector.load %arg2[%get3A_4, %get3A_5, %get3A_6] : memref<2x1000x1xf32, #tpu.memory_space<vmem>>, vector<1x1000x1xf32>
    %get3A_8 = vector.shape_cast %get3A_7 : vector<1x1000x1xf32> to vector<1000x1xf32>
    %add3A = arith.addf %get3A_3, %get3A_8 : vector<1000x1xf32>
    %add3A_9 = arith.constant 1.000000e+00 : f32
    %add3A_10 = vector.broadcast %add3A_9 : f32 to vector<1000x1xf32>
    %add3A_11 = arith.addf %add3A, %add3A_10 : vector<1000x1xf32>
    %rsqrt3A = math.rsqrt %add3A_11 : vector<1000x1xf32>
    %div3A = arith.constant 1.000000e+00 : f32
    %div3A_12 = vector.broadcast %div3A : f32 to vector<1000x1xf32>
    %div3A_13 = arith.divf %div3A_12, %add3A_11 : vector<1000x1xf32>
    %get3A_14 = arith.constant 0 : index
    %get3A_15 = arith.constant 0 : index
    %get3A_16 = vector.load %arg1[%get3A_14, %get3A_15] : memref<1000x128xf32, #tpu.memory_space<vmem>>, vector<1000x128xf32>
    %get3A_17 = arith.constant 0 : index
    %get3A_18 = arith.constant 0 : index
    %get3A_19 = vector.load %arg3[%get3A_17, %get3A_18] : memref<128x128xf32, #tpu.memory_space<vmem>>, vector<128x128xf32>
    %dot_general3A = arith.constant dense<0.000000e+00> : vector<1000x128xf32>
    %dot_general3A_20 = tpu.matmul %get3A_16, %get3A_19, %dot_general3A {dimension_numbers = #tpu.dot_dimension_numbers<[1], [0], [0], [1], [0, 0, 1, 1], [], []>, transpose_lhs_hint = false} : vector<1000x128xf32>, vector<128x128xf32>, vector<1000x128xf32> -> vector<1000x128xf32>
    %get3A_21 = arith.constant 0 : index
    %get3A_22 = arith.constant 0 : index
    %get3A_23 = vector.load %arg4[%get3A_21, %get3A_22] : memref<1x128xf32, #tpu.memory_space<vmem>>, vector<1x128xf32>
    %add3A_24 = vector.broadcast %get3A_23 : vector<1x128xf32> to vector<1000x128xf32>
    %add3A_25 = arith.addf %dot_general3A_20, %add3A_24 : vector<1000x128xf32>
    %swap3A = arith.constant 0 : index
    %swap3A_26 = arith.constant 0 : index
    %swap3A_27 = vector.load %arg5[%swap3A, %swap3A_26] : memref<1000x128xf32, #tpu.memory_space<vmem>>, vector<1000x128xf32>
    tpu.vector_store %arg5[%swap3A, %swap3A_26], %add3A_25 {strides = array<i32>} : memref<1000x128xf32, #tpu.memory_space<vmem>>, vector<1000x128xf32>,
    %mul3A = vector.broadcast %rsqrt3A : vector<1000x1xf32> to vector<1000x128xf32>
    %mul3A_28 = arith.mulf %mul3A, %add3A_25 : vector<1000x128xf32>
    %swap3A_29 = arith.constant 0 : index
    %swap3A_30 = arith.constant 0 : index
    %swap3A_31 = vector.load %arg6[%swap3A_29, %swap3A_30] : memref<1000x128xf32, #tpu.memory_space<vmem>>, vector<1000x128xf32>
    tpu.vector_store %arg6[%swap3A_29, %swap3A_30], %mul3A_28 {strides = array<i32>} : memref<1000x128xf32, #tpu.memory_space<vmem>>, vector<1000x128xf32>,
    %swap3A_32 = arith.constant 0 : index
    %swap3A_33 = arith.constant 0 : index
    %swap3A_34 = vector.load %arg7[%swap3A_32, %swap3A_33] : memref<1000x1xf32, #tpu.memory_space<vmem>>, vector<1000x1xf32>
    tpu.vector_store %arg7[%swap3A_32, %swap3A_33], %rsqrt3A {strides = array<i32>} : memref<1000x1xf32, #tpu.memory_space<vmem>>, vector<1000x1xf32>,
    %swap3A_35 = arith.constant 0 : index
    %swap3A_36 = arith.constant 0 : index
    %swap3A_37 = vector.load %arg8[%swap3A_35, %swap3A_36] : memref<1000x1xf32, #tpu.memory_space<vmem>>, vector<1000x1xf32>
    tpu.vector_store %arg8[%swap3A_35, %swap3A_36], %div3A_13 {strides = array<i32>} : memref<1000x1xf32, #tpu.memory_space<vmem>>, vector<1000x1xf32>,
    return
  }
  func.func @transform_0(%arg0: i32) -> (i32, i32) {
    %c0_i32 = arith.constant 0 : i32
    %c0_i32_0 = arith.constant 0 : i32
    return %arg0, %c0_i32 : i32, i32
  }
  func.func @transform_1(%arg0: i32) -> (i32, i32, i32) {
    %c0_i32 = arith.constant 0 : i32
    %c0_i32_0 = arith.constant 0 : i32
    %c0_i32_1 = arith.constant 0 : i32
    return %c0_i32, %arg0, %c0_i32_0 : i32, i32, i32
  }
  func.func @transform_2(%arg0: i32) -> (i32, i32) {
    %c0_i32 = arith.constant 0 : i32
    %c0_i32_0 = arith.constant 0 : i32
    %c0_i32_1 = arith.constant 0 : i32
    return %c0_i32, %c0_i32_0 : i32, i32
  }
  func.func @transform_3(%arg0: i32) -> (i32, i32) {
    %c0_i32 = arith.constant 0 : i32
    %c0_i32_0 = arith.constant 0 : i32
    %c0_i32_1 = arith.constant 0 : i32
    return %c0_i32, %c0_i32_0 : i32, i32
  }
  func.func @transform_4(%arg0: i32) -> (i32, i32) {
    %c0_i32 = arith.constant 0 : i32
    %c0_i32_0 = arith.constant 0 : i32
    return %arg0, %c0_i32 : i32, i32
  }
  func.func @transform_5(%arg0: i32) -> (i32, i32) {
    %c0_i32 = arith.constant 0 : i32
    %c0_i32_0 = arith.constant 0 : i32
    return %arg0, %c0_i32 : i32, i32
  }
  func.func @transform_6(%arg0: i32) -> (i32, i32) {
    %c0_i32 = arith.constant 0 : i32
    %c0_i32_0 = arith.constant 0 : i32
    return %arg0, %c0_i32 : i32, i32
  }
  func.func @transform_7(%arg0: i32) -> (i32, i32) {
    %c0_i32 = arith.constant 0 : i32
    %c0_i32_0 = arith.constant 0 : i32
    return %arg0, %c0_i32 : i32, i32
  }
}

module attributes {stable_mosaic.version = 14 : i64} {
  func.func @_tc2_body(%arg0: i32, %arg1: memref<2x1000x128xf32, #tpu.memory_space<vmem>>, %arg2: memref<1000x128xf32, #tpu.memory_space<vmem>>, %arg3: memref<1000x1xf32, #tpu.memory_space<vmem>>, %arg4: memref<1000x1xf32, #tpu.memory_space<vmem>>, %arg5: memref<128x128xf32, #tpu.memory_space<vmem>>, %arg6: memref<1x128xf32, #tpu.memory_space<vmem>>, %arg7: memref<2x1000x128xf32, #tpu.memory_space<vmem>>, %arg8: memref<2x1000x128xf32, #tpu.memory_space<vmem>>) attributes {dimension_semantics = [#tpu.dimension_semantics<arbitrary>], iteration_bounds = array<i64: 10>, scalar_prefetch = 0 : i64, scratch_operands = 0 : i64, tpu.core_type = #tpu.core_type<tc>, window_params = [{transform_indices = @transform_0, window_bounds = array<i64: 2, 1000, 128>}, {transform_indices = @transform_1, window_bounds = array<i64: 1000, 128>}, {transform_indices = @transform_2, window_bounds = array<i64: 1000, 1>}, {transform_indices = @transform_3, window_bounds = array<i64: 1000, 1>}, {pipeline_mode = #tpu.pipeline_mode<synchronous>, transform_indices = @transform_4, window_bounds = array<i64: 128, 128>}, {pipeline_mode = #tpu.pipeline_mode<synchronous>, transform_indices = @transform_5, window_bounds = array<i64: 1, 128>}, {transform_indices = @transform_6, window_bounds = array<i64: 2, 1000, 128>}, {transform_indices = @transform_7, window_bounds = array<i64: 2, 1000, 128>}]} {
    %get3A = arith.constant 0 : index
    %get3A_0 = arith.constant 0 : index
    %get3A_1 = vector.load %arg3[%get3A, %get3A_0] : memref<1000x1xf32, #tpu.memory_space<vmem>>, vector<1000x1xf32>
    %get3A_2 = arith.constant 0 : index
    %get3A_3 = arith.constant 0 : index
    %get3A_4 = vector.load %arg4[%get3A_2, %get3A_3] : memref<1000x1xf32, #tpu.memory_space<vmem>>, vector<1000x1xf32>
    %get3A_5 = arith.constant 0 : index
    %get3A_6 = arith.constant 0 : index
    %get3A_7 = vector.load %arg2[%get3A_5, %get3A_6] : memref<1000x128xf32, #tpu.memory_space<vmem>>, vector<1000x128xf32>
    %get3A_8 = arith.constant 0 : index
    %get3A_9 = arith.constant 0 : index
    %get3A_10 = arith.constant 0 : index
    %get3A_11 = vector.load %arg1[%get3A_8, %get3A_9, %get3A_10] : memref<2x1000x128xf32, #tpu.memory_space<vmem>>, vector<1x1000x128xf32>
    %get3A_12 = vector.shape_cast %get3A_11 : vector<1x1000x128xf32> to vector<1000x128xf32>
    %get3A_13 = arith.constant 1 : index
    %get3A_14 = arith.constant 0 : index
    %get3A_15 = arith.constant 0 : index
    %get3A_16 = vector.load %arg1[%get3A_13, %get3A_14, %get3A_15] : memref<2x1000x128xf32, #tpu.memory_space<vmem>>, vector<1x1000x128xf32>
    %get3A_17 = vector.shape_cast %get3A_16 : vector<1x1000x128xf32> to vector<1000x128xf32>
    %add3A = arith.addf %get3A_12, %get3A_17 : vector<1000x128xf32>
    %mul3A = vector.broadcast %get3A_1 : vector<1000x1xf32> to vector<1000x128xf32>
    %mul3A_18 = arith.mulf %mul3A, %add3A : vector<1000x128xf32>
    %mul3A_19 = vector.broadcast %get3A_4 : vector<1000x1xf32> to vector<1000x128xf32>
    %mul3A_20 = arith.mulf %mul3A_19, %get3A_7 : vector<1000x128xf32>
    %add3A_21 = arith.addf %mul3A_18, %mul3A_20 : vector<1000x128xf32>
    %max3A = arith.constant 0.000000e+00 : f32
    %max3A_22 = vector.broadcast %max3A : f32 to vector<1000x128xf32>
    %max3A_23 = arith.maximumf %add3A_21, %max3A_22 : vector<1000x128xf32>
    %sub3A = arith.subf %get3A_7, %mul3A_18 : vector<1000x128xf32>
    %max3A_24 = arith.constant 0.000000e+00 : f32
    %max3A_25 = vector.broadcast %max3A_24 : f32 to vector<1000x128xf32>
    %max3A_26 = arith.maximumf %sub3A, %max3A_25 : vector<1000x128xf32>
    %get3A_27 = arith.constant 0 : index
    %get3A_28 = arith.constant 0 : index
    %get3A_29 = vector.load %arg5[%get3A_27, %get3A_28] : memref<128x128xf32, #tpu.memory_space<vmem>>, vector<128x128xf32>
    %get3A_30 = arith.constant 0 : index
    %get3A_31 = arith.constant 0 : index
    %get3A_32 = vector.load %arg6[%get3A_30, %get3A_31] : memref<1x128xf32, #tpu.memory_space<vmem>>, vector<1x128xf32>
    %dot_general3A = arith.constant dense<0.000000e+00> : vector<1000x128xf32>
    %dot_general3A_33 = tpu.matmul %max3A_23, %get3A_29, %dot_general3A {dimension_numbers = #tpu.dot_dimension_numbers<[1], [0], [0], [1], [0, 0, 1, 1], [], []>, transpose_lhs_hint = false} : vector<1000x128xf32>, vector<128x128xf32>, vector<1000x128xf32> -> vector<1000x128xf32>
    %add3A_34 = vector.broadcast %get3A_32 : vector<1x128xf32> to vector<1000x128xf32>
    %add3A_35 = arith.addf %dot_general3A_33, %add3A_34 : vector<1000x128xf32>
    %dot_general3A_36 = arith.constant dense<0.000000e+00> : vector<1000x128xf32>
    %dot_general3A_37 = tpu.matmul %max3A_26, %get3A_29, %dot_general3A_36 {dimension_numbers = #tpu.dot_dimension_numbers<[1], [0], [0], [1], [0, 0, 1, 1], [], []>, transpose_lhs_hint = false} : vector<1000x128xf32>, vector<128x128xf32>, vector<1000x128xf32> -> vector<1000x128xf32>
    %add3A_38 = vector.broadcast %get3A_32 : vector<1x128xf32> to vector<1000x128xf32>
    %add3A_39 = arith.addf %dot_general3A_37, %add3A_38 : vector<1000x128xf32>
    %swap3A = arith.constant 0 : index
    %swap3A_40 = arith.constant 0 : index
    %swap3A_41 = arith.constant 0 : index
    %swap3A_42 = vector.load %arg7[%swap3A, %swap3A_40, %swap3A_41] : memref<2x1000x128xf32, #tpu.memory_space<vmem>>, vector<1x1000x128xf32>
    %swap3A_43 = vector.shape_cast %swap3A_42 : vector<1x1000x128xf32> to vector<1000x128xf32>
    %swap3A_44 = vector.shape_cast %add3A_35 : vector<1000x128xf32> to vector<1x1000x128xf32>
    tpu.vector_store %arg7[%swap3A, %swap3A_40, %swap3A_41], %swap3A_44 {strides = array<i32>} : memref<2x1000x128xf32, #tpu.memory_space<vmem>>, vector<1x1000x128xf32>,
    %swap3A_45 = arith.constant 1 : index
    %swap3A_46 = arith.constant 0 : index
    %swap3A_47 = arith.constant 0 : index
    %swap3A_48 = vector.load %arg7[%swap3A_45, %swap3A_46, %swap3A_47] : memref<2x1000x128xf32, #tpu.memory_space<vmem>>, vector<1x1000x128xf32>
    %swap3A_49 = vector.shape_cast %swap3A_48 : vector<1x1000x128xf32> to vector<1000x128xf32>
    %swap3A_50 = vector.shape_cast %add3A_39 : vector<1000x128xf32> to vector<1x1000x128xf32>
    tpu.vector_store %arg7[%swap3A_45, %swap3A_46, %swap3A_47], %swap3A_50 {strides = array<i32>} : memref<2x1000x128xf32, #tpu.memory_space<vmem>>, vector<1x1000x128xf32>,
    %mul3A_51 = vector.broadcast %get3A_1 : vector<1000x1xf32> to vector<1000x128xf32>
    %mul3A_52 = arith.mulf %mul3A_51, %add3A_35 : vector<1000x128xf32>
    %mul3A_53 = vector.broadcast %get3A_1 : vector<1000x1xf32> to vector<1000x128xf32>
    %mul3A_54 = arith.mulf %mul3A_53, %add3A_39 : vector<1000x128xf32>
    %slice3A = vector.extract_strided_slice %mul3A_52 {offsets = [0, 0], sizes = [1000, 64], strides = [1, 1]} : vector<1000x128xf32> to vector<1000x64xf32>
    %slice3A_55 = vector.extract_strided_slice %mul3A_54 {offsets = [0, 0], sizes = [1000, 64], strides = [1, 1]} : vector<1000x128xf32> to vector<1000x64xf32>
    %concatenate3A = tpu.concatenate %slice3A, %slice3A_55 in 1 : vector<1000x64xf32>, vector<1000x64xf32> -> vector<1000x128xf32>
    %swap3A_56 = arith.constant 0 : index
    %swap3A_57 = arith.constant 0 : index
    %swap3A_58 = arith.constant 0 : index
    %swap3A_59 = vector.load %arg8[%swap3A_56, %swap3A_57, %swap3A_58] : memref<2x1000x128xf32, #tpu.memory_space<vmem>>, vector<1x1000x128xf32>
    %swap3A_60 = vector.shape_cast %swap3A_59 : vector<1x1000x128xf32> to vector<1000x128xf32>
    %swap3A_61 = vector.shape_cast %concatenate3A : vector<1000x128xf32> to vector<1x1000x128xf32>
    tpu.vector_store %arg8[%swap3A_56, %swap3A_57, %swap3A_58], %swap3A_61 {strides = array<i32>} : memref<2x1000x128xf32, #tpu.memory_space<vmem>>, vector<1x1000x128xf32>,
    %slice3A_62 = vector.extract_strided_slice %mul3A_52 {offsets = [0, 64], sizes = [1000, 64], strides = [1, 1]} : vector<1000x128xf32> to vector<1000x64xf32>
    %slice3A_63 = vector.extract_strided_slice %mul3A_54 {offsets = [0, 64], sizes = [1000, 64], strides = [1, 1]} : vector<1000x128xf32> to vector<1000x64xf32>
    %concatenate3A_64 = tpu.concatenate %slice3A_62, %slice3A_63 in 1 : vector<1000x64xf32>, vector<1000x64xf32> -> vector<1000x128xf32>
    %swap3A_65 = arith.constant 1 : index
    %swap3A_66 = arith.constant 0 : index
    %swap3A_67 = arith.constant 0 : index
    %swap3A_68 = vector.load %arg8[%swap3A_65, %swap3A_66, %swap3A_67] : memref<2x1000x128xf32, #tpu.memory_space<vmem>>, vector<1x1000x128xf32>
    %swap3A_69 = vector.shape_cast %swap3A_68 : vector<1x1000x128xf32> to vector<1000x128xf32>
    %swap3A_70 = vector.shape_cast %concatenate3A_64 : vector<1000x128xf32> to vector<1x1000x128xf32>
    tpu.vector_store %arg8[%swap3A_65, %swap3A_66, %swap3A_67], %swap3A_70 {strides = array<i32>} : memref<2x1000x128xf32, #tpu.memory_space<vmem>>, vector<1x1000x128xf32>,
    return
  }
  func.func @transform_0(%arg0: i32) -> (i32, i32, i32) {
    %c0_i32 = arith.constant 0 : i32
    %c0_i32_0 = arith.constant 0 : i32
    %c0_i32_1 = arith.constant 0 : i32
    return %c0_i32, %arg0, %c0_i32_0 : i32, i32, i32
  }
  func.func @transform_1(%arg0: i32) -> (i32, i32) {
    %c0_i32 = arith.constant 0 : i32
    %c0_i32_0 = arith.constant 0 : i32
    return %arg0, %c0_i32 : i32, i32
  }
  func.func @transform_2(%arg0: i32) -> (i32, i32) {
    %c0_i32 = arith.constant 0 : i32
    %c0_i32_0 = arith.constant 0 : i32
    return %arg0, %c0_i32 : i32, i32
  }
  func.func @transform_3(%arg0: i32) -> (i32, i32) {
    %c0_i32 = arith.constant 0 : i32
    %c0_i32_0 = arith.constant 0 : i32
    return %arg0, %c0_i32 : i32, i32
  }
  func.func @transform_4(%arg0: i32) -> (i32, i32) {
    %c0_i32 = arith.constant 0 : i32
    %c0_i32_0 = arith.constant 0 : i32
    %c0_i32_1 = arith.constant 0 : i32
    return %c0_i32, %c0_i32_0 : i32, i32
  }
  func.func @transform_5(%arg0: i32) -> (i32, i32) {
    %c0_i32 = arith.constant 0 : i32
    %c0_i32_0 = arith.constant 0 : i32
    %c0_i32_1 = arith.constant 0 : i32
    return %c0_i32, %c0_i32_0 : i32, i32
  }
  func.func @transform_6(%arg0: i32) -> (i32, i32, i32) {
    %c0_i32 = arith.constant 0 : i32
    %c0_i32_0 = arith.constant 0 : i32
    %c0_i32_1 = arith.constant 0 : i32
    return %c0_i32, %arg0, %c0_i32_0 : i32, i32, i32
  }
  func.func @transform_7(%arg0: i32) -> (i32, i32, i32) {
    %c0_i32 = arith.constant 0 : i32
    %c0_i32_0 = arith.constant 0 : i32
    %c0_i32_1 = arith.constant 0 : i32
    return %c0_i32, %arg0, %c0_i32_0 : i32, i32, i32
  }
}

module attributes {stable_mosaic.version = 14 : i64} {
  func.func @_tc3_body(%arg0: i32, %arg1: memref<2x2x1000x128xf32, #tpu.memory_space<vmem>>, %arg2: memref<2x1000x128xf32, #tpu.memory_space<vmem>>, %arg3: memref<1000x1xf32, #tpu.memory_space<vmem>>, %arg4: memref<1000x1xf32, #tpu.memory_space<vmem>>, %arg5: memref<128x128xf32, #tpu.memory_space<vmem>>, %arg6: memref<1x128xf32, #tpu.memory_space<vmem>>, %arg7: memref<1000x128xf32, #tpu.memory_space<vmem>>, %arg8: memref<1000x128xf32, #tpu.memory_space<vmem>>, %arg9: memref<1000x128xf32, #tpu.memory_space<vmem>>, %arg10: memref<1000x128xf32, #tpu.memory_space<vmem>>) attributes {dimension_semantics = [#tpu.dimension_semantics<arbitrary>], iteration_bounds = array<i64: 10>, scalar_prefetch = 0 : i64, scratch_operands = 0 : i64, tpu.core_type = #tpu.core_type<tc>, window_params = [{transform_indices = @transform_0, window_bounds = array<i64: 2, 2, 1000, 128>}, {transform_indices = @transform_1, window_bounds = array<i64: 2, 1000, 128>}, {transform_indices = @transform_2, window_bounds = array<i64: 1000, 1>}, {transform_indices = @transform_3, window_bounds = array<i64: 1000, 1>}, {pipeline_mode = #tpu.pipeline_mode<synchronous>, transform_indices = @transform_4, window_bounds = array<i64: 128, 128>}, {pipeline_mode = #tpu.pipeline_mode<synchronous>, transform_indices = @transform_5, window_bounds = array<i64: 1, 128>}, {transform_indices = @transform_6, window_bounds = array<i64: 1000, 128>}, {transform_indices = @transform_7, window_bounds = array<i64: 1000, 128>}, {transform_indices = @transform_8, window_bounds = array<i64: 1000, 128>}, {transform_indices = @transform_9, window_bounds = array<i64: 1000, 128>}]} {
    %get3A = arith.constant 0 : index
    %get3A_0 = arith.constant 0 : index
    %get3A_1 = vector.load %arg3[%get3A, %get3A_0] : memref<1000x1xf32, #tpu.memory_space<vmem>>, vector<1000x1xf32>
    %get3A_2 = arith.constant 0 : index
    %get3A_3 = arith.constant 0 : index
    %get3A_4 = vector.load %arg4[%get3A_2, %get3A_3] : memref<1000x1xf32, #tpu.memory_space<vmem>>, vector<1000x1xf32>
    %get3A_5 = arith.constant 0 : index
    %get3A_6 = arith.constant 0 : index
    %get3A_7 = arith.constant 0 : index
    %get3A_8 = arith.constant 0 : index
    %get3A_9 = vector.load %arg1[%get3A_5, %get3A_6, %get3A_7, %get3A_8] : memref<2x2x1000x128xf32, #tpu.memory_space<vmem>>, vector<1x1x1000x128xf32>
    %get3A_10 = vector.shape_cast %get3A_9 : vector<1x1x1000x128xf32> to vector<1000x128xf32>
    %get3A_11 = arith.constant 0 : index
    %get3A_12 = arith.constant 1 : index
    %get3A_13 = arith.constant 0 : index
    %get3A_14 = arith.constant 0 : index
    %get3A_15 = vector.load %arg1[%get3A_11, %get3A_12, %get3A_13, %get3A_14] : memref<2x2x1000x128xf32, #tpu.memory_space<vmem>>, vector<1x1x1000x128xf32>
    %get3A_16 = vector.shape_cast %get3A_15 : vector<1x1x1000x128xf32> to vector<1000x128xf32>
    %add3A = arith.addf %get3A_10, %get3A_16 : vector<1000x128xf32>
    %get3A_17 = arith.constant 1 : index
    %get3A_18 = arith.constant 0 : index
    %get3A_19 = arith.constant 0 : index
    %get3A_20 = arith.constant 0 : index
    %get3A_21 = vector.load %arg1[%get3A_17, %get3A_18, %get3A_19, %get3A_20] : memref<2x2x1000x128xf32, #tpu.memory_space<vmem>>, vector<1x1x1000x128xf32>
    %get3A_22 = vector.shape_cast %get3A_21 : vector<1x1x1000x128xf32> to vector<1000x128xf32>
    %get3A_23 = arith.constant 1 : index
    %get3A_24 = arith.constant 1 : index
    %get3A_25 = arith.constant 0 : index
    %get3A_26 = arith.constant 0 : index
    %get3A_27 = vector.load %arg1[%get3A_23, %get3A_24, %get3A_25, %get3A_26] : memref<2x2x1000x128xf32, #tpu.memory_space<vmem>>, vector<1x1x1000x128xf32>
    %get3A_28 = vector.shape_cast %get3A_27 : vector<1x1x1000x128xf32> to vector<1000x128xf32>
    %add3A_29 = arith.addf %get3A_22, %get3A_28 : vector<1000x128xf32>
    %slice3A = vector.extract_strided_slice %add3A {offsets = [0, 0], sizes = [1000, 64], strides = [1, 1]} : vector<1000x128xf32> to vector<1000x64xf32>
    %slice3A_30 = vector.extract_strided_slice %add3A_29 {offsets = [0, 0], sizes = [1000, 64], strides = [1, 1]} : vector<1000x128xf32> to vector<1000x64xf32>
    %concatenate3A = tpu.concatenate %slice3A, %slice3A_30 in 1 : vector<1000x64xf32>, vector<1000x64xf32> -> vector<1000x128xf32>
    %slice3A_31 = vector.extract_strided_slice %add3A {offsets = [0, 64], sizes = [1000, 64], strides = [1, 1]} : vector<1000x128xf32> to vector<1000x64xf32>
    %slice3A_32 = vector.extract_strided_slice %add3A_29 {offsets = [0, 64], sizes = [1000, 64], strides = [1, 1]} : vector<1000x128xf32> to vector<1000x64xf32>
    %concatenate3A_33 = tpu.concatenate %slice3A_31, %slice3A_32 in 1 : vector<1000x64xf32>, vector<1000x64xf32> -> vector<1000x128xf32>
    %mul3A = vector.broadcast %get3A_1 : vector<1000x1xf32> to vector<1000x128xf32>
    %mul3A_34 = arith.mulf %mul3A, %concatenate3A : vector<1000x128xf32>
    %get3A_35 = arith.constant 0 : index
    %get3A_36 = arith.constant 0 : index
    %get3A_37 = arith.constant 0 : index
    %get3A_38 = vector.load %arg2[%get3A_35, %get3A_36, %get3A_37] : memref<2x1000x128xf32, #tpu.memory_space<vmem>>, vector<1x1000x128xf32>
    %get3A_39 = vector.shape_cast %get3A_38 : vector<1x1000x128xf32> to vector<1000x128xf32>
    %mul3A_40 = vector.broadcast %get3A_4 : vector<1000x1xf32> to vector<1000x128xf32>
    %mul3A_41 = arith.mulf %mul3A_40, %get3A_39 : vector<1000x128xf32>
    %add3A_42 = arith.addf %mul3A_34, %mul3A_41 : vector<1000x128xf32>
    %get3A_43 = arith.constant 1 : index
    %get3A_44 = arith.constant 0 : index
    %get3A_45 = arith.constant 0 : index
    %get3A_46 = vector.load %arg2[%get3A_43, %get3A_44, %get3A_45] : memref<2x1000x128xf32, #tpu.memory_space<vmem>>, vector<1x1000x128xf32>
    %get3A_47 = vector.shape_cast %get3A_46 : vector<1x1000x128xf32> to vector<1000x128xf32>
    %mul3A_48 = vector.broadcast %get3A_1 : vector<1000x1xf32> to vector<1000x128xf32>
    %mul3A_49 = arith.mulf %mul3A_48, %concatenate3A_33 : vector<1000x128xf32>
    %sub3A = arith.subf %get3A_47, %mul3A_49 : vector<1000x128xf32>
    %get3A_50 = arith.constant 0 : index
    %get3A_51 = arith.constant 0 : index
    %get3A_52 = vector.load %arg5[%get3A_50, %get3A_51] : memref<128x128xf32, #tpu.memory_space<vmem>>, vector<128x128xf32>
    %get3A_53 = arith.constant 0 : index
    %get3A_54 = arith.constant 0 : index
    %get3A_55 = vector.load %arg6[%get3A_53, %get3A_54] : memref<1x128xf32, #tpu.memory_space<vmem>>, vector<1x128xf32>
    %swap3A = arith.constant 0 : index
    %swap3A_56 = arith.constant 0 : index
    %swap3A_57 = vector.load %arg7[%swap3A, %swap3A_56] : memref<1000x128xf32, #tpu.memory_space<vmem>>, vector<1000x128xf32>
    tpu.vector_store %arg7[%swap3A, %swap3A_56], %add3A_42 {strides = array<i32>} : memref<1000x128xf32, #tpu.memory_space<vmem>>, vector<1000x128xf32>,
    %swap3A_58 = arith.constant 0 : index
    %swap3A_59 = arith.constant 0 : index
    %swap3A_60 = vector.load %arg8[%swap3A_58, %swap3A_59] : memref<1000x128xf32, #tpu.memory_space<vmem>>, vector<1000x128xf32>
    tpu.vector_store %arg8[%swap3A_58, %swap3A_59], %sub3A {strides = array<i32>} : memref<1000x128xf32, #tpu.memory_space<vmem>>, vector<1000x128xf32>,
    %dot_general3A = arith.constant dense<0.000000e+00> : vector<1000x128xf32>
    %dot_general3A_61 = tpu.matmul %add3A_42, %get3A_52, %dot_general3A {dimension_numbers = #tpu.dot_dimension_numbers<[1], [0], [0], [1], [0, 0, 1, 1], [], []>, transpose_lhs_hint = false} : vector<1000x128xf32>, vector<128x128xf32>, vector<1000x128xf32> -> vector<1000x128xf32>
    %add3A_62 = vector.broadcast %get3A_55 : vector<1x128xf32> to vector<1000x128xf32>
    %add3A_63 = arith.addf %dot_general3A_61, %add3A_62 : vector<1000x128xf32>
    %swap3A_64 = arith.constant 0 : index
    %swap3A_65 = arith.constant 0 : index
    %swap3A_66 = vector.load %arg9[%swap3A_64, %swap3A_65] : memref<1000x128xf32, #tpu.memory_space<vmem>>, vector<1000x128xf32>
    tpu.vector_store %arg9[%swap3A_64, %swap3A_65], %add3A_63 {strides = array<i32>} : memref<1000x128xf32, #tpu.memory_space<vmem>>, vector<1000x128xf32>,
    %dot_general3A_67 = arith.constant dense<0.000000e+00> : vector<1000x128xf32>
    %dot_general3A_68 = tpu.matmul %sub3A, %get3A_52, %dot_general3A_67 {dimension_numbers = #tpu.dot_dimension_numbers<[1], [0], [0], [1], [0, 0, 1, 1], [], []>, transpose_lhs_hint = false} : vector<1000x128xf32>, vector<128x128xf32>, vector<1000x128xf32> -> vector<1000x128xf32>
    %add3A_69 = vector.broadcast %get3A_55 : vector<1x128xf32> to vector<1000x128xf32>
    %add3A_70 = arith.addf %dot_general3A_68, %add3A_69 : vector<1000x128xf32>
    %swap3A_71 = arith.constant 0 : index
    %swap3A_72 = arith.constant 0 : index
    %swap3A_73 = vector.load %arg10[%swap3A_71, %swap3A_72] : memref<1000x128xf32, #tpu.memory_space<vmem>>, vector<1000x128xf32>
    tpu.vector_store %arg10[%swap3A_71, %swap3A_72], %add3A_70 {strides = array<i32>} : memref<1000x128xf32, #tpu.memory_space<vmem>>, vector<1000x128xf32>,
    return
  }
  func.func @transform_0(%arg0: i32) -> (i32, i32, i32, i32) {
    %c0_i32 = arith.constant 0 : i32
    %c0_i32_0 = arith.constant 0 : i32
    %c0_i32_1 = arith.constant 0 : i32
    %c0_i32_2 = arith.constant 0 : i32
    return %c0_i32, %c0_i32_0, %arg0, %c0_i32_1 : i32, i32, i32, i32
  }
  func.func @transform_1(%arg0: i32) -> (i32, i32, i32) {
    %c0_i32 = arith.constant 0 : i32
    %c0_i32_0 = arith.constant 0 : i32
    %c0_i32_1 = arith.constant 0 : i32
    return %c0_i32, %arg0, %c0_i32_0 : i32, i32, i32
  }
  func.func @transform_2(%arg0: i32) -> (i32, i32) {
    %c0_i32 = arith.constant 0 : i32
    %c0_i32_0 = arith.constant 0 : i32
    return %arg0, %c0_i32 : i32, i32
  }
  func.func @transform_3(%arg0: i32) -> (i32, i32) {
    %c0_i32 = arith.constant 0 : i32
    %c0_i32_0 = arith.constant 0 : i32
    return %arg0, %c0_i32 : i32, i32
  }
  func.func @transform_4(%arg0: i32) -> (i32, i32) {
    %c0_i32 = arith.constant 0 : i32
    %c0_i32_0 = arith.constant 0 : i32
    %c0_i32_1 = arith.constant 0 : i32
    return %c0_i32, %c0_i32_0 : i32, i32
  }
  func.func @transform_5(%arg0: i32) -> (i32, i32) {
    %c0_i32 = arith.constant 0 : i32
    %c0_i32_0 = arith.constant 0 : i32
    %c0_i32_1 = arith.constant 0 : i32
    return %c0_i32, %c0_i32_0 : i32, i32
  }
  func.func @transform_6(%arg0: i32) -> (i32, i32) {
    %c0_i32 = arith.constant 0 : i32
    %c0_i32_0 = arith.constant 0 : i32
    return %arg0, %c0_i32 : i32, i32
  }
  func.func @transform_7(%arg0: i32) -> (i32, i32) {
    %c0_i32 = arith.constant 0 : i32
    %c0_i32_0 = arith.constant 0 : i32
    return %arg0, %c0_i32 : i32, i32
  }
  func.func @transform_8(%arg0: i32) -> (i32, i32) {
    %c0_i32 = arith.constant 0 : i32
    %c0_i32_0 = arith.constant 0 : i32
    return %arg0, %c0_i32 : i32, i32
  }
  func.func @transform_9(%arg0: i32) -> (i32, i32) {
    %c0_i32 = arith.constant 0 : i32
    %c0_i32_0 = arith.constant 0 : i32
    return %arg0, %c0_i32 : i32, i32
  }
}

</mosaic_0001>

<sc_bundles>
// kernel: kernel.11.cloned.1.call-start
scs
__scs_entry_jumppad:
0x0: {  	(pc) =	sbr.rel $0x88, $3  }
0x1: {  	(tag) =	ssettag $0x0;
	lr =	simm.s32 $0x1  }
0x2: {  	[smem:$0x3F99] =	sst lr;
	_ =	strace $0xD0000000  }
0x3: {  	_ = 	snop  }
0x4: {  	_ = 	snop  }
0x5: {  	_ = 	snop  }
0x6: {  	_ = 	snop  }
0x7: {  	_ = 	snop  }
__scs_overlays_trampoline_lowered:
0x8: {  	[smem:$0x3FA8] =	sst s0  }
0x9: {  	[smem:$0x3FA9] =	sst s1  }
0xa: {  	[smem:$0x3FAA] =	sst s2  }
0xb: {  	[smem:$0x3FAB] =	sst s3  }
0xc: {  	[smem:$0x3FAC] =	sst s4  }
0xd: {  	[smem:$0x3FAD] =	sst s5  }
0xe: {  	[smem:$0x3FAE] =	sst s6  }
0xf: {  	[smem:$0x3FAF] =	sst s7  }
0x10: {  	[smem:$0x3FB0] =	sst s8  }
0x11: {  	[smem:$0x3FB1] =	sst s9;
	s0 =	simm.s32 @!p0 $0x0  }
0x12: {  	s1 =	sld [smem:$0x3F97];
	s0 =	simm.s32 @p0 $0x1  }
0x13: {  	[smem:$0x3FB2] =	sst s0;
	s0 =	simm.s32 @!p1 $0x0  }
0x14: {  	s2 =	sld [smem:$0x3F96];
	s0 =	simm.s32 @p1 $0x1  }
0x15: {  	[smem:$0x3FB3] =	sst s0;
	s0 =	simm.s32 @!p2 $0x0  }
0x16: {  	s3 =	sld [smem:$0x3FDB];
	s0 =	simm.s32 @p2 $0x1  }
0x17: {  	s4 =	simm.s32 $0x1BF5;
	[smem:$0x3FB5] =	sst s0  }
0x18: {  	s0 =	sld [smem:$0x3F98];
	_ =	swait.ge [sflag:s4], $0x0  }
0x19: {  	s7 =	sld [smem:$0x3F99]  }
0x1a: {  	s8 =	sadd.s32 $0xFFFFE003, lr  }
0x1b: {  	s9 =	sadd.s32 $0xFFFFFEF7, lr;
	s5 =	simm.s32 $0xFFFFFFFF;
	p2 =	slt.u32 s8, $0xFFFFF086  }
0x1c: {  	p1 =	slt.u32 s9, $0xF7A;
	s5 =	simm.s32 @!p2 $0x0  }
0x1d: {  	s5 =	simm.s32 @p1 $0x1;
	p0 =	seq.s32 s7, s2  }
0x1e: {  	s7 =	smul.u32 @!p0 $0xF7A, s2;
	p2 =	seq.s32 @!p0 s5, $0x0  }
0x1f: {  	s9 =	smul.u32 $0xF7A, s1;
	s8 =	simm.s32 @!p0 $0x1BF5;
	p2 =	por !p2, p0  }
0x20: {  	[sflag:s8] =	ssyncset.s32 @!p0 $0xFFFFF086;
	s6 =	sadd.s32 @!p0 s3, s7;
	s7 =	simm.s32 @!p0 $0x108  }
0x21: {  	s3 =	sadd.s32 s3, s9;
	s6 =	sadd.s32 @!p0 $0x88, s6;
	s7 =	simm.s32 @p2 $0x1082  }
0x22: {  	[simem:s7], [sflag:s8] =	dma.local @!p0 [hbm:s6], $0xF7A  }
0x23: {  	s9 =	sor.u32 $0xD0000000, s2;
	s6 =	simm.s32 $0x108;
	_ =	swait.ge @!p0 [sflag:s8], $0x0  }
0x24: {  	s3 =	sadd.s32 $0x88, s3;
	s6 =	simm.s32 @!p1 $0x1082;
	[sflag:s4] =	ssyncset.s32 $0xFFFFF086  }
0x25: {  	[simem:s6], [sflag:s4] =	dma.local [hbm:s3], $0xF7A  }
0x26: {  	[smem:$0x3F99] =	sst s1;
	(tag) =	ssettag s2;
	_ =	strace s9  }
0x27: {  	s1 =	sld [smem:$0x3FA9]  }
0x28: {  	s2 =	sld [smem:$0x3FAA]  }
0x29: {  	s4 =	sld [smem:$0x3FAC]  }
0x2a: {  	p0 =	seq.s32 s5, $0x0;
	s5 =	sld [smem:$0x3FAD]  }
0x2b: {  	s6 =	sld [smem:$0x3FAE]  }
0x2c: {  	s7 =	sld [smem:$0x3FAF]  }
0x2d: {  	s3 =	simm.s32 $0x108;
	s8 =	sld [smem:$0x3FB0]  }
0x2e: {  	s3 =	simm.s32 @!p0 $0x1082;
	s9 =	sld [smem:$0x3FB1]  }
0x2f: {  	lr =	sadd.s32 s0, s3;
	s0 =	sld [smem:$0x3FA8]  }
0x30: {  	s3 =	sld [smem:$0x3FAB]  }
0x31: {  	[smem:$0x3FB4] =	sst s10  }
0x32: {  	s10 =	sld [smem:$0x3FB2];
	_ =	sdelay $0x3  }
0x33: {  	p0 =	seq.s32 s10, $0x1;
	s10 =	sld [smem:$0x3FB4];
	_ =	sdelay $0x3  }
0x34: {  	[smem:$0x3FB4] =	sst s10  }
0x35: {  	s10 =	sld [smem:$0x3FB3];
	_ =	sdelay $0x3  }
0x36: {  	p1 =	seq.s32 s10, $0x1;
	s10 =	sld [smem:$0x3FB4];
	_ =	sdelay $0x3  }
0x37: {  	[smem:$0x3FB4] =	sst s10  }
0x38: {  	s10 =	sld [smem:$0x3FB5]  }
0x39: {  	_ = 	snop;
	(pc) =	sbr.ind lr, $3  }
0x3a: {  	_ = 	snop  }
0x3b: {  	_ = 	snop  }
0x3c: {  	p2 =	seq.s32 s10, $0x1;
	s10 =	sld [smem:$0x3FB4]  }
0x3d: {  	_ =	shalt  }
0x3e: {  	_ =	shalt  }
0x3f: {  	_ =	shalt  }
0x40: {  	_ =	shalt  }
0x41: {  	_ =	shalt  }
0x42: {  	_ =	shalt  }
0x43: {  	_ =	shalt  }
0x44: {  	_ =	shalt  }
0x45: {  	_ =	shalt  }
0x46: {  	_ =	shalt  }
0x47: {  	_ =	shalt  }
0x48: {  	_ =	shalt  }
0x49: {  	_ =	shalt  }
0x4a: {  	_ =	shalt  }
0x4b: {  	_ =	shalt  }
0x4c: {  	_ =	shalt  }
0x4d: {  	_ =	shalt  }
0x4e: {  	_ =	shalt  }
0x4f: {  	_ =	shalt  }
0x50: {  	_ =	shalt  }
0x51: {  	_ =	shalt  }
0x52: {  	_ =	shalt  }
0x53: {  	_ =	shalt  }
0x54: {  	_ =	shalt  }
0x55: {  	_ =	shalt  }
0x56: {  	_ =	shalt  }
0x57: {  	_ =	shalt  }
0x58: {  	_ =	shalt  }
0x59: {  	_ =	shalt  }
0x5a: {  	_ =	shalt  }
0x5b: {  	_ =	shalt  }
0x5c: {  	_ =	shalt  }
0x5d: {  	_ =	shalt  }
0x5e: {  	_ =	shalt  }
0x5f: {  	_ =	shalt  }
0x60: {  	_ =	shalt  }
0x61: {  	_ =	shalt  }
0x62: {  	_ =	shalt  }
0x63: {  	_ =	shalt  }
0x64: {  	_ =	shalt  }
0x65: {  	_ =	shalt  }
0x66: {  	_ =	shalt  }
0x67: {  	_ =	shalt  }
0x68: {  	_ =	shalt  }
0x69: {  	_ =	shalt  }
0x6a: {  	_ =	shalt  }
0x6b: {  	_ =	shalt  }
0x6c: {  	_ =	shalt  }
0x6d: {  	_ =	shalt  }
0x6e: {  	_ =	shalt  }
0x6f: {  	_ =	shalt  }
0x70: {  	_ =	shalt  }
0x71: {  	_ =	shalt  }
0x72: {  	_ =	shalt  }
0x73: {  	_ =	shalt  }
0x74: {  	_ =	shalt  }
0x75: {  	_ =	shalt  }
0x76: {  	_ =	shalt  }
0x77: {  	_ =	shalt  }
0x78: {  	_ =	shalt  }
0x79: {  	_ =	shalt  }
0x7a: {  	_ =	shalt  }
0x7b: {  	_ =	shalt  }
0x7c: {  	_ =	shalt  }
0x7d: {  	_ =	shalt  }
0x7e: {  	_ =	shalt  }
0x7f: {  	_ =	shalt  }
0x80: {  	_ =	shalt  }
0x81: {  	_ =	shalt  }
0x82: {  	_ =	shalt  }
0x83: {  	_ =	shalt  }
0x84: {  	_ =	shalt  }
0x85: {  	_ =	shalt  }
0x86: {  	_ =	shalt  }
0x87: {  	_ =	shalt  }
.Lfunc_end0:
.L_simem_size_0:
called_computation.1_lowered:
.L_overlay_start_0:
0x88: {  	s2 =	sld [smem:$0x3FD9]  }
0x89: {  	s3 =	sld [smem:$0x3FFE];
	_ =	sdelay $0x1  }
0x8a: {  	s1 =	srdreg.scid  }
0x8b: {  	s0 =	sand.u32 $0x1, s1  }
0x8c: {  	s14 =	sshll.u32 s0, $0xA;
	s2 =	sadd.s32 s3, s2  }
0x8d: {  	s2 =	sadd.s32 s2, s14  }
0x8e: {  	[smem:$0x3FC0] =	sst s2  }
0x8f: {  	_ = 	snop  }
0x90: {  	s2 =	sld [smem:$0x3FD0];
	_ =	sdelay $0x2  }
0x91: {  	s15 =	simm.s32 $0xA;
	s4 =	simm.s32 $0x10  }
0x92: {  	[smem:s4], [sflag:s15] =	dma.local [hbm:s2], $0x1  }
0x93: {  	_ =	swait.eq [sflag:s15], $0x1  }
0x94: {  	[sflag:s15] =	ssyncset.done $0x0  }
0x95: {  	[sflag:s15] =	ssyncadd.s32 $0xFFFFFFFF  }
0x96: {  	s16 =	sld [smem:$0x15];
	(tm) =	ssettm $0x1  }
0x97: {  	s17 =	sld [smem:$0x3FFB];
	_ =	sdelay $0x3  }
0x98: {  	_ =	strace s17  }
0x99: {  	s3 =	sld [smem:$0x3FFC];
	_ =	sdelay $0x3  }
0x9a: {  	_ =	strace s3  }
0x9b: {  	s3 =	sld [smem:$0x3FFD];
	_ =	sdelay $0x3  }
0x9c: {  	_ =	strace s3  }
0x9d: {  	_ =	strace $0x8FFFFFFF  }
0x9e: {  	s18 =	sld [smem:$0x3FDB];
	_ =	sdelay $0x1  }
0x9f: {  	s19 =	simm.s32 $_scs_section_size  }
0xa0: {  	s5 =	simm.s32 $_size__tile_overlayer_lowered;
	s6 =	simm.s32 $_tile_overlayer_lowered  }
0xa1: {  	s22 =	simm.s32 $0x1BFF;
	s21 =	sshll.u32 s6, $0x1;
	s3 =	sadd.s32 s19, s18  }
0xa2: {  	s7 =	simm.s32 $0x0;
	s20 =	sshll.u32 s5, $0x1;
	s5 =	sadd.s32 s21, s3  }
0xa3: {  	[timem:s7], [sflag:s22] =	dma.local [hbm:s5], s20  }
0xa4: {  	_ =	swait.ge [sflag:s22], s20  }
0xa5: {  	s4 =	ssub.s32 $0x0, s20;
	[sflag:s22] =	ssyncset.done $0x0  }
0xa6: {  	[sflag:s22] =	ssyncadd.s32 s4;
	_ =	sdelay $0x1  }
0xa7: {  	s23 =	simm.s32 $0x1B8B  }
0xa8: {  	_ =	swait.ge [sflag:s23], $0x1  }
0xa9: {  	[sflag:s23] =	ssyncset.done $0x0  }
0xaa: {  	s25 =	simm.s32 $0x1B8E;
	s24 =	sld [smem:$0x3FFE];
	[sflag:s23] =	ssyncadd.s32 $0xFFFFFFFF  }
0xab: {  	s26 =	simm.s32 $execute0_lowered;
	[smem:$0x3FD2] =	sst s25  }
0xac: {  	s5 =	sshll.u32 s26, $0x1;
	_ =	strace $0x80000049;
	[dreg:$0x1] =	wrdreg $0xFFFFFFFF  }
0xad: {  	s28 =	simm.s32 $_size_execute0_lowered;
	s3 =	sadd.s32 s3, s5;
	[dreg:$0x0] =	wrdreg $0x0  }
0xae: {  	s5 =	sshll.u32 s28, $0x1;
	[dreg:$0x2] =	wrdreg s3  }
0xaf: {  	[dreg:$0x3] =	wrdreg s5  }
0xb0: {  	[dreg:$0x4] =	wrdreg $0xC0  }
0xb1: {  	_ =	task [dreg:s7], $0x5FFFF  }
0xb2: {  	[dreg:$0x1] =	wrdreg $0xFFFFFFFF  }
0xb3: {  	[dreg:$0x0] =	wrdreg $0x60  }
0xb4: {  	[dreg:$0x2] =	wrdreg s24  }
0xb5: {  	[dreg:$0x3] =	wrdreg s16  }
0xb6: {  	[dreg:$0x4] =	wrdreg $0x0  }
0xb7: {  	[dreg:$0x5] =	wrdreg $0x9  }
0xb8: {  	_ =	task.clear_ibuf [dreg:s7], $0x6FFFF;
	_ =	strace $0x90000049  }
0xb9: {  	s29 =	simm.s32 $0x9;
	_ =	strace $0x8000004B  }
0xba: {  	_ =	swait.ge [sflag:s29], $0x1  }
0xbb: {  	[sflag:s29] =	ssyncadd.s32 $0xFFFFFFFF  }
0xbc: {  	_ =	strace $0x9000004B  }
0xbd: {  	_ =	sfence  }
0xbe: {  	s30 =	sld [smem:$0x0];
	_ =	sdelay $0x2  }
0xbf: {  	s31 =	sshll.u32 s1, $0xD;
	s1 =	sshrl.u32 s1, $0x2  }
0xc0: {  	s3 =	sand.u32 $0x4000, s31;
	s1 =	sadd.s32 s1, s30  }
0xc1: {  	s0 =	sor.u32 s3, s0;
	s1 =	sshll.u32 s1, $0x11  }
0xc2: {  	s0 =	sor.u32 s1, s0  }
0xc3: {  	s0 =	sadd.s32 $0x8F2B, s0  }
0xc4: {  	[sflag:s0] =	ssyncadd.remote.s32 $0x1  }
0xc5: {  	_ =	sfence.sel $0xFFFF  }
0xc6: {  	[dreg:$0x0] =	wrdreg $0xFFFFFFFF;
	(pc) =	sbr.abs _section_cstart, $3  }
0xc7: {  	[dreg:$0x1] =	wrdreg $0xFFFFFFFF  }
0xc8: {  	_ =	task.clear_ibuf [dreg:s7], $0x2FFFF;
	_ =	strace $0x9FFFFFFF  }
0xc9: {  	(tm) =	ssettm $0x7FFFFFFF  }
tec
execute0_lowered:
.L_overlay_start_1:
0x0: {  	(tag) =	ssettag $0x1  }
0x1: {  	s5 =	rddreg [dreg:$0x0]  }
0x2: {  	s14 =	rddreg [dreg:$0x1]  }
0x3: {  	s0 =	srdreg.scid;
	s2 =	rddreg [dreg:$0x2]  }
0x4: {  	s1 =	stileid.u32;
	s3 =	simm.s32 $0x0;
	s17 =	simm.s32 $0x5  }
0x5: {  	s18 =	simm.s32 $0x14000;
	s19 =	simm.s32 $0x15400;
	s20 =	simm.s32 $0x80  }
0x6: {  	s21 =	simm.s32 $0x14080;
	s22 =	simm.s32 $0x1A800;
	s23 =	simm.s32 $0x1  }
0x7: {  	s24 =	simm.s32 $0x3;
	s25 =	simm.s32 $0x2;
	s28 =	simm.s32 $0x16700  }
0x8: {  	s29 =	simm.s32 $0x16780;
	s6 =	sand.u32 $0x1, s0;
	s7 =	smul.u32 $0x14000, s1  }
0x9: {  	[smem:$0x7FF] =	sst s3;
	s8 =	smul.u32 $0x50000, s1;
	s16 =	sadd.s32 $0xA000, s14  }
0xa: {  	s4 =	smul.u32 $0x140000, s6;
	_ =	strace $0x8000004A;
	s9 =	ssub.s32 $0x2, s6  }
0xb: {  	s31 =	sshll.u32 s6, $0x4;
	s26 =	sshrl.u32 s9, $0x1;
	s30 =	sshrl.u32 s8, $0x2  }
0xc: {  	s12 =	sor.u32 s1, s31;
	s7 =	sadd.s32 s7, s4;
	s4 =	sadd.s32 $0x2C00, s5  }
0xd: {  	s11 =	ssub.s32 s9, s26;
	s15 =	smul.u32 $0x500, s12;
	s7 =	sshrl.u32 s7, $0x3  }
0xe: {  	s26 =	simm.s32 $0x4;
	s11 =	smax.u32 s11, $0x1;
	s10 =	sadd.s32 s7, s5  }
0xf: {  	s5 =	sadd.s32 s30, s2;
	s12 =	sadd.s32 s14, s15;
	s13 =	sadd.s32 s15, s16  }
0x10: {  	s15 =	sadd.s32 $0x280, s15;
	s6 =	sadd.s32 $0x4000, s5;
	s7 =	sadd.s32 $0x8000, s5  }
0x11: {  	s8 =	sadd.s32 $0xC000, s5;
	s9 =	sadd.s32 $0x10000, s5;
	s10 =	sadd.s32 $0x2C600, s10  }
0x12: {  	v0 =	vimm.f32 $0.0e+00;
	s14 =	sadd.s32 s14, s15;
	s15 =	sadd.s32 s15, s16;
	s16 =	simm.s32 $0x16800  }
.LBB2_1:
0x13: {  	s30 =	simm.s32 $0x0;
	s31 =	simm.s32 $0x200  }
.LBB2_2:
0x14: {  	p0 =	sne.s32 s31, $0xFE00;
	[tilespmem:s30+$0x16870] =	vst v0  }
0x15: {  	[tilespmem:s30+$0x16800] =	vst v0  }
0x16: {  	[tilespmem:s30+$0x16810] =	vst v0  }
.Ltmp0:
0x17: {  	[tilespmem:s30+$0x16820] =	vst v0;
	(pc) =	sbr.rel @p0 .LBB2_2-.Ltmp0, $4  }
0x18: {  	[tilespmem:s30+$0x16830] =	vst v0  }
0x19: {  	[tilespmem:s30+$0x16840] =	vst v0  }
0x1a: {  	[tilespmem:s30+$0x16850] =	vst v0  }
0x1b: {  	[tilespmem:s30+$0x16860] =	vst v0;
	s30 =	sshra.s32 s31, $0x2;
	s31 =	sadd.s32 $0x200, s31  }
0x1c: {  	[tilespmem:s30+$0x16870] =	vst v0  }
0x1d: {  	[tilespmem:s30+$0x16800] =	vst v0  }
0x1e: {  	[tilespmem:s30+$0x16810] =	vst v0  }
0x1f: {  	[tilespmem:s30+$0x16820] =	vst v0  }
0x20: {  	[tilespmem:s30+$0x16830] =	vst v0  }
0x21: {  	[tilespmem:s30+$0x16840] =	vst v0  }
0x22: {  	[tilespmem:s30+$0x16850] =	vst v0  }
0x23: {  	[tilespmem:s30+$0x16860] =	vst v0  }
0x24: {  	[spmem:s5] =	stream.linear.scatter [tilespmem:s16], [sflag:$0x5], $0x4000, $0x38;
	[tilespmem:$0x1E800] =	vst v63  }
0x25: {  	_ =	swait.ge [sflag:s17], $0x4000  }
0x26: {  	[sflag:s17] =	ssyncset.done $0x0  }
0x27: {  	[sflag:s17] =	ssyncadd.s32 $0xFFFFC000  }
0x28: {  	[spmem:s6] =	stream.linear.scatter [tilespmem:s16], [sflag:$0x5], $0x4000, $0x38;
	[tilespmem:$0x1E800] =	vst v63  }
0x29: {  	_ =	swait.ge [sflag:s17], $0x4000  }
0x2a: {  	[sflag:s17] =	ssyncset.done $0x0  }
0x2b: {  	[sflag:s17] =	ssyncadd.s32 $0xFFFFC000  }
0x2c: {  	[spmem:s7] =	stream.linear.scatter [tilespmem:s16], [sflag:$0x5], $0x4000, $0x38;
	[tilespmem:$0x1E800] =	vst v63  }
0x2d: {  	_ =	swait.ge [sflag:s17], $0x4000  }
0x2e: {  	[sflag:s17] =	ssyncset.done $0x0  }
0x2f: {  	[sflag:s17] =	ssyncadd.s32 $0xFFFFC000  }
0x30: {  	[spmem:s8] =	stream.linear.scatter [tilespmem:s16], [sflag:$0x5], $0x4000, $0x38;
	[tilespmem:$0x1E800] =	vst v63  }
0x31: {  	_ =	swait.ge [sflag:s17], $0x4000  }
0x32: {  	[sflag:s17] =	ssyncset.done $0x0  }
0x33: {  	[sflag:s17] =	ssyncadd.s32 $0xFFFFC000  }
0x34: {  	[spmem:s9] =	stream.linear.scatter [tilespmem:s16], [sflag:$0x5], $0x4000, $0x38;
	[tilespmem:$0x1E800] =	vst v63  }
0x35: {  	_ =	swait.ge [sflag:s17], $0x4000  }
0x36: {  	[sflag:s17] =	ssyncset.done $0x0  }
0x37: {  	[sflag:s17] =	ssyncadd.s32 $0xFFFFC000  }
0x38: {  	s30 =	simm.s32 $0x0;
	[bflag:$0x0] =	sbarrier.arrive $0xFFFF  }
0x39: {  	[tilespmem:s18], [sflag:$0x5] =	stream.linear.gather [hbm4b:s12+s30], $0x1400, $0x38;
	[tilespmem:$0x1E800] =	vst v63  }
0x3a: {  	_ =	swait.ge [sflag:s17], $0x1400  }
0x3b: {  	[sflag:s17] =	ssyncset.done $0x0  }
0x3c: {  	[sflag:s17] =	ssyncadd.s32 $0xFFFFEC00  }
0x3d: {  	[tilespmem:s19], [sflag:$0x5] =	stream.linear.gather [hbm4b:s13+s30], $0x1400, $0x38;
	[tilespmem:$0x1E800] =	vst v63  }
0x3e: {  	_ =	swait.ge [sflag:s17], $0x1400  }
0x3f: {  	[sflag:s17] =	ssyncset.done $0x0  }
0x40: {  	[sflag:s17] =	ssyncadd.s32 $0xFFFFEC00  }
0x41: {  	[tilespmem:s16], [sflag:$0x1] =	stream.indirect.gather [hbm4b:s4+s20], $0x80, s18, s20, $0xb8;
	[tilespmem:$0x1E800] =	vst v63  }
0x42: {  	_ = 	snop  }
0x43: {  	[tilespmem:s22], [sflag:$0x2] =	stream.indirect.gather [hbm4b:s4+s20], $0x80, s21, s20, $0xb8;
	[tilespmem:$0x1E800] =	vst v63  }
0x44: {  	_ =	swait.ge [sflag:s23], $0x4000  }
0x45: {  	[sflag:s23] =	ssyncset.done $0x0  }
0x46: {  	s30 =	simm.s32 $0x15400;
	[sflag:s23] =	ssyncadd.s32 $0xFFFFC000  }
0x47: {  	[spmem:s2] =	stream.indirect.scatter.add.f32 [tilespmem:s16], [sflag:$0x3], $0x80, s30, s20, $0xb8;
	[tilespmem:$0x1E800] =	vst v63  }
0x48: {  	_ =	swait.ge [sflag:s24], $0x4000  }
0x49: {  	[sflag:s24] =	ssyncset.done $0x0  }
0x4a: {  	s30 =	simm.s32 $0x14100;
	[sflag:s24] =	ssyncadd.s32 $0xFFFFC000  }
0x4b: {  	[tilespmem:s16], [sflag:$0x1] =	stream.indirect.gather [hbm4b:s4+s20], $0x80, s30, s20, $0xb8;
	[tilespmem:$0x1E800] =	vst v63  }
0x4c: {  	_ =	swait.ge [sflag:s25], $0x4000  }
0x4d: {  	[sflag:s25] =	ssyncset.done $0x0  }
0x4e: {  	s30 =	simm.s32 $0x15480;
	[sflag:s25] =	ssyncadd.s32 $0xFFFFC000  }
0x4f: {  	[spmem:s2] =	stream.indirect.scatter.add.f32 [tilespmem:s22], [sflag:$0x4], $0x80, s30, s20, $0xb8;
	[tilespmem:$0x1E800] =	vst v63  }
0x50: {  	_ =	swait.ge [sflag:s26], $0x4000  }
0x51: {  	[sflag:s26] =	ssyncset.done $0x0  }
0x52: {  	s31 =	simm.s32 $0x14180;
	s30 =	simm.s32 $0x400;
	[sflag:s26] =	ssyncadd.s32 $0xFFFFC000  }
.LBB2_4:
0x53: {  	[tilespmem:s22], [sflag:$0x2] =	stream.indirect.gather [hbm4b:s4+s20], $0x80, s31, s20, $0xb8;
	[tilespmem:$0x1E800] =	vst v63  }
0x54: {  	s31 =	smov.u32 s30  }
0x55: {  	p0 =	sne.s32 s30, $0x4800;
	s30 =	sadd.s32 $0x400, s30;
	_ =	swait.ge [sflag:s23], $0x4000  }
0x56: {  	s31 =	sshra.s32 s31, $0x2;
	[sflag:s23] =	ssyncset.done $0x0  }
0x57: {  	s0 =	sadd.s32 $0x15400, s31;
	[sflag:s23] =	ssyncadd.s32 $0xFFFFC000  }
0x58: {  	[spmem:s2] =	stream.indirect.scatter.add.f32 [tilespmem:s16], [sflag:$0x3], $0x80, s0, s20, $0xb8;
	[tilespmem:$0x1E800] =	vst v63  }
0x59: {  	_ =	swait.ge [sflag:s24], $0x4000  }
0x5a: {  	[sflag:s24] =	ssyncset.done $0x0  }
0x5b: {  	s0 =	sadd.s32 $0x14100, s31;
	[sflag:s24] =	ssyncadd.s32 $0xFFFFC000  }
0x5c: {  	[tilespmem:s16], [sflag:$0x1] =	stream.indirect.gather [hbm4b:s4+s20], $0x80, s0, s20, $0xb8;
	[tilespmem:$0x1E800] =	vst v63  }
0x5d: {  	_ =	swait.ge [sflag:s25], $0x4000  }
0x5e: {  	[sflag:s25] =	ssyncset.done $0x0  }
.Ltmp1:
0x5f: {  	s0 =	sadd.s32 $0x15480, s31;
	[sflag:s25] =	ssyncadd.s32 $0xFFFFC000;
	(pc) =	sbr.rel @p0 .LBB2_4-.Ltmp1, $4  }
0x60: {  	[spmem:s2] =	stream.indirect.scatter.add.f32 [tilespmem:s22], [sflag:$0x4], $0x80, s0, s20, $0xb8;
	[tilespmem:$0x1E800] =	vst v63  }
0x61: {  	_ =	swait.ge [sflag:s26], $0x4000  }
0x62: {  	[sflag:s26] =	ssyncset.done $0x0  }
0x63: {  	s31 =	sadd.s32 $0x14180, s31;
	[sflag:s26] =	ssyncadd.s32 $0xFFFFC000  }
0x64: {  	[tilespmem:s22], [sflag:$0x2] =	stream.indirect.gather [hbm4b:s4+s20], $0x80, s31, s20, $0xb8;
	[tilespmem:$0x1E800] =	vst v63  }
0x65: {  	_ =	swait.ge [sflag:s23], $0x4000  }
0x66: {  	[sflag:s23] =	ssyncset.done $0x0  }
0x67: {  	[sflag:s23] =	ssyncadd.s32 $0xFFFFC000  }
0x68: {  	[spmem:s2] =	stream.indirect.scatter.add.f32 [tilespmem:s16], [sflag:$0x3], $0x80, s28, s20, $0xb8;
	[tilespmem:$0x1E800] =	vst v63  }
0x69: {  	_ =	swait.ge [sflag:s25], $0x4000  }
0x6a: {  	[sflag:s25] =	ssyncset.done $0x0  }
0x6b: {  	[sflag:s25] =	ssyncadd.s32 $0xFFFFC000  }
0x6c: {  	[spmem:s2] =	stream.indirect.scatter.add.f32 [tilespmem:s22], [sflag:$0x4], $0x80, s29, s20, $0xb8;
	[tilespmem:$0x1E800] =	vst v63  }
0x6d: {  	_ =	swait.ge [sflag:s24], $0x4000  }
0x6e: {  	[sflag:s24] =	ssyncset.done $0x0  }
0x6f: {  	[sflag:s24] =	ssyncadd.s32 $0xFFFFC000  }
0x70: {  	_ =	swait.ge [sflag:s26], $0x4000  }
0x71: {  	[sflag:s26] =	ssyncset.done $0x0  }
0x72: {  	s0 =	simm.s32 $0x0;
	[sflag:s26] =	ssyncadd.s32 $0xFFFFC000  }
0x73: {  	[tilespmem:s18], [sflag:$0x5] =	stream.linear.gather [hbm4b:s14+s0], $0x1400, $0x38;
	[tilespmem:$0x1E800] =	vst v63  }
0x74: {  	_ =	swait.ge [sflag:s17], $0x1400  }
0x75: {  	[sflag:s17] =	ssyncset.done $0x0  }
0x76: {  	[sflag:s17] =	ssyncadd.s32 $0xFFFFEC00  }
0x77: {  	[tilespmem:s19], [sflag:$0x5] =	stream.linear.gather [hbm4b:s15+s0], $0x1400, $0x38;
	[tilespmem:$0x1E800] =	vst v63  }
0x78: {  	_ =	swait.ge [sflag:s17], $0x1400  }
0x79: {  	[sflag:s17] =	ssyncset.done $0x0  }
0x7a: {  	[sflag:s17] =	ssyncadd.s32 $0xFFFFEC00  }
0x7b: {  	[tilespmem:s16], [sflag:$0x1] =	stream.indirect.gather [hbm4b:s4+s20], $0x80, s18, s20, $0xb8;
	[tilespmem:$0x1E800] =	vst v63  }
0x7c: {  	_ = 	snop  }
0x7d: {  	[tilespmem:s22], [sflag:$0x2] =	stream.indirect.gather [hbm4b:s4+s20], $0x80, s21, s20, $0xb8;
	[tilespmem:$0x1E800] =	vst v63  }
0x7e: {  	_ =	swait.ge [sflag:s23], $0x4000  }
0x7f: {  	[sflag:s23] =	ssyncset.done $0x0  }
0x80: {  	s0 =	simm.s32 $0x15400;
	[sflag:s23] =	ssyncadd.s32 $0xFFFFC000  }
0x81: {  	[spmem:s2] =	stream.indirect.scatter.add.f32 [tilespmem:s16], [sflag:$0x3], $0x80, s0, s20, $0xb8;
	[tilespmem:$0x1E800] =	vst v63  }
0x82: {  	_ =	swait.ge [sflag:s24], $0x4000  }
0x83: {  	[sflag:s24] =	ssyncset.done $0x0  }
0x84: {  	s0 =	simm.s32 $0x14100;
	[sflag:s24] =	ssyncadd.s32 $0xFFFFC000  }
0x85: {  	[tilespmem:s16], [sflag:$0x1] =	stream.indirect.gather [hbm4b:s4+s20], $0x80, s0, s20, $0xb8;
	[tilespmem:$0x1E800] =	vst v63  }
0x86: {  	_ =	swait.ge [sflag:s25], $0x4000  }
0x87: {  	[sflag:s25] =	ssyncset.done $0x0  }
0x88: {  	s0 =	simm.s32 $0x15480;
	[sflag:s25] =	ssyncadd.s32 $0xFFFFC000  }
0x89: {  	[spmem:s2] =	stream.indirect.scatter.add.f32 [tilespmem:s22], [sflag:$0x4], $0x80, s0, s20, $0xb8;
	[tilespmem:$0x1E800] =	vst v63  }
0x8a: {  	_ =	swait.ge [sflag:s26], $0x4000  }
0x8b: {  	[sflag:s26] =	ssyncset.done $0x0  }
0x8c: {  	s30 =	simm.s32 $0x400;
	s31 =	simm.s32 $0x14180;
	[sflag:s26] =	ssyncadd.s32 $0xFFFFC000  }
.LBB2_6:
0x8d: {  	[tilespmem:s22], [sflag:$0x2] =	stream.indirect.gather [hbm4b:s4+s20], $0x80, s31, s20, $0xb8;
	[tilespmem:$0x1E800] =	vst v63  }
0x8e: {  	s0 =	smov.u32 s30  }
0x8f: {  	p0 =	sne.s32 s30, $0x4800;
	s30 =	sadd.s32 $0x400, s30;
	_ =	swait.ge [sflag:s23], $0x4000  }
0x90: {  	s0 =	sshra.s32 s0, $0x2;
	[sflag:s23] =	ssyncset.done $0x0  }
0x91: {  	s31 =	sadd.s32 $0x15400, s0;
	[sflag:s23] =	ssyncadd.s32 $0xFFFFC000  }
0x92: {  	[spmem:s2] =	stream.indirect.scatter.add.f32 [tilespmem:s16], [sflag:$0x3], $0x80, s31, s20, $0xb8;
	[tilespmem:$0x1E800] =	vst v63  }
0x93: {  	_ =	swait.ge [sflag:s24], $0x4000  }
0x94: {  	[sflag:s24] =	ssyncset.done $0x0  }
0x95: {  	s31 =	sadd.s32 $0x14100, s0;
	[sflag:s24] =	ssyncadd.s32 $0xFFFFC000  }
0x96: {  	[tilespmem:s16], [sflag:$0x1] =	stream.indirect.gather [hbm4b:s4+s20], $0x80, s31, s20, $0xb8;
	[tilespmem:$0x1E800] =	vst v63  }
0x97: {  	_ =	swait.ge [sflag:s25], $0x4000  }
0x98: {  	[sflag:s25] =	ssyncset.done $0x0  }
.Ltmp2:
0x99: {  	s31 =	sadd.s32 $0x15480, s0;
	[sflag:s25] =	ssyncadd.s32 $0xFFFFC000;
	(pc) =	sbr.rel @p0 .LBB2_6-.Ltmp2, $4  }
0x9a: {  	[spmem:s2] =	stream.indirect.scatter.add.f32 [tilespmem:s22], [sflag:$0x4], $0x80, s31, s20, $0xb8;
	[tilespmem:$0x1E800] =	vst v63  }
0x9b: {  	_ =	swait.ge [sflag:s26], $0x4000  }
0x9c: {  	[sflag:s26] =	ssyncset.done $0x0  }
0x9d: {  	s31 =	sadd.s32 $0x14180, s0;
	[sflag:s26] =	ssyncadd.s32 $0xFFFFC000  }
0x9e: {  	[tilespmem:s22], [sflag:$0x2] =	stream.indirect.gather [hbm4b:s4+s20], $0x80, s31, s20, $0xb8;
	[tilespmem:$0x1E800] =	vst v63  }
0x9f: {  	_ =	swait.ge [sflag:s23], $0x4000  }
0xa0: {  	[sflag:s23] =	ssyncset.done $0x0  }
0xa1: {  	[sflag:s23] =	ssyncadd.s32 $0xFFFFC000  }
0xa2: {  	[spmem:s2] =	stream.indirect.scatter.add.f32 [tilespmem:s16], [sflag:$0x3], $0x80, s28, s20, $0xb8;
	[tilespmem:$0x1E800] =	vst v63  }
0xa3: {  	_ =	swait.ge [sflag:s25], $0x4000  }
0xa4: {  	[sflag:s25] =	ssyncset.done $0x0  }
0xa5: {  	[sflag:s25] =	ssyncadd.s32 $0xFFFFC000  }
0xa6: {  	[spmem:s2] =	stream.indirect.scatter.add.f32 [tilespmem:s22], [sflag:$0x4], $0x80, s29, s20, $0xb8;
	[tilespmem:$0x1E800] =	vst v63  }
0xa7: {  	_ =	swait.ge [sflag:s24], $0x4000  }
0xa8: {  	[sflag:s24] =	ssyncset.done $0x0  }
0xa9: {  	[sflag:s24] =	ssyncadd.s32 $0xFFFFC000  }
0xaa: {  	_ =	swait.ge [sflag:s26], $0x4000  }
0xab: {  	s0 =	sshll.u32 s1, $0x6;
	s3 =	sadd.s32 $0x1, s3;
	[sflag:s26] =	ssyncset.done $0x0  }
0xac: {  	s30 =	sshrl.u32 s5, $0x3;
	p0 =	sne.s32 s3, s11;
	[sflag:s26] =	ssyncadd.s32 $0xFFFFC000  }
.Ltmp3:
0xad: {  	s0 =	sor.u32 $0x1C05, s0;
	[bflag:$0x0] =	sbarrier.arrive $0xFFFF;
	(pc) =	sbr.rel @p0 .LBB2_1-.Ltmp3, $4  }
0xae: {  	[hbm:s10], [sflag:s0] =	dma.local [spmem:s30], $0x2800  }
0xaf: {  	_ =	swait.ge [sflag:s17], $0x2800  }
0xb0: {  	[sflag:s17] =	ssyncset.done $0x0  }
0xb1: {  	[sflag:s17] =	ssyncadd.s32 $0xFFFFD800  }
0xb2: {  	_ =	sfence.sel $0x180000  }
0xb3: {  	[bflag:$0x0] =	sbarrier.arrive $0xFFFF  }
0xb4: {  	_ =	strace $0x9000004A  }
0xb5: {  	[bflag:$0x2] =	sbarrier.arrive $0xFFFF  }
0xb6: {  	p0 =	sne.s32 s1, $0x0;
	s0 =	rddreg [dreg:$0x3]  }
0xb7: {  	s0 =	sadd.s32 @!p0 $0x100000, s0  }
0xb8: {  	[sflag:s0] =	ssyncadd.tile.s32 @!p0 $0x1;
	_ =	shalt  }
.Lfunc_end2:
_tile_overlayer_lowered:
.L_overlay_start_2:
0xb9: {  	(tag) =	ssettag $0x2  }
0xba: {  	s0 =	rddreg [dreg:$0x0];
	s2 =	stileid.u32  }
0xbb: {  	s1 =	rddreg [dreg:$0x1];
	p0 =	sne.s32 s2, $0x0  }
0xbc: {  	s3 =	rddreg [dreg:$0x2];
	[bflag:$0x3] =	sbarrier.arrive $0xFFFF;
	s2 =	simm.s32 @!p0 $0x1C05  }
0xbd: {  	[timem:s3], [sflag:s2] =	dma.local @!p0 [hbm:s0], s1  }
0xbe: {  	s0 =	simm.s32 @!p0 $0x5  }
0xbf: {  	_ =	swait.ge @!p0 [sflag:s0], s1  }
0xc0: {  	s1 =	ssub.s32 @!p0 $0x0, s1;
	[sflag:s0] =	ssyncset.done @!p0 $0x0  }
0xc1: {  	[sflag:s0] =	ssyncadd.s32 @!p0 s1  }
0xc2: {  	[bflag:$0x3] =	sbarrier.arrive $0xFFFF  }
0xc3: {  	_ =	shalt  }

// kernel: kernel.14.cloned.1.call-start
scs
__scs_entry_jumppad:
0x0: {  	(pc) =	sbr.rel $0x88, $3  }
0x1: {  	(tag) =	ssettag $0x0;
	lr =	simm.s32 $0x1  }
0x2: {  	[smem:$0x3F99] =	sst lr;
	_ =	strace $0xD0000000  }
0x3: {  	_ = 	snop  }
0x4: {  	_ = 	snop  }
0x5: {  	_ = 	snop  }
0x6: {  	_ = 	snop  }
0x7: {  	_ = 	snop  }
__scs_overlays_trampoline_lowered:
0x8: {  	[smem:$0x3FA8] =	sst s0  }
0x9: {  	[smem:$0x3FA9] =	sst s1  }
0xa: {  	[smem:$0x3FAA] =	sst s2  }
0xb: {  	[smem:$0x3FAB] =	sst s3  }
0xc: {  	[smem:$0x3FAC] =	sst s4  }
0xd: {  	[smem:$0x3FAD] =	sst s5  }
0xe: {  	[smem:$0x3FAE] =	sst s6  }
0xf: {  	[smem:$0x3FAF] =	sst s7  }
0x10: {  	[smem:$0x3FB0] =	sst s8  }
0x11: {  	[smem:$0x3FB1] =	sst s9;
	s0 =	simm.s32 @!p0 $0x0  }
0x12: {  	s1 =	sld [smem:$0x3F97];
	s0 =	simm.s32 @p0 $0x1  }
0x13: {  	[smem:$0x3FB2] =	sst s0;
	s0 =	simm.s32 @!p1 $0x0  }
0x14: {  	s2 =	sld [smem:$0x3F96];
	s0 =	simm.s32 @p1 $0x1  }
0x15: {  	[smem:$0x3FB3] =	sst s0;
	s0 =	simm.s32 @!p2 $0x0  }
0x16: {  	s3 =	sld [smem:$0x3FDB];
	s0 =	simm.s32 @p2 $0x1  }
0x17: {  	s4 =	simm.s32 $0x1BF5;
	[smem:$0x3FB5] =	sst s0  }
0x18: {  	s0 =	sld [smem:$0x3F98];
	_ =	swait.ge [sflag:s4], $0x0  }
0x19: {  	s7 =	sld [smem:$0x3F99]  }
0x1a: {  	s8 =	sadd.s32 $0xFFFFE003, lr  }
0x1b: {  	s9 =	sadd.s32 $0xFFFFFEF7, lr;
	s5 =	simm.s32 $0xFFFFFFFF;
	p2 =	slt.u32 s8, $0xFFFFF086  }
0x1c: {  	p1 =	slt.u32 s9, $0xF7A;
	s5 =	simm.s32 @!p2 $0x0  }
0x1d: {  	s5 =	simm.s32 @p1 $0x1;
	p0 =	seq.s32 s7, s2  }
0x1e: {  	s7 =	smul.u32 @!p0 $0xF7A, s2;
	p2 =	seq.s32 @!p0 s5, $0x0  }
0x1f: {  	s9 =	smul.u32 $0xF7A, s1;
	s8 =	simm.s32 @!p0 $0x1BF5;
	p2 =	por !p2, p0  }
0x20: {  	[sflag:s8] =	ssyncset.s32 @!p0 $0xFFFFF086;
	s6 =	sadd.s32 @!p0 s3, s7;
	s7 =	simm.s32 @!p0 $0x108  }
0x21: {  	s3 =	sadd.s32 s3, s9;
	s6 =	sadd.s32 @!p0 $0x88, s6;
	s7 =	simm.s32 @p2 $0x1082  }
0x22: {  	[simem:s7], [sflag:s8] =	dma.local @!p0 [hbm:s6], $0xF7A  }
0x23: {  	s9 =	sor.u32 $0xD0000000, s2;
	s6 =	simm.s32 $0x108;
	_ =	swait.ge @!p0 [sflag:s8], $0x0  }
0x24: {  	s3 =	sadd.s32 $0x88, s3;
	s6 =	simm.s32 @!p1 $0x1082;
	[sflag:s4] =	ssyncset.s32 $0xFFFFF086  }
0x25: {  	[simem:s6], [sflag:s4] =	dma.local [hbm:s3], $0xF7A  }
0x26: {  	[smem:$0x3F99] =	sst s1;
	(tag) =	ssettag s2;
	_ =	strace s9  }
0x27: {  	s1 =	sld [smem:$0x3FA9]  }
0x28: {  	s2 =	sld [smem:$0x3FAA]  }
0x29: {  	s4 =	sld [smem:$0x3FAC]  }
0x2a: {  	p0 =	seq.s32 s5, $0x0;
	s5 =	sld [smem:$0x3FAD]  }
0x2b: {  	s6 =	sld [smem:$0x3FAE]  }
0x2c: {  	s7 =	sld [smem:$0x3FAF]  }
0x2d: {  	s3 =	simm.s32 $0x108;
	s8 =	sld [smem:$0x3FB0]  }
0x2e: {  	s3 =	simm.s32 @!p0 $0x1082;
	s9 =	sld [smem:$0x3FB1]  }
0x2f: {  	lr =	sadd.s32 s0, s3;
	s0 =	sld [smem:$0x3FA8]  }
0x30: {  	s3 =	sld [smem:$0x3FAB]  }
0x31: {  	[smem:$0x3FB4] =	sst s10  }
0x32: {  	s10 =	sld [smem:$0x3FB2];
	_ =	sdelay $0x3  }
0x33: {  	p0 =	seq.s32 s10, $0x1;
	s10 =	sld [smem:$0x3FB4];
	_ =	sdelay $0x3  }
0x34: {  	[smem:$0x3FB4] =	sst s10  }
0x35: {  	s10 =	sld [smem:$0x3FB3];
	_ =	sdelay $0x3  }
0x36: {  	p1 =	seq.s32 s10, $0x1;
	s10 =	sld [smem:$0x3FB4];
	_ =	sdelay $0x3  }
0x37: {  	[smem:$0x3FB4] =	sst s10  }
0x38: {  	s10 =	sld [smem:$0x3FB5]  }
0x39: {  	_ = 	snop;
	(pc) =	sbr.ind lr, $3  }
0x3a: {  	_ = 	snop  }
0x3b: {  	_ = 	snop  }
0x3c: {  	p2 =	seq.s32 s10, $0x1;
	s10 =	sld [smem:$0x3FB4]  }
0x3d: {  	_ =	shalt  }
0x3e: {  	_ =	shalt  }
0x3f: {  	_ =	shalt  }
0x40: {  	_ =	shalt  }
0x41: {  	_ =	shalt  }
0x42: {  	_ =	shalt  }
0x43: {  	_ =	shalt  }
0x44: {  	_ =	shalt  }
0x45: {  	_ =	shalt  }
0x46: {  	_ =	shalt  }
0x47: {  	_ =	shalt  }
0x48: {  	_ =	shalt  }
0x49: {  	_ =	shalt  }
0x4a: {  	_ =	shalt  }
0x4b: {  	_ =	shalt  }
0x4c: {  	_ =	shalt  }
0x4d: {  	_ =	shalt  }
0x4e: {  	_ =	shalt  }
0x4f: {  	_ =	shalt  }
0x50: {  	_ =	shalt  }
0x51: {  	_ =	shalt  }
0x52: {  	_ =	shalt  }
0x53: {  	_ =	shalt  }
0x54: {  	_ =	shalt  }
0x55: {  	_ =	shalt  }
0x56: {  	_ =	shalt  }
0x57: {  	_ =	shalt  }
0x58: {  	_ =	shalt  }
0x59: {  	_ =	shalt  }
0x5a: {  	_ =	shalt  }
0x5b: {  	_ =	shalt  }
0x5c: {  	_ =	shalt  }
0x5d: {  	_ =	shalt  }
0x5e: {  	_ =	shalt  }
0x5f: {  	_ =	shalt  }
0x60: {  	_ =	shalt  }
0x61: {  	_ =	shalt  }
0x62: {  	_ =	shalt  }
0x63: {  	_ =	shalt  }
0x64: {  	_ =	shalt  }
0x65: {  	_ =	shalt  }
0x66: {  	_ =	shalt  }
0x67: {  	_ =	shalt  }
0x68: {  	_ =	shalt  }
0x69: {  	_ =	shalt  }
0x6a: {  	_ =	shalt  }
0x6b: {  	_ =	shalt  }
0x6c: {  	_ =	shalt  }
0x6d: {  	_ =	shalt  }
0x6e: {  	_ =	shalt  }
0x6f: {  	_ =	shalt  }
0x70: {  	_ =	shalt  }
0x71: {  	_ =	shalt  }
0x72: {  	_ =	shalt  }
0x73: {  	_ =	shalt  }
0x74: {  	_ =	shalt  }
0x75: {  	_ =	shalt  }
0x76: {  	_ =	shalt  }
0x77: {  	_ =	shalt  }
0x78: {  	_ =	shalt  }
0x79: {  	_ =	shalt  }
0x7a: {  	_ =	shalt  }
0x7b: {  	_ =	shalt  }
0x7c: {  	_ =	shalt  }
0x7d: {  	_ =	shalt  }
0x7e: {  	_ =	shalt  }
0x7f: {  	_ =	shalt  }
0x80: {  	_ =	shalt  }
0x81: {  	_ =	shalt  }
0x82: {  	_ =	shalt  }
0x83: {  	_ =	shalt  }
0x84: {  	_ =	shalt  }
0x85: {  	_ =	shalt  }
0x86: {  	_ =	shalt  }
0x87: {  	_ =	shalt  }
.Lfunc_end0:
.L_simem_size_0:
called_computation.2_lowered:
.L_overlay_start_0:
0x88: {  	s2 =	sld [smem:$0x3FD9]  }
0x89: {  	s3 =	sld [smem:$0x3FFE];
	_ =	sdelay $0x1  }
0x8a: {  	s1 =	srdreg.scid  }
0x8b: {  	s0 =	sand.u32 $0x1, s1  }
0x8c: {  	s14 =	sshll.u32 s0, $0xA;
	s2 =	sadd.s32 s3, s2  }
0x8d: {  	s2 =	sadd.s32 s2, s14  }
0x8e: {  	[smem:$0x3FC0] =	sst s2  }
0x8f: {  	_ = 	snop  }
0x90: {  	s2 =	sld [smem:$0x3FD0];
	_ =	sdelay $0x2  }
0x91: {  	s15 =	simm.s32 $0xA;
	s4 =	simm.s32 $0x10  }
0x92: {  	[smem:s4], [sflag:s15] =	dma.local [hbm:s2], $0x1  }
0x93: {  	_ =	swait.eq [sflag:s15], $0x1  }
0x94: {  	[sflag:s15] =	ssyncset.done $0x0  }
0x95: {  	[sflag:s15] =	ssyncadd.s32 $0xFFFFFFFF  }
0x96: {  	s16 =	sld [smem:$0x15];
	(tm) =	ssettm $0x1  }
0x97: {  	s17 =	sld [smem:$0x3FFB];
	_ =	sdelay $0x3  }
0x98: {  	_ =	strace s17  }
0x99: {  	s3 =	sld [smem:$0x3FFC];
	_ =	sdelay $0x3  }
0x9a: {  	_ =	strace s3  }
0x9b: {  	s3 =	sld [smem:$0x3FFD];
	_ =	sdelay $0x3  }
0x9c: {  	_ =	strace s3  }
0x9d: {  	_ =	strace $0x8FFFFFFF  }
0x9e: {  	s18 =	sld [smem:$0x3FDB];
	_ =	sdelay $0x1  }
0x9f: {  	s19 =	simm.s32 $_scs_section_size  }
0xa0: {  	s5 =	simm.s32 $_size__tile_overlayer_lowered;
	s6 =	simm.s32 $_tile_overlayer_lowered  }
0xa1: {  	s22 =	simm.s32 $0x1BFF;
	s21 =	sshll.u32 s6, $0x1;
	s3 =	sadd.s32 s19, s18  }
0xa2: {  	s7 =	simm.s32 $0x0;
	s20 =	sshll.u32 s5, $0x1;
	s5 =	sadd.s32 s21, s3  }
0xa3: {  	[timem:s7], [sflag:s22] =	dma.local [hbm:s5], s20  }
0xa4: {  	_ =	swait.ge [sflag:s22], s20  }
0xa5: {  	s4 =	ssub.s32 $0x0, s20;
	[sflag:s22] =	ssyncset.done $0x0  }
0xa6: {  	[sflag:s22] =	ssyncadd.s32 s4;
	_ =	sdelay $0x1  }
0xa7: {  	s23 =	simm.s32 $0x1B8B  }
0xa8: {  	_ =	swait.ge [sflag:s23], $0x1  }
0xa9: {  	[sflag:s23] =	ssyncset.done $0x0  }
0xaa: {  	s25 =	simm.s32 $0x1B8E;
	s24 =	sld [smem:$0x3FFE];
	[sflag:s23] =	ssyncadd.s32 $0xFFFFFFFF  }
0xab: {  	s26 =	simm.s32 $execute0_lowered;
	[smem:$0x3FD2] =	sst s25  }
0xac: {  	s5 =	sshll.u32 s26, $0x1;
	_ =	strace $0x8000004C;
	[dreg:$0x1] =	wrdreg $0xFFFFFFFF  }
0xad: {  	s28 =	simm.s32 $_size_execute0_lowered;
	s3 =	sadd.s32 s3, s5;
	[dreg:$0x0] =	wrdreg $0x0  }
0xae: {  	s5 =	sshll.u32 s28, $0x1;
	[dreg:$0x2] =	wrdreg s3  }
0xaf: {  	[dreg:$0x3] =	wrdreg s5  }
0xb0: {  	[dreg:$0x4] =	wrdreg $0xC0  }
0xb1: {  	_ =	task [dreg:s7], $0x5FFFF  }
0xb2: {  	[dreg:$0x1] =	wrdreg $0xFFFFFFFF  }
0xb3: {  	[dreg:$0x0] =	wrdreg $0x60  }
0xb4: {  	[dreg:$0x2] =	wrdreg s24  }
0xb5: {  	[dreg:$0x3] =	wrdreg s16  }
0xb6: {  	[dreg:$0x4] =	wrdreg $0x0  }
0xb7: {  	[dreg:$0x5] =	wrdreg $0x9  }
0xb8: {  	_ =	task.clear_ibuf [dreg:s7], $0x6FFFF;
	_ =	strace $0x9000004C  }
0xb9: {  	s29 =	simm.s32 $0x9;
	_ =	strace $0x8000004E  }
0xba: {  	_ =	swait.ge [sflag:s29], $0x1  }
0xbb: {  	[sflag:s29] =	ssyncadd.s32 $0xFFFFFFFF  }
0xbc: {  	_ =	strace $0x9000004E  }
0xbd: {  	_ =	sfence  }
0xbe: {  	s30 =	sld [smem:$0x0];
	_ =	sdelay $0x2  }
0xbf: {  	s31 =	sshll.u32 s1, $0xD;
	s1 =	sshrl.u32 s1, $0x2  }
0xc0: {  	s3 =	sand.u32 $0x4000, s31;
	s1 =	sadd.s32 s1, s30  }
0xc1: {  	s0 =	sor.u32 s3, s0;
	s1 =	sshll.u32 s1, $0x11  }
0xc2: {  	s0 =	sor.u32 s1, s0  }
0xc3: {  	s0 =	sadd.s32 $0x8F2B, s0  }
0xc4: {  	[sflag:s0] =	ssyncadd.remote.s32 $0x1  }
0xc5: {  	_ =	sfence.sel $0xFFFF  }
0xc6: {  	[dreg:$0x0] =	wrdreg $0xFFFFFFFF;
	(pc) =	sbr.abs _section_cstart, $3  }
0xc7: {  	[dreg:$0x1] =	wrdreg $0xFFFFFFFF  }
0xc8: {  	_ =	task.clear_ibuf [dreg:s7], $0x2FFFF;
	_ =	strace $0x9FFFFFFF  }
0xc9: {  	(tm) =	ssettm $0x7FFFFFFF  }
tec
execute0_lowered:
.L_overlay_start_1:
0x0: {  	(tag) =	ssettag $0x1  }
0x1: {  	s0 =	rddreg [dreg:$0x0]  }
0x2: {  	s2 =	rddreg [dreg:$0x1]  }
0x3: {  	s1 =	rddreg [dreg:$0x2]  }
0x4: {  	s3 =	srdreg.scid;
	s13 =	stileid.u32;
	s18 =	simm.s32 $0x16800  }
0x5: {  	s19 =	simm.s32 $0x5;
	s20 =	simm.s32 $0x14000;
	s21 =	simm.s32 $0x15400  }
0x6: {  	s28 =	simm.s32 $0x2;
	s29 =	simm.s32 $0x4;
	s30 =	simm.s32 $0x16700  }
0x7: {  	s31 =	simm.s32 $0x16780;
	s8 =	sand.u32 $0x1, s3;
	s6 =	smul.u32 $0x14000, s13  }
0x8: {  	s3 =	simm.s32 $0x0;
	s7 =	smul.u32 $0x50000, s13;
	s4 =	sadd.s32 $0x2C00, s0  }
0x9: {  	s17 =	sadd.s32 $0xA000, s2;
	s5 =	smul.u32 $0x140000, s8;
	[smem:$0x7FF] =	sst s3  }
0xa: {  	s22 =	ssub.s32 $0x2, s8;
	s11 =	sshll.u32 s8, $0x4;
	_ =	strace $0x8000004D  }
0xb: {  	s9 =	sshrl.u32 s22, $0x1;
	s7 =	sshrl.u32 s7, $0x2;
	s11 =	sor.u32 s13, s11  }
0xc: {  	s5 =	sadd.s32 s6, s5;
	s12 =	ssub.s32 s22, s9;
	s16 =	smul.u32 $0x500, s11  }
0xd: {  	s11 =	sadd.s32 $0x2C500, s0;
	s22 =	simm.s32 $0x80;
	s5 =	sshrl.u32 s5, $0x3  }
0xe: {  	s25 =	smax.u32 s12, $0x1;
	s10 =	sadd.s32 s5, s0;
	s5 =	sadd.s32 s7, s1  }
0xf: {  	[dreg:$0x6] =	wrdreg s25;
	s14 =	sadd.s32 s2, s16;
	s15 =	sadd.s32 s16, s17  }
0x10: {  	s26 =	sadd.s32 $0x280, s16;
	s25 =	simm.s32 $0x1;
	s6 =	sadd.s32 $0x4000, s5  }
0x11: {  	s7 =	sadd.s32 $0x8000, s5;
	s8 =	sadd.s32 $0xC000, s5;
	s9 =	sadd.s32 $0x10000, s5  }
0x12: {  	s23 =	sadd.s32 $0x118A00, s10;
	s24 =	sadd.s32 $0x168A00, s10;
	s16 =	sadd.s32 s2, s26  }
0x13: {  	s17 =	sadd.s32 s26, s17;
	s26 =	simm.s32 $0x3;
	[dreg:$0x4] =	wrdreg s23  }
0x14: {  	v0 =	vimm.f32 $0.0e+00;
	[dreg:$0x5] =	wrdreg s24;
	s23 =	simm.s32 $0x14080;
	s24 =	simm.s32 $0x1A800  }
.LBB2_1:
0x15: {  	s0 =	simm.s32 $0x0;
	s2 =	simm.s32 $0x200  }
.LBB2_2:
0x16: {  	p0 =	sne.s32 s2, $0xFE00;
	[tilespmem:s0+$0x16870] =	vst v0  }
0x17: {  	[tilespmem:s0+$0x16800] =	vst v0  }
0x18: {  	[tilespmem:s0+$0x16810] =	vst v0  }
.Ltmp0:
0x19: {  	[tilespmem:s0+$0x16820] =	vst v0;
	(pc) =	sbr.rel @p0 .LBB2_2-.Ltmp0, $4  }
0x1a: {  	[tilespmem:s0+$0x16830] =	vst v0  }
0x1b: {  	[tilespmem:s0+$0x16840] =	vst v0  }
0x1c: {  	[tilespmem:s0+$0x16850] =	vst v0  }
0x1d: {  	[tilespmem:s0+$0x16860] =	vst v0;
	s0 =	sshra.s32 s2, $0x2;
	s2 =	sadd.s32 $0x200, s2  }
0x1e: {  	[tilespmem:s0+$0x16870] =	vst v0  }
0x1f: {  	[tilespmem:s0+$0x16800] =	vst v0  }
0x20: {  	[tilespmem:s0+$0x16810] =	vst v0  }
0x21: {  	[tilespmem:s0+$0x16820] =	vst v0  }
0x22: {  	[tilespmem:s0+$0x16830] =	vst v0  }
0x23: {  	[tilespmem:s0+$0x16840] =	vst v0  }
0x24: {  	[tilespmem:s0+$0x16850] =	vst v0  }
0x25: {  	[tilespmem:s0+$0x16860] =	vst v0  }
0x26: {  	[spmem:s5] =	stream.linear.scatter [tilespmem:s18], [sflag:$0x5], $0x4000, $0x38;
	[tilespmem:$0x1E800] =	vst v63  }
0x27: {  	_ =	swait.ge [sflag:s19], $0x4000  }
0x28: {  	[sflag:s19] =	ssyncset.done $0x0  }
0x29: {  	[sflag:s19] =	ssyncadd.s32 $0xFFFFC000  }
0x2a: {  	[spmem:s6] =	stream.linear.scatter [tilespmem:s18], [sflag:$0x5], $0x4000, $0x38;
	[tilespmem:$0x1E800] =	vst v63  }
0x2b: {  	_ =	swait.ge [sflag:s19], $0x4000  }
0x2c: {  	[sflag:s19] =	ssyncset.done $0x0  }
0x2d: {  	[sflag:s19] =	ssyncadd.s32 $0xFFFFC000  }
0x2e: {  	[spmem:s7] =	stream.linear.scatter [tilespmem:s18], [sflag:$0x5], $0x4000, $0x38;
	[tilespmem:$0x1E800] =	vst v63  }
0x2f: {  	_ =	swait.ge [sflag:s19], $0x4000  }
0x30: {  	[sflag:s19] =	ssyncset.done $0x0  }
0x31: {  	[sflag:s19] =	ssyncadd.s32 $0xFFFFC000  }
0x32: {  	[spmem:s8] =	stream.linear.scatter [tilespmem:s18], [sflag:$0x5], $0x4000, $0x38;
	[tilespmem:$0x1E800] =	vst v63  }
0x33: {  	_ =	swait.ge [sflag:s19], $0x4000  }
0x34: {  	[sflag:s19] =	ssyncset.done $0x0  }
0x35: {  	[sflag:s19] =	ssyncadd.s32 $0xFFFFC000  }
0x36: {  	[spmem:s9] =	stream.linear.scatter [tilespmem:s18], [sflag:$0x5], $0x4000, $0x38;
	[tilespmem:$0x1E800] =	vst v63  }
0x37: {  	_ =	swait.ge [sflag:s19], $0x4000  }
0x38: {  	[sflag:s19] =	ssyncset.done $0x0  }
0x39: {  	[sflag:s19] =	ssyncadd.s32 $0xFFFFC000  }
0x3a: {  	s2 =	simm.s32 $0x0;
	[bflag:$0x0] =	sbarrier.arrive $0xFFFF  }
0x3b: {  	[tilespmem:s20], [sflag:$0x5] =	stream.linear.gather [hbm4b:s14+s2], $0x1400, $0x38;
	[tilespmem:$0x1E800] =	vst v63  }
0x3c: {  	_ =	swait.ge [sflag:s19], $0x1400  }
0x3d: {  	[sflag:s19] =	ssyncset.done $0x0  }
0x3e: {  	[sflag:s19] =	ssyncadd.s32 $0xFFFFEC00  }
0x3f: {  	[tilespmem:s21], [sflag:$0x5] =	stream.linear.gather [hbm4b:s15+s2], $0x1400, $0x38;
	[tilespmem:$0x1E800] =	vst v63  }
0x40: {  	_ =	swait.ge [sflag:s19], $0x1400  }
0x41: {  	[sflag:s19] =	ssyncset.done $0x0  }
0x42: {  	[sflag:s19] =	ssyncadd.s32 $0xFFFFEC00  }
0x43: {  	[tilespmem:s18], [sflag:$0x1] =	stream.indirect.gather [hbm4b:s4+s22], $0x80, s20, s22, $0xb8;
	[tilespmem:$0x1E800] =	vst v63  }
0x44: {  	_ = 	snop  }
0x45: {  	[tilespmem:s24], [sflag:$0x2] =	stream.indirect.gather [hbm4b:s4+s22], $0x80, s23, s22, $0xb8;
	[tilespmem:$0x1E800] =	vst v63  }
0x46: {  	_ =	swait.ge [sflag:s25], $0x4000  }
0x47: {  	[sflag:s25] =	ssyncset.done $0x0  }
0x48: {  	s10 =	simm.s32 $0x15400;
	[sflag:s25] =	ssyncadd.s32 $0xFFFFC000  }
0x49: {  	[spmem:s1] =	stream.indirect.scatter.add.f32 [tilespmem:s18], [sflag:$0x3], $0x80, s10, s22, $0xb8;
	[tilespmem:$0x1E800] =	vst v63  }
0x4a: {  	_ =	swait.ge [sflag:s26], $0x4000  }
0x4b: {  	[sflag:s26] =	ssyncset.done $0x0  }
0x4c: {  	s12 =	simm.s32 $0x14100;
	[sflag:s26] =	ssyncadd.s32 $0xFFFFC000  }
0x4d: {  	[tilespmem:s18], [sflag:$0x1] =	stream.indirect.gather [hbm4b:s4+s22], $0x80, s12, s22, $0xb8;
	[tilespmem:$0x1E800] =	vst v63  }
0x4e: {  	_ =	swait.ge [sflag:s28], $0x4000  }
0x4f: {  	[sflag:s28] =	ssyncset.done $0x0  }
0x50: {  	s13 =	simm.s32 $0x15480;
	[sflag:s28] =	ssyncadd.s32 $0xFFFFC000  }
0x51: {  	[spmem:s1] =	stream.indirect.scatter.add.f32 [tilespmem:s24], [sflag:$0x4], $0x80, s13, s22, $0xb8;
	[tilespmem:$0x1E800] =	vst v63  }
0x52: {  	_ =	swait.ge [sflag:s29], $0x4000  }
0x53: {  	[sflag:s29] =	ssyncset.done $0x0  }
0x54: {  	s0 =	simm.s32 $0x400;
	s2 =	simm.s32 $0x14180;
	[sflag:s29] =	ssyncadd.s32 $0xFFFFC000  }
.LBB2_4:
0x55: {  	[tilespmem:s24], [sflag:$0x2] =	stream.indirect.gather [hbm4b:s4+s22], $0x80, s2, s22, $0xb8;
	[tilespmem:$0x1E800] =	vst v63  }
0x56: {  	s2 =	smov.u32 s0  }
0x57: {  	p0 =	sne.s32 s0, $0x4800;
	s0 =	sadd.s32 $0x400, s0;
	_ =	swait.ge [sflag:s25], $0x4000  }
0x58: {  	s2 =	sshra.s32 s2, $0x2;
	[sflag:s25] =	ssyncset.done $0x0  }
0x59: {  	s10 =	sadd.s32 $0x15400, s2;
	[sflag:s25] =	ssyncadd.s32 $0xFFFFC000  }
0x5a: {  	[spmem:s1] =	stream.indirect.scatter.add.f32 [tilespmem:s18], [sflag:$0x3], $0x80, s10, s22, $0xb8;
	[tilespmem:$0x1E800] =	vst v63  }
0x5b: {  	_ =	swait.ge [sflag:s26], $0x4000  }
0x5c: {  	[sflag:s26] =	ssyncset.done $0x0  }
0x5d: {  	s10 =	sadd.s32 $0x14100, s2;
	[sflag:s26] =	ssyncadd.s32 $0xFFFFC000  }
0x5e: {  	[tilespmem:s18], [sflag:$0x1] =	stream.indirect.gather [hbm4b:s4+s22], $0x80, s10, s22, $0xb8;
	[tilespmem:$0x1E800] =	vst v63  }
0x5f: {  	_ =	swait.ge [sflag:s28], $0x4000  }
0x60: {  	[sflag:s28] =	ssyncset.done $0x0  }
.Ltmp1:
0x61: {  	s10 =	sadd.s32 $0x15480, s2;
	[sflag:s28] =	ssyncadd.s32 $0xFFFFC000;
	(pc) =	sbr.rel @p0 .LBB2_4-.Ltmp1, $4  }
0x62: {  	[spmem:s1] =	stream.indirect.scatter.add.f32 [tilespmem:s24], [sflag:$0x4], $0x80, s10, s22, $0xb8;
	[tilespmem:$0x1E800] =	vst v63  }
0x63: {  	_ =	swait.ge [sflag:s29], $0x4000  }
0x64: {  	[sflag:s29] =	ssyncset.done $0x0  }
0x65: {  	s2 =	sadd.s32 $0x14180, s2;
	[sflag:s29] =	ssyncadd.s32 $0xFFFFC000  }
0x66: {  	[tilespmem:s24], [sflag:$0x2] =	stream.indirect.gather [hbm4b:s4+s22], $0x80, s2, s22, $0xb8;
	[tilespmem:$0x1E800] =	vst v63  }
0x67: {  	_ =	swait.ge [sflag:s25], $0x4000  }
0x68: {  	[sflag:s25] =	ssyncset.done $0x0  }
0x69: {  	[sflag:s25] =	ssyncadd.s32 $0xFFFFC000  }
0x6a: {  	[spmem:s1] =	stream.indirect.scatter.add.f32 [tilespmem:s18], [sflag:$0x3], $0x80, s30, s22, $0xb8;
	[tilespmem:$0x1E800] =	vst v63  }
0x6b: {  	_ =	swait.ge [sflag:s28], $0x4000  }
0x6c: {  	[sflag:s28] =	ssyncset.done $0x0  }
0x6d: {  	[sflag:s28] =	ssyncadd.s32 $0xFFFFC000  }
0x6e: {  	[spmem:s1] =	stream.indirect.scatter.add.f32 [tilespmem:s24], [sflag:$0x4], $0x80, s31, s22, $0xb8;
	[tilespmem:$0x1E800] =	vst v63  }
0x6f: {  	_ =	swait.ge [sflag:s26], $0x4000  }
0x70: {  	[sflag:s26] =	ssyncset.done $0x0  }
0x71: {  	[sflag:s26] =	ssyncadd.s32 $0xFFFFC000  }
0x72: {  	_ =	swait.ge [sflag:s29], $0x4000  }
0x73: {  	[sflag:s29] =	ssyncset.done $0x0  }
0x74: {  	s0 =	simm.s32 $0x0;
	[sflag:s29] =	ssyncadd.s32 $0xFFFFC000  }
0x75: {  	[tilespmem:s20], [sflag:$0x5] =	stream.linear.gather [hbm4b:s16+s0], $0x1400, $0x38;
	[tilespmem:$0x1E800] =	vst v63  }
0x76: {  	_ =	swait.ge [sflag:s19], $0x1400  }
0x77: {  	[sflag:s19] =	ssyncset.done $0x0  }
0x78: {  	[sflag:s19] =	ssyncadd.s32 $0xFFFFEC00  }
0x79: {  	[tilespmem:s21], [sflag:$0x5] =	stream.linear.gather [hbm4b:s17+s0], $0x1400, $0x38;
	[tilespmem:$0x1E800] =	vst v63  }
0x7a: {  	_ =	swait.ge [sflag:s19], $0x1400  }
0x7b: {  	[sflag:s19] =	ssyncset.done $0x0  }
0x7c: {  	[sflag:s19] =	ssyncadd.s32 $0xFFFFEC00  }
0x7d: {  	[tilespmem:s18], [sflag:$0x1] =	stream.indirect.gather [hbm4b:s4+s22], $0x80, s20, s22, $0xb8;
	[tilespmem:$0x1E800] =	vst v63  }
0x7e: {  	_ = 	snop  }
0x7f: {  	[tilespmem:s24], [sflag:$0x2] =	stream.indirect.gather [hbm4b:s4+s22], $0x80, s23, s22, $0xb8;
	[tilespmem:$0x1E800] =	vst v63  }
0x80: {  	_ =	swait.ge [sflag:s25], $0x4000  }
0x81: {  	[sflag:s25] =	ssyncset.done $0x0  }
0x82: {  	s10 =	simm.s32 $0x15400;
	[sflag:s25] =	ssyncadd.s32 $0xFFFFC000  }
0x83: {  	[spmem:s1] =	stream.indirect.scatter.add.f32 [tilespmem:s18], [sflag:$0x3], $0x80, s10, s22, $0xb8;
	[tilespmem:$0x1E800] =	vst v63  }
0x84: {  	_ =	swait.ge [sflag:s26], $0x4000  }
0x85: {  	[sflag:s26] =	ssyncset.done $0x0  }
0x86: {  	s12 =	simm.s32 $0x14100;
	[sflag:s26] =	ssyncadd.s32 $0xFFFFC000  }
0x87: {  	[tilespmem:s18], [sflag:$0x1] =	stream.indirect.gather [hbm4b:s4+s22], $0x80, s12, s22, $0xb8;
	[tilespmem:$0x1E800] =	vst v63  }
0x88: {  	_ =	swait.ge [sflag:s28], $0x4000  }
0x89: {  	[sflag:s28] =	ssyncset.done $0x0  }
0x8a: {  	s13 =	simm.s32 $0x15480;
	[sflag:s28] =	ssyncadd.s32 $0xFFFFC000  }
0x8b: {  	[spmem:s1] =	stream.indirect.scatter.add.f32 [tilespmem:s24], [sflag:$0x4], $0x80, s13, s22, $0xb8;
	[tilespmem:$0x1E800] =	vst v63  }
0x8c: {  	_ =	swait.ge [sflag:s29], $0x4000  }
0x8d: {  	[sflag:s29] =	ssyncset.done $0x0  }
0x8e: {  	s2 =	simm.s32 $0x14180;
	s0 =	simm.s32 $0x400;
	[sflag:s29] =	ssyncadd.s32 $0xFFFFC000  }
.LBB2_6:
0x8f: {  	[tilespmem:s24], [sflag:$0x2] =	stream.indirect.gather [hbm4b:s4+s22], $0x80, s2, s22, $0xb8;
	[tilespmem:$0x1E800] =	vst v63  }
0x90: {  	s2 =	smov.u32 s0  }
0x91: {  	p0 =	sne.s32 s0, $0x4800;
	s0 =	sadd.s32 $0x400, s0;
	_ =	swait.ge [sflag:s25], $0x4000  }
0x92: {  	s2 =	sshra.s32 s2, $0x2;
	[sflag:s25] =	ssyncset.done $0x0  }
0x93: {  	s10 =	sadd.s32 $0x15400, s2;
	[sflag:s25] =	ssyncadd.s32 $0xFFFFC000  }
0x94: {  	[spmem:s1] =	stream.indirect.scatter.add.f32 [tilespmem:s18], [sflag:$0x3], $0x80, s10, s22, $0xb8;
	[tilespmem:$0x1E800] =	vst v63  }
0x95: {  	_ =	swait.ge [sflag:s26], $0x4000  }
0x96: {  	[sflag:s26] =	ssyncset.done $0x0  }
0x97: {  	s10 =	sadd.s32 $0x14100, s2;
	[sflag:s26] =	ssyncadd.s32 $0xFFFFC000  }
0x98: {  	[tilespmem:s18], [sflag:$0x1] =	stream.indirect.gather [hbm4b:s4+s22], $0x80, s10, s22, $0xb8;
	[tilespmem:$0x1E800] =	vst v63  }
0x99: {  	_ =	swait.ge [sflag:s28], $0x4000  }
0x9a: {  	[sflag:s28] =	ssyncset.done $0x0  }
.Ltmp2:
0x9b: {  	s10 =	sadd.s32 $0x15480, s2;
	[sflag:s28] =	ssyncadd.s32 $0xFFFFC000;
	(pc) =	sbr.rel @p0 .LBB2_6-.Ltmp2, $4  }
0x9c: {  	[spmem:s1] =	stream.indirect.scatter.add.f32 [tilespmem:s24], [sflag:$0x4], $0x80, s10, s22, $0xb8;
	[tilespmem:$0x1E800] =	vst v63  }
0x9d: {  	_ =	swait.ge [sflag:s29], $0x4000  }
0x9e: {  	[sflag:s29] =	ssyncset.done $0x0  }
0x9f: {  	s2 =	sadd.s32 $0x14180, s2;
	[sflag:s29] =	ssyncadd.s32 $0xFFFFC000  }
0xa0: {  	[tilespmem:s24], [sflag:$0x2] =	stream.indirect.gather [hbm4b:s4+s22], $0x80, s2, s22, $0xb8;
	[tilespmem:$0x1E800] =	vst v63  }
0xa1: {  	_ =	swait.ge [sflag:s25], $0x4000  }
0xa2: {  	[sflag:s25] =	ssyncset.done $0x0  }
0xa3: {  	[sflag:s25] =	ssyncadd.s32 $0xFFFFC000  }
0xa4: {  	[spmem:s1] =	stream.indirect.scatter.add.f32 [tilespmem:s18], [sflag:$0x3], $0x80, s30, s22, $0xb8;
	[tilespmem:$0x1E800] =	vst v63  }
0xa5: {  	_ =	swait.ge [sflag:s28], $0x4000  }
0xa6: {  	[sflag:s28] =	ssyncset.done $0x0  }
0xa7: {  	[sflag:s28] =	ssyncadd.s32 $0xFFFFC000  }
0xa8: {  	[spmem:s1] =	stream.indirect.scatter.add.f32 [tilespmem:s24], [sflag:$0x4], $0x80, s31, s22, $0xb8;
	[tilespmem:$0x1E800] =	vst v63  }
0xa9: {  	_ =	swait.ge [sflag:s26], $0x4000  }
0xaa: {  	[sflag:s26] =	ssyncset.done $0x0  }
0xab: {  	[sflag:s26] =	ssyncadd.s32 $0xFFFFC000  }
0xac: {  	_ =	swait.ge [sflag:s29], $0x4000  }
0xad: {  	[sflag:s29] =	ssyncset.done $0x0  }
0xae: {  	s0 =	stileid.u32;
	[sflag:s29] =	ssyncadd.s32 $0xFFFFC000  }
0xaf: {  	s0 =	sshll.u32 s0, $0x6;
	[bflag:$0x0] =	sbarrier.arrive $0xFFFF  }
0xb0: {  	s2 =	sshrl.u32 s5, $0x3;
	s0 =	sor.u32 $0x1C05, s0;
	s10 =	rddreg [dreg:$0x4]  }
0xb1: {  	[hbm:s10], [sflag:s0] =	dma.local [spmem:s2], $0x2800  }
0xb2: {  	_ =	swait.ge [sflag:s19], $0x2800  }
0xb3: {  	[sflag:s19] =	ssyncset.done $0x0  }
0xb4: {  	s12 =	simm.s32 $0x200;
	s10 =	simm.s32 $0x0;
	[sflag:s19] =	ssyncadd.s32 $0xFFFFD800  }
.LBB2_8:
0xb5: {  	p0 =	sne.s32 s12, $0xFE00;
	[tilespmem:s10+$0x16870] =	vst v0  }
0xb6: {  	[tilespmem:s10+$0x16800] =	vst v0  }
0xb7: {  	[tilespmem:s10+$0x16810] =	vst v0  }
.Ltmp3:
0xb8: {  	[tilespmem:s10+$0x16820] =	vst v0;
	(pc) =	sbr.rel @p0 .LBB2_8-.Ltmp3, $4  }
0xb9: {  	[tilespmem:s10+$0x16830] =	vst v0  }
0xba: {  	[tilespmem:s10+$0x16840] =	vst v0  }
0xbb: {  	[tilespmem:s10+$0x16850] =	vst v0  }
0xbc: {  	[tilespmem:s10+$0x16860] =	vst v0;
	s10 =	sshra.s32 s12, $0x2;
	s12 =	sadd.s32 $0x200, s12  }
0xbd: {  	[tilespmem:s10+$0x16870] =	vst v0  }
0xbe: {  	[tilespmem:s10+$0x16800] =	vst v0  }
0xbf: {  	[tilespmem:s10+$0x16810] =	vst v0  }
0xc0: {  	[tilespmem:s10+$0x16820] =	vst v0  }
0xc1: {  	[tilespmem:s10+$0x16830] =	vst v0  }
0xc2: {  	[tilespmem:s10+$0x16840] =	vst v0  }
0xc3: {  	[tilespmem:s10+$0x16850] =	vst v0  }
0xc4: {  	[tilespmem:s10+$0x16860] =	vst v0  }
0xc5: {  	[spmem:s5] =	stream.linear.scatter [tilespmem:s18], [sflag:$0x5], $0x4000, $0x38;
	[tilespmem:$0x1E800] =	vst v63  }
0xc6: {  	_ =	swait.ge [sflag:s19], $0x4000  }
0xc7: {  	[sflag:s19] =	ssyncset.done $0x0  }
0xc8: {  	[sflag:s19] =	ssyncadd.s32 $0xFFFFC000  }
0xc9: {  	[spmem:s6] =	stream.linear.scatter [tilespmem:s18], [sflag:$0x5], $0x4000, $0x38;
	[tilespmem:$0x1E800] =	vst v63  }
0xca: {  	_ =	swait.ge [sflag:s19], $0x4000  }
0xcb: {  	[sflag:s19] =	ssyncset.done $0x0  }
0xcc: {  	[sflag:s19] =	ssyncadd.s32 $0xFFFFC000  }
0xcd: {  	[spmem:s7] =	stream.linear.scatter [tilespmem:s18], [sflag:$0x5], $0x4000, $0x38;
	[tilespmem:$0x1E800] =	vst v63  }
0xce: {  	_ =	swait.ge [sflag:s19], $0x4000  }
0xcf: {  	[sflag:s19] =	ssyncset.done $0x0  }
0xd0: {  	[sflag:s19] =	ssyncadd.s32 $0xFFFFC000  }
0xd1: {  	[spmem:s8] =	stream.linear.scatter [tilespmem:s18], [sflag:$0x5], $0x4000, $0x38;
	[tilespmem:$0x1E800] =	vst v63  }
0xd2: {  	_ =	swait.ge [sflag:s19], $0x4000  }
0xd3: {  	[sflag:s19] =	ssyncset.done $0x0  }
0xd4: {  	[sflag:s19] =	ssyncadd.s32 $0xFFFFC000  }
0xd5: {  	[spmem:s9] =	stream.linear.scatter [tilespmem:s18], [sflag:$0x5], $0x4000, $0x38;
	[tilespmem:$0x1E800] =	vst v63  }
0xd6: {  	_ =	swait.ge [sflag:s19], $0x4000  }
0xd7: {  	[sflag:s19] =	ssyncset.done $0x0  }
0xd8: {  	[sflag:s19] =	ssyncadd.s32 $0xFFFFC000  }
0xd9: {  	s12 =	simm.s32 $0x0;
	[bflag:$0x0] =	sbarrier.arrive $0xFFFF  }
0xda: {  	[tilespmem:s20], [sflag:$0x5] =	stream.linear.gather [hbm4b:s14+s12], $0x1400, $0x38;
	[tilespmem:$0x1E800] =	vst v63  }
0xdb: {  	_ =	swait.ge [sflag:s19], $0x1400  }
0xdc: {  	[sflag:s19] =	ssyncset.done $0x0  }
0xdd: {  	[sflag:s19] =	ssyncadd.s32 $0xFFFFEC00  }
0xde: {  	[tilespmem:s21], [sflag:$0x5] =	stream.linear.gather [hbm4b:s15+s12], $0x1400, $0x38;
	[tilespmem:$0x1E800] =	vst v63  }
0xdf: {  	_ =	swait.ge [sflag:s19], $0x1400  }
0xe0: {  	[sflag:s19] =	ssyncset.done $0x0  }
0xe1: {  	[sflag:s19] =	ssyncadd.s32 $0xFFFFEC00  }
0xe2: {  	[tilespmem:s18], [sflag:$0x1] =	stream.indirect.gather [hbm4b:s11+s22], $0x80, s20, s22, $0xb8;
	[tilespmem:$0x1E800] =	vst v63  }
0xe3: {  	_ = 	snop  }
0xe4: {  	[tilespmem:s24], [sflag:$0x2] =	stream.indirect.gather [hbm4b:s11+s22], $0x80, s23, s22, $0xb8;
	[tilespmem:$0x1E800] =	vst v63  }
0xe5: {  	_ =	swait.ge [sflag:s25], $0x4000  }
0xe6: {  	[sflag:s25] =	ssyncset.done $0x0  }
0xe7: {  	s13 =	simm.s32 $0x15400;
	[sflag:s25] =	ssyncadd.s32 $0xFFFFC000  }
0xe8: {  	[spmem:s1] =	stream.indirect.scatter.add.f32 [tilespmem:s18], [sflag:$0x3], $0x80, s13, s22, $0xb8;
	[tilespmem:$0x1E800] =	vst v63  }
0xe9: {  	_ =	swait.ge [sflag:s26], $0x4000  }
0xea: {  	[sflag:s26] =	ssyncset.done $0x0  }
0xeb: {  	s12 =	simm.s32 $0x14100;
	[sflag:s26] =	ssyncadd.s32 $0xFFFFC000  }
0xec: {  	[tilespmem:s18], [sflag:$0x1] =	stream.indirect.gather [hbm4b:s11+s22], $0x80, s12, s22, $0xb8;
	[tilespmem:$0x1E800] =	vst v63  }
0xed: {  	_ =	swait.ge [sflag:s28], $0x4000  }
0xee: {  	[sflag:s28] =	ssyncset.done $0x0  }
0xef: {  	s13 =	simm.s32 $0x15480;
	[sflag:s28] =	ssyncadd.s32 $0xFFFFC000  }
0xf0: {  	[spmem:s1] =	stream.indirect.scatter.add.f32 [tilespmem:s24], [sflag:$0x4], $0x80, s13, s22, $0xb8;
	[tilespmem:$0x1E800] =	vst v63  }
0xf1: {  	_ =	swait.ge [sflag:s29], $0x4000  }
0xf2: {  	[sflag:s29] =	ssyncset.done $0x0  }
0xf3: {  	s10 =	simm.s32 $0x400;
	s12 =	simm.s32 $0x14180;
	[sflag:s29] =	ssyncadd.s32 $0xFFFFC000  }
.LBB2_10:
0xf4: {  	[tilespmem:s24], [sflag:$0x2] =	stream.indirect.gather [hbm4b:s11+s22], $0x80, s12, s22, $0xb8;
	[tilespmem:$0x1E800] =	vst v63  }
0xf5: {  	s12 =	smov.u32 s10  }
0xf6: {  	p0 =	sne.s32 s10, $0x4800;
	s10 =	sadd.s32 $0x400, s10;
	_ =	swait.ge [sflag:s25], $0x4000  }
0xf7: {  	s12 =	sshra.s32 s12, $0x2;
	[sflag:s25] =	ssyncset.done $0x0  }
0xf8: {  	s13 =	sadd.s32 $0x15400, s12;
	[sflag:s25] =	ssyncadd.s32 $0xFFFFC000  }
0xf9: {  	[spmem:s1] =	stream.indirect.scatter.add.f32 [tilespmem:s18], [sflag:$0x3], $0x80, s13, s22, $0xb8;
	[tilespmem:$0x1E800] =	vst v63  }
0xfa: {  	_ =	swait.ge [sflag:s26], $0x4000  }
0xfb: {  	[sflag:s26] =	ssyncset.done $0x0  }
0xfc: {  	s13 =	sadd.s32 $0x14100, s12;
	[sflag:s26] =	ssyncadd.s32 $0xFFFFC000  }
0xfd: {  	[tilespmem:s18], [sflag:$0x1] =	stream.indirect.gather [hbm4b:s11+s22], $0x80, s13, s22, $0xb8;
	[tilespmem:$0x1E800] =	vst v63  }
0xfe: {  	_ =	swait.ge [sflag:s28], $0x4000  }
0xff: {  	[sflag:s28] =	ssyncset.done $0x0  }
.Ltmp4:
0x100: {  	s13 =	sadd.s32 $0x15480, s12;
	[sflag:s28] =	ssyncadd.s32 $0xFFFFC000;
	(pc) =	sbr.rel @p0 .LBB2_10-.Ltmp4, $4  }
0x101: {  	[spmem:s1] =	stream.indirect.scatter.add.f32 [tilespmem:s24], [sflag:$0x4], $0x80, s13, s22, $0xb8;
	[tilespmem:$0x1E800] =	vst v63  }
0x102: {  	_ =	swait.ge [sflag:s29], $0x4000  }
0x103: {  	[sflag:s29] =	ssyncset.done $0x0  }
0x104: {  	s12 =	sadd.s32 $0x14180, s12;
	[sflag:s29] =	ssyncadd.s32 $0xFFFFC000  }
0x105: {  	[tilespmem:s24], [sflag:$0x2] =	stream.indirect.gather [hbm4b:s11+s22], $0x80, s12, s22, $0xb8;
	[tilespmem:$0x1E800] =	vst v63  }
0x106: {  	_ =	swait.ge [sflag:s25], $0x4000  }
0x107: {  	[sflag:s25] =	ssyncset.done $0x0  }
0x108: {  	[sflag:s25] =	ssyncadd.s32 $0xFFFFC000  }
0x109: {  	[spmem:s1] =	stream.indirect.scatter.add.f32 [tilespmem:s18], [sflag:$0x3], $0x80, s30, s22, $0xb8;
	[tilespmem:$0x1E800] =	vst v63  }
0x10a: {  	_ =	swait.ge [sflag:s28], $0x4000  }
0x10b: {  	[sflag:s28] =	ssyncset.done $0x0  }
0x10c: {  	[sflag:s28] =	ssyncadd.s32 $0xFFFFC000  }
0x10d: {  	[spmem:s1] =	stream.indirect.scatter.add.f32 [tilespmem:s24], [sflag:$0x4], $0x80, s31, s22, $0xb8;
	[tilespmem:$0x1E800] =	vst v63  }
0x10e: {  	_ =	swait.ge [sflag:s26], $0x4000  }
0x10f: {  	[sflag:s26] =	ssyncset.done $0x0  }
0x110: {  	[sflag:s26] =	ssyncadd.s32 $0xFFFFC000  }
0x111: {  	_ =	swait.ge [sflag:s29], $0x4000  }
0x112: {  	[sflag:s29] =	ssyncset.done $0x0  }
0x113: {  	s10 =	simm.s32 $0x0;
	[sflag:s29] =	ssyncadd.s32 $0xFFFFC000  }
0x114: {  	[tilespmem:s20], [sflag:$0x5] =	stream.linear.gather [hbm4b:s16+s10], $0x1400, $0x38;
	[tilespmem:$0x1E800] =	vst v63  }
0x115: {  	_ =	swait.ge [sflag:s19], $0x1400  }
0x116: {  	[sflag:s19] =	ssyncset.done $0x0  }
0x117: {  	[sflag:s19] =	ssyncadd.s32 $0xFFFFEC00  }
0x118: {  	[tilespmem:s21], [sflag:$0x5] =	stream.linear.gather [hbm4b:s17+s10], $0x1400, $0x38;
	[tilespmem:$0x1E800] =	vst v63  }
0x119: {  	_ =	swait.ge [sflag:s19], $0x1400  }
0x11a: {  	[sflag:s19] =	ssyncset.done $0x0  }
0x11b: {  	[sflag:s19] =	ssyncadd.s32 $0xFFFFEC00  }
0x11c: {  	[tilespmem:s18], [sflag:$0x1] =	stream.indirect.gather [hbm4b:s11+s22], $0x80, s20, s22, $0xb8;
	[tilespmem:$0x1E800] =	vst v63  }
0x11d: {  	_ = 	snop  }
0x11e: {  	[tilespmem:s24], [sflag:$0x2] =	stream.indirect.gather [hbm4b:s11+s22], $0x80, s23, s22, $0xb8;
	[tilespmem:$0x1E800] =	vst v63  }
0x11f: {  	_ =	swait.ge [sflag:s25], $0x4000  }
0x120: {  	[sflag:s25] =	ssyncset.done $0x0  }
0x121: {  	s13 =	simm.s32 $0x15400;
	[sflag:s25] =	ssyncadd.s32 $0xFFFFC000  }
0x122: {  	[spmem:s1] =	stream.indirect.scatter.add.f32 [tilespmem:s18], [sflag:$0x3], $0x80, s13, s22, $0xb8;
	[tilespmem:$0x1E800] =	vst v63  }
0x123: {  	_ =	swait.ge [sflag:s26], $0x4000  }
0x124: {  	[sflag:s26] =	ssyncset.done $0x0  }
0x125: {  	s12 =	simm.s32 $0x14100;
	[sflag:s26] =	ssyncadd.s32 $0xFFFFC000  }
0x126: {  	[tilespmem:s18], [sflag:$0x1] =	stream.indirect.gather [hbm4b:s11+s22], $0x80, s12, s22, $0xb8;
	[tilespmem:$0x1E800] =	vst v63  }
0x127: {  	_ =	swait.ge [sflag:s28], $0x4000  }
0x128: {  	[sflag:s28] =	ssyncset.done $0x0  }
0x129: {  	s13 =	simm.s32 $0x15480;
	[sflag:s28] =	ssyncadd.s32 $0xFFFFC000  }
0x12a: {  	[spmem:s1] =	stream.indirect.scatter.add.f32 [tilespmem:s24], [sflag:$0x4], $0x80, s13, s22, $0xb8;
	[tilespmem:$0x1E800] =	vst v63  }
0x12b: {  	_ =	swait.ge [sflag:s29], $0x4000  }
0x12c: {  	[sflag:s29] =	ssyncset.done $0x0  }
0x12d: {  	s10 =	simm.s32 $0x400;
	s12 =	simm.s32 $0x14180;
	[sflag:s29] =	ssyncadd.s32 $0xFFFFC000  }
.LBB2_12:
0x12e: {  	[tilespmem:s24], [sflag:$0x2] =	stream.indirect.gather [hbm4b:s11+s22], $0x80, s12, s22, $0xb8;
	[tilespmem:$0x1E800] =	vst v63  }
0x12f: {  	s12 =	smov.u32 s10  }
0x130: {  	p0 =	sne.s32 s10, $0x4800;
	s10 =	sadd.s32 $0x400, s10;
	_ =	swait.ge [sflag:s25], $0x4000  }
0x131: {  	s12 =	sshra.s32 s12, $0x2;
	[sflag:s25] =	ssyncset.done $0x0  }
0x132: {  	s13 =	sadd.s32 $0x15400, s12;
	[sflag:s25] =	ssyncadd.s32 $0xFFFFC000  }
0x133: {  	[spmem:s1] =	stream.indirect.scatter.add.f32 [tilespmem:s18], [sflag:$0x3], $0x80, s13, s22, $0xb8;
	[tilespmem:$0x1E800] =	vst v63  }
0x134: {  	_ =	swait.ge [sflag:s26], $0x4000  }
0x135: {  	[sflag:s26] =	ssyncset.done $0x0  }
0x136: {  	s13 =	sadd.s32 $0x14100, s12;
	[sflag:s26] =	ssyncadd.s32 $0xFFFFC000  }
0x137: {  	[tilespmem:s18], [sflag:$0x1] =	stream.indirect.gather [hbm4b:s11+s22], $0x80, s13, s22, $0xb8;
	[tilespmem:$0x1E800] =	vst v63  }
0x138: {  	_ =	swait.ge [sflag:s28], $0x4000  }
0x139: {  	[sflag:s28] =	ssyncset.done $0x0  }
.Ltmp5:
0x13a: {  	s13 =	sadd.s32 $0x15480, s12;
	[sflag:s28] =	ssyncadd.s32 $0xFFFFC000;
	(pc) =	sbr.rel @p0 .LBB2_12-.Ltmp5, $4  }
0x13b: {  	[spmem:s1] =	stream.indirect.scatter.add.f32 [tilespmem:s24], [sflag:$0x4], $0x80, s13, s22, $0xb8;
	[tilespmem:$0x1E800] =	vst v63  }
0x13c: {  	_ =	swait.ge [sflag:s29], $0x4000  }
0x13d: {  	[sflag:s29] =	ssyncset.done $0x0  }
0x13e: {  	s12 =	sadd.s32 $0x14180, s12;
	[sflag:s29] =	ssyncadd.s32 $0xFFFFC000  }
0x13f: {  	[tilespmem:s24], [sflag:$0x2] =	stream.indirect.gather [hbm4b:s11+s22], $0x80, s12, s22, $0xb8;
	[tilespmem:$0x1E800] =	vst v63  }
0x140: {  	_ =	swait.ge [sflag:s25], $0x4000  }
0x141: {  	[sflag:s25] =	ssyncset.done $0x0  }
0x142: {  	[sflag:s25] =	ssyncadd.s32 $0xFFFFC000  }
0x143: {  	[spmem:s1] =	stream.indirect.scatter.add.f32 [tilespmem:s18], [sflag:$0x3], $0x80, s30, s22, $0xb8;
	[tilespmem:$0x1E800] =	vst v63  }
0x144: {  	_ =	swait.ge [sflag:s28], $0x4000  }
0x145: {  	[sflag:s28] =	ssyncset.done $0x0  }
0x146: {  	[sflag:s28] =	ssyncadd.s32 $0xFFFFC000  }
0x147: {  	[spmem:s1] =	stream.indirect.scatter.add.f32 [tilespmem:s24], [sflag:$0x4], $0x80, s31, s22, $0xb8;
	[tilespmem:$0x1E800] =	vst v63  }
0x148: {  	_ =	swait.ge [sflag:s26], $0x4000  }
0x149: {  	[sflag:s26] =	ssyncset.done $0x0  }
0x14a: {  	[sflag:s26] =	ssyncadd.s32 $0xFFFFC000  }
0x14b: {  	_ =	swait.ge [sflag:s29], $0x4000  }
0x14c: {  	[sflag:s29] =	ssyncset.done $0x0  }
0x14d: {  	[sflag:s29] =	ssyncadd.s32 $0xFFFFC000  }
0x14e: {  	[bflag:$0x0] =	sbarrier.arrive $0xFFFF  }
0x14f: {  	s10 =	rddreg [dreg:$0x5]  }
0x150: {  	[hbm:s10], [sflag:s0] =	dma.local [spmem:s2], $0x2800  }
0x151: {  	_ =	swait.ge [sflag:s19], $0x2800  }
0x152: {  	s3 =	sadd.s32 $0x1, s3;
	s13 =	rddreg [dreg:$0x6]  }
0x153: {  	p0 =	sne.s32 s3, s13  }
.Ltmp6:
0x154: {  	_ = 	snop;
	(pc) =	sbr.rel @p0 .LBB2_1-.Ltmp6, $3  }
0x155: {  	_ =	sdelay $0x1  }
0x156: {  	[sflag:s19] =	ssyncset.done $0x0  }
0x157: {  	[sflag:s19] =	ssyncadd.s32 $0xFFFFD800  }
0x158: {  	_ =	sfence.sel $0x180000  }
0x159: {  	[bflag:$0x0] =	sbarrier.arrive $0xFFFF  }
0x15a: {  	_ =	strace $0x9000004D  }
0x15b: {  	s0 =	stileid.u32;
	[bflag:$0x2] =	sbarrier.arrive $0xFFFF  }
0x15c: {  	p0 =	sne.s32 s0, $0x0;
	s0 =	rddreg [dreg:$0x3]  }
0x15d: {  	s0 =	sadd.s32 @!p0 $0x100000, s0  }
0x15e: {  	[sflag:s0] =	ssyncadd.tile.s32 @!p0 $0x1;
	_ =	shalt  }
.Lfunc_end2:
_tile_overlayer_lowered:
.L_overlay_start_2:
0x15f: {  	(tag) =	ssettag $0x2  }
0x160: {  	s0 =	rddreg [dreg:$0x0];
	s2 =	stileid.u32  }
0x161: {  	s1 =	rddreg [dreg:$0x1];
	p0 =	sne.s32 s2, $0x0  }
0x162: {  	s3 =	rddreg [dreg:$0x2];
	[bflag:$0x3] =	sbarrier.arrive $0xFFFF;
	s2 =	simm.s32 @!p0 $0x1C05  }
0x163: {  	[timem:s3], [sflag:s2] =	dma.local @!p0 [hbm:s0], s1  }
0x164: {  	s0 =	simm.s32 @!p0 $0x5  }
0x165: {  	_ =	swait.ge @!p0 [sflag:s0], s1  }
0x166: {  	s1 =	ssub.s32 @!p0 $0x0, s1;
	[sflag:s0] =	ssyncset.done @!p0 $0x0  }
0x167: {  	[sflag:s0] =	ssyncadd.s32 @!p0 s1  }
0x168: {  	[bflag:$0x3] =	sbarrier.arrive $0xFFFF  }
0x169: {  	_ =	shalt  }

// kernel: kernel.8.cloned.1.call-start
scs
__scs_entry_jumppad:
0x0: {  	(pc) =	sbr.rel $0x88, $3  }
0x1: {  	(tag) =	ssettag $0x0;
	lr =	simm.s32 $0x1  }
0x2: {  	[smem:$0x3F99] =	sst lr;
	_ =	strace $0xD0000000  }
0x3: {  	_ = 	snop  }
0x4: {  	_ = 	snop  }
0x5: {  	_ = 	snop  }
0x6: {  	_ = 	snop  }
0x7: {  	_ = 	snop  }
__scs_overlays_trampoline_lowered:
0x8: {  	[smem:$0x3FA8] =	sst s0  }
0x9: {  	[smem:$0x3FA9] =	sst s1  }
0xa: {  	[smem:$0x3FAA] =	sst s2  }
0xb: {  	[smem:$0x3FAB] =	sst s3  }
0xc: {  	[smem:$0x3FAC] =	sst s4  }
0xd: {  	[smem:$0x3FAD] =	sst s5  }
0xe: {  	[smem:$0x3FAE] =	sst s6  }
0xf: {  	[smem:$0x3FAF] =	sst s7  }
0x10: {  	[smem:$0x3FB0] =	sst s8  }
0x11: {  	[smem:$0x3FB1] =	sst s9;
	s0 =	simm.s32 @!p0 $0x0  }
0x12: {  	s1 =	sld [smem:$0x3F97];
	s0 =	simm.s32 @p0 $0x1  }
0x13: {  	[smem:$0x3FB2] =	sst s0;
	s0 =	simm.s32 @!p1 $0x0  }
0x14: {  	s2 =	sld [smem:$0x3F96];
	s0 =	simm.s32 @p1 $0x1  }
0x15: {  	[smem:$0x3FB3] =	sst s0;
	s0 =	simm.s32 @!p2 $0x0  }
0x16: {  	s3 =	sld [smem:$0x3FDB];
	s0 =	simm.s32 @p2 $0x1  }
0x17: {  	s4 =	simm.s32 $0x1BF5;
	[smem:$0x3FB5] =	sst s0  }
0x18: {  	s0 =	sld [smem:$0x3F98];
	_ =	swait.ge [sflag:s4], $0x0  }
0x19: {  	s7 =	sld [smem:$0x3F99]  }
0x1a: {  	s8 =	sadd.s32 $0xFFFFE003, lr  }
0x1b: {  	s9 =	sadd.s32 $0xFFFFFEF7, lr;
	s5 =	simm.s32 $0xFFFFFFFF;
	p2 =	slt.u32 s8, $0xFFFFF086  }
0x1c: {  	p1 =	slt.u32 s9, $0xF7A;
	s5 =	simm.s32 @!p2 $0x0  }
0x1d: {  	s5 =	simm.s32 @p1 $0x1;
	p0 =	seq.s32 s7, s2  }
0x1e: {  	s7 =	smul.u32 @!p0 $0xF7A, s2;
	p2 =	seq.s32 @!p0 s5, $0x0  }
0x1f: {  	s9 =	smul.u32 $0xF7A, s1;
	s8 =	simm.s32 @!p0 $0x1BF5;
	p2 =	por !p2, p0  }
0x20: {  	[sflag:s8] =	ssyncset.s32 @!p0 $0xFFFFF086;
	s6 =	sadd.s32 @!p0 s3, s7;
	s7 =	simm.s32 @!p0 $0x108  }
0x21: {  	s3 =	sadd.s32 s3, s9;
	s6 =	sadd.s32 @!p0 $0x88, s6;
	s7 =	simm.s32 @p2 $0x1082  }
0x22: {  	[simem:s7], [sflag:s8] =	dma.local @!p0 [hbm:s6], $0xF7A  }
0x23: {  	s9 =	sor.u32 $0xD0000000, s2;
	s6 =	simm.s32 $0x108;
	_ =	swait.ge @!p0 [sflag:s8], $0x0  }
0x24: {  	s3 =	sadd.s32 $0x88, s3;
	s6 =	simm.s32 @!p1 $0x1082;
	[sflag:s4] =	ssyncset.s32 $0xFFFFF086  }
0x25: {  	[simem:s6], [sflag:s4] =	dma.local [hbm:s3], $0xF7A  }
0x26: {  	[smem:$0x3F99] =	sst s1;
	(tag) =	ssettag s2;
	_ =	strace s9  }
0x27: {  	s1 =	sld [smem:$0x3FA9]  }
0x28: {  	s2 =	sld [smem:$0x3FAA]  }
0x29: {  	s4 =	sld [smem:$0x3FAC]  }
0x2a: {  	p0 =	seq.s32 s5, $0x0;
	s5 =	sld [smem:$0x3FAD]  }
0x2b: {  	s6 =	sld [smem:$0x3FAE]  }
0x2c: {  	s7 =	sld [smem:$0x3FAF]  }
0x2d: {  	s3 =	simm.s32 $0x108;
	s8 =	sld [smem:$0x3FB0]  }
0x2e: {  	s3 =	simm.s32 @!p0 $0x1082;
	s9 =	sld [smem:$0x3FB1]  }
0x2f: {  	lr =	sadd.s32 s0, s3;
	s0 =	sld [smem:$0x3FA8]  }
0x30: {  	s3 =	sld [smem:$0x3FAB]  }
0x31: {  	[smem:$0x3FB4] =	sst s10  }
0x32: {  	s10 =	sld [smem:$0x3FB2];
	_ =	sdelay $0x3  }
0x33: {  	p0 =	seq.s32 s10, $0x1;
	s10 =	sld [smem:$0x3FB4];
	_ =	sdelay $0x3  }
0x34: {  	[smem:$0x3FB4] =	sst s10  }
0x35: {  	s10 =	sld [smem:$0x3FB3];
	_ =	sdelay $0x3  }
0x36: {  	p1 =	seq.s32 s10, $0x1;
	s10 =	sld [smem:$0x3FB4];
	_ =	sdelay $0x3  }
0x37: {  	[smem:$0x3FB4] =	sst s10  }
0x38: {  	s10 =	sld [smem:$0x3FB5]  }
0x39: {  	_ = 	snop;
	(pc) =	sbr.ind lr, $3  }
0x3a: {  	_ = 	snop  }
0x3b: {  	_ = 	snop  }
0x3c: {  	p2 =	seq.s32 s10, $0x1;
	s10 =	sld [smem:$0x3FB4]  }
0x3d: {  	_ =	shalt  }
0x3e: {  	_ =	shalt  }
0x3f: {  	_ =	shalt  }
0x40: {  	_ =	shalt  }
0x41: {  	_ =	shalt  }
0x42: {  	_ =	shalt  }
0x43: {  	_ =	shalt  }
0x44: {  	_ =	shalt  }
0x45: {  	_ =	shalt  }
0x46: {  	_ =	shalt  }
0x47: {  	_ =	shalt  }
0x48: {  	_ =	shalt  }
0x49: {  	_ =	shalt  }
0x4a: {  	_ =	shalt  }
0x4b: {  	_ =	shalt  }
0x4c: {  	_ =	shalt  }
0x4d: {  	_ =	shalt  }
0x4e: {  	_ =	shalt  }
0x4f: {  	_ =	shalt  }
0x50: {  	_ =	shalt  }
0x51: {  	_ =	shalt  }
0x52: {  	_ =	shalt  }
0x53: {  	_ =	shalt  }
0x54: {  	_ =	shalt  }
0x55: {  	_ =	shalt  }
0x56: {  	_ =	shalt  }
0x57: {  	_ =	shalt  }
0x58: {  	_ =	shalt  }
0x59: {  	_ =	shalt  }
0x5a: {  	_ =	shalt  }
0x5b: {  	_ =	shalt  }
0x5c: {  	_ =	shalt  }
0x5d: {  	_ =	shalt  }
0x5e: {  	_ =	shalt  }
0x5f: {  	_ =	shalt  }
0x60: {  	_ =	shalt  }
0x61: {  	_ =	shalt  }
0x62: {  	_ =	shalt  }
0x63: {  	_ =	shalt  }
0x64: {  	_ =	shalt  }
0x65: {  	_ =	shalt  }
0x66: {  	_ =	shalt  }
0x67: {  	_ =	shalt  }
0x68: {  	_ =	shalt  }
0x69: {  	_ =	shalt  }
0x6a: {  	_ =	shalt  }
0x6b: {  	_ =	shalt  }
0x6c: {  	_ =	shalt  }
0x6d: {  	_ =	shalt  }
0x6e: {  	_ =	shalt  }
0x6f: {  	_ =	shalt  }
0x70: {  	_ =	shalt  }
0x71: {  	_ =	shalt  }
0x72: {  	_ =	shalt  }
0x73: {  	_ =	shalt  }
0x74: {  	_ =	shalt  }
0x75: {  	_ =	shalt  }
0x76: {  	_ =	shalt  }
0x77: {  	_ =	shalt  }
0x78: {  	_ =	shalt  }
0x79: {  	_ =	shalt  }
0x7a: {  	_ =	shalt  }
0x7b: {  	_ =	shalt  }
0x7c: {  	_ =	shalt  }
0x7d: {  	_ =	shalt  }
0x7e: {  	_ =	shalt  }
0x7f: {  	_ =	shalt  }
0x80: {  	_ =	shalt  }
0x81: {  	_ =	shalt  }
0x82: {  	_ =	shalt  }
0x83: {  	_ =	shalt  }
0x84: {  	_ =	shalt  }
0x85: {  	_ =	shalt  }
0x86: {  	_ =	shalt  }
0x87: {  	_ =	shalt  }
.Lfunc_end0:
.L_simem_size_0:
called_computation_lowered:
.L_overlay_start_0:
0x88: {  	s2 =	sld [smem:$0x3FD9]  }
0x89: {  	s3 =	sld [smem:$0x3FFE];
	_ =	sdelay $0x1  }
0x8a: {  	s1 =	srdreg.scid  }
0x8b: {  	s0 =	sand.u32 $0x1, s1  }
0x8c: {  	s15 =	sshll.u32 s0, $0xA;
	s2 =	sadd.s32 s3, s2  }
0x8d: {  	s2 =	sadd.s32 s2, s15  }
0x8e: {  	[smem:$0x3FC0] =	sst s2  }
0x8f: {  	_ = 	snop  }
0x90: {  	s2 =	sld [smem:$0x3FD0];
	_ =	sdelay $0x2  }
0x91: {  	s16 =	simm.s32 $0xA;
	s4 =	simm.s32 $0x10  }
0x92: {  	[smem:s4], [sflag:s16] =	dma.local [hbm:s2], $0x1  }
0x93: {  	_ =	swait.eq [sflag:s16], $0x1  }
0x94: {  	[sflag:s16] =	ssyncset.done $0x0  }
0x95: {  	s17 =	sld [smem:$0x13];
	[sflag:s16] =	ssyncadd.s32 $0xFFFFFFFF  }
0x96: {  	s18 =	sld [smem:$0x14];
	(tm) =	ssettm $0x1  }
0x97: {  	s19 =	sld [smem:$0x3FFB];
	_ =	sdelay $0x3  }
0x98: {  	_ =	strace s19  }
0x99: {  	s4 =	sld [smem:$0x3FFC];
	_ =	sdelay $0x3  }
0x9a: {  	_ =	strace s4  }
0x9b: {  	s4 =	sld [smem:$0x3FFD];
	_ =	sdelay $0x3  }
0x9c: {  	_ =	strace s4  }
0x9d: {  	_ =	strace $0x8FFFFFFF  }
0x9e: {  	s20 =	sld [smem:$0x3FDB];
	_ =	sdelay $0x1  }
0x9f: {  	s5 =	simm.s32 $_scs_section_size  }
0xa0: {  	s6 =	simm.s32 $_size__tile_overlayer_lowered;
	s7 =	simm.s32 $_tile_overlayer_lowered  }
0xa1: {  	s23 =	simm.s32 $0x1BFF;
	s22 =	sshll.u32 s7, $0x1;
	s4 =	sadd.s32 s5, s20  }
0xa2: {  	s8 =	simm.s32 $0x0;
	s21 =	sshll.u32 s6, $0x1;
	s6 =	sadd.s32 s22, s4  }
0xa3: {  	[timem:s8], [sflag:s23] =	dma.local [hbm:s6], s21  }
0xa4: {  	_ =	swait.ge [sflag:s23], s21  }
0xa5: {  	s5 =	ssub.s32 $0x0, s21;
	[sflag:s23] =	ssyncset.done $0x0  }
0xa6: {  	[sflag:s23] =	ssyncadd.s32 s5;
	_ =	sdelay $0x1  }
0xa7: {  	s24 =	simm.s32 $0x1B8B  }
0xa8: {  	_ =	swait.ge [sflag:s24], $0x1  }
0xa9: {  	[sflag:s24] =	ssyncset.done $0x0  }
0xaa: {  	s25 =	simm.s32 $0x1B8E;
	[sflag:s24] =	ssyncadd.s32 $0xFFFFFFFF  }
0xab: {  	s26 =	simm.s32 $execute0_lowered;
	[smem:$0x3FD2] =	sst s25  }
0xac: {  	s5 =	sshll.u32 s26, $0x1;
	_ =	strace $0x80000046;
	[dreg:$0x1] =	wrdreg $0xFFFFFFFF  }
0xad: {  	s28 =	simm.s32 $_size_execute0_lowered;
	s4 =	sadd.s32 s4, s5;
	[dreg:$0x0] =	wrdreg $0x0  }
0xae: {  	s5 =	sshll.u32 s28, $0x1;
	[dreg:$0x2] =	wrdreg s4  }
0xaf: {  	[dreg:$0x3] =	wrdreg s5  }
0xb0: {  	[dreg:$0x4] =	wrdreg $0xC0  }
0xb1: {  	_ =	task [dreg:s8], $0x5FFFF  }
0xb2: {  	[dreg:$0x1] =	wrdreg $0xFFFFFFFF  }
0xb3: {  	[dreg:$0x0] =	wrdreg $0x60  }
0xb4: {  	[dreg:$0x2] =	wrdreg s18  }
0xb5: {  	[dreg:$0x3] =	wrdreg s17  }
0xb6: {  	[dreg:$0x4] =	wrdreg $0x0  }
0xb7: {  	[dreg:$0x5] =	wrdreg $0x9  }
0xb8: {  	_ =	task.clear_ibuf [dreg:s8], $0x6FFFF;
	_ =	strace $0x90000046  }
0xb9: {  	s29 =	simm.s32 $0x9;
	_ =	strace $0x80000048  }
0xba: {  	_ =	swait.ge [sflag:s29], $0x1  }
0xbb: {  	[sflag:s29] =	ssyncadd.s32 $0xFFFFFFFF  }
0xbc: {  	_ =	strace $0x90000048  }
0xbd: {  	_ =	sfence  }
0xbe: {  	s30 =	sld [smem:$0x0];
	_ =	sdelay $0x2  }
0xbf: {  	s31 =	sshll.u32 s1, $0xD;
	s1 =	sshrl.u32 s1, $0x2  }
0xc0: {  	s3 =	sand.u32 $0x4000, s31;
	s1 =	sadd.s32 s1, s30  }
0xc1: {  	s0 =	sor.u32 s3, s0;
	s1 =	sshll.u32 s1, $0x11  }
0xc2: {  	s0 =	sor.u32 s1, s0  }
0xc3: {  	s0 =	sadd.s32 $0x8F2B, s0  }
0xc4: {  	[sflag:s0] =	ssyncadd.remote.s32 $0x1  }
0xc5: {  	_ =	sfence.sel $0xFFFF  }
0xc6: {  	[dreg:$0x0] =	wrdreg $0xFFFFFFFF;
	(pc) =	sbr.abs _section_cstart, $3  }
0xc7: {  	[dreg:$0x1] =	wrdreg $0xFFFFFFFF  }
0xc8: {  	_ =	task.clear_ibuf [dreg:s8], $0x2FFFF;
	_ =	strace $0x9FFFFFFF  }
0xc9: {  	(tm) =	ssettm $0x7FFFFFFF  }
tec
execute0_lowered:
.L_overlay_start_1:
0x0: {  	(tag) =	ssettag $0x1  }
0x1: {  	s9 =	rddreg [dreg:$0x0]  }
0x2: {  	s7 =	rddreg [dreg:$0x1]  }
0x3: {  	s1 =	rddreg [dreg:$0x2]  }
0x4: {  	s0 =	rddreg [dreg:$0x3]  }
0x5: {  	s3 =	simm.s32 $0x0;
	s4 =	srdreg.scid;
	s2 =	stileid.u32  }
0x6: {  	s14 =	simm.s32 $0x300;
	s17 =	simm.s32 $0x20;
	s18 =	simm.s32 $0x10  }
0x7: {  	s19 =	simm.s32 $0x0;
	[smem:$0x7FF] =	sst s3;
	s8 =	smul.u32 $0xA00, s2  }
0x8: {  	s5 =	sand.u32 $0x1, s4;
	s11 =	smul.u32 $0x500, s2;
	s15 =	sshll.u32 s2, $0x6  }
0x9: {  	_ =	strace $0x80000047;
	s4 =	ssub.s32 $0x2, s5;
	s6 =	sshll.u32 s5, $0x4  }
0xa: {  	s30 =	sshll.u32 s5, $0x7;
	s13 =	smul.u32 $0x5000, s5;
	s15 =	sor.u32 $0x1C01, s15  }
0xb: {  	s10 =	sshrl.u32 s4, $0x1;
	s6 =	sor.u32 s2, s6;
	s8 =	sshrl.u32 s8, $0x2  }
0xc: {  	s12 =	sor.u32 s30, s11;
	s10 =	ssub.s32 s4, s10;
	s4 =	smul.u32 $0x50, s6  }
0xd: {  	s5 =	sadd.s32 s8, s1;
	s31 =	sshrl.u32 s12, $0x3;
	s9 =	sadd.s32 s13, s9  }
0xe: {  	s12 =	simm.s32 $0x280;
	s13 =	simm.s32 $0x80;
	s7 =	sadd.s32 s7, s31  }
0xf: {  	s8 =	smax.u32 s10, $0x1;
	s9 =	sadd.s32 s11, s9;
	s10 =	simm.s32 $0x380  }
0x10: {  	v0 =	vimm.f32 $1.000000000e+00;
	v1 =	vimm.f32 $0.0e+00;
	s11 =	simm.s32 $0x1;
	s16 =	sshrl.u32 s5, $0x3;
	s6 =	sadd.s32 $0x50, s4  }
.LBB2_1:
0x11: {  	[tilespmem:$0x300] =	vst v0  }
0x12: {  	[tilespmem:$0x310] =	vst v0  }
0x13: {  	[tilespmem:$0x320] =	vst v0  }
0x14: {  	[tilespmem:$0x330] =	vst v0  }
0x15: {  	[tilespmem:$0x340] =	vst v0  }
0x16: {  	[tilespmem:$0x350] =	vst v0  }
0x17: {  	[tilespmem:$0x360] =	vst v0  }
0x18: {  	[tilespmem:$0x370] =	vst v0  }
0x19: {  	[tilespmem:$0x380] =	vst v1  }
0x1a: {  	[tilespmem:$0x390] =	vst v1  }
0x1b: {  	[tilespmem:$0x3A0] =	vst v1  }
0x1c: {  	[tilespmem:$0x3B0] =	vst v1  }
0x1d: {  	[tilespmem:$0x3C0] =	vst v1  }
0x1e: {  	[tilespmem:$0x3D0] =	vst v1  }
0x1f: {  	[tilespmem:$0x3E0] =	vst v1  }
0x20: {  	[tilespmem:$0x3F0] =	vst v1  }
0x21: {  	[tilespmem:$0x400] =	vst v1  }
0x22: {  	[tilespmem:$0x410] =	vst v1  }
0x23: {  	[tilespmem:$0x420] =	vst v1  }
0x24: {  	[tilespmem:$0x430] =	vst v1  }
0x25: {  	[tilespmem:$0x440] =	vst v1  }
0x26: {  	[tilespmem:$0x450] =	vst v1  }
0x27: {  	[tilespmem:$0x460] =	vst v1  }
0x28: {  	[tilespmem:$0x470] =	vst v1  }
0x29: {  	[tilespmem:$0x480] =	vst v1  }
0x2a: {  	[tilespmem:$0x490] =	vst v1  }
0x2b: {  	[tilespmem:$0x4A0] =	vst v1  }
0x2c: {  	[tilespmem:$0x4B0] =	vst v1  }
0x2d: {  	[tilespmem:$0x4C0] =	vst v1  }
0x2e: {  	[tilespmem:$0x4D0] =	vst v1  }
0x2f: {  	[tilespmem:$0x4E0] =	vst v1  }
0x30: {  	[tilespmem:$0x4F0] =	vst v1  }
0x31: {  	[tilespmem:$0x500] =	vst v1  }
0x32: {  	[tilespmem:$0x510] =	vst v1  }
0x33: {  	[tilespmem:$0x520] =	vst v1  }
0x34: {  	[tilespmem:$0x530] =	vst v1  }
0x35: {  	[tilespmem:$0x540] =	vst v1  }
0x36: {  	[tilespmem:$0x550] =	vst v1  }
0x37: {  	[tilespmem:$0x560] =	vst v1  }
0x38: {  	[tilespmem:$0x570] =	vst v1  }
0x39: {  	[tilespmem:$0x580] =	vst v1  }
0x3a: {  	[tilespmem:$0x590] =	vst v1  }
0x3b: {  	[tilespmem:$0x5A0] =	vst v1  }
0x3c: {  	[tilespmem:$0x5B0] =	vst v1  }
0x3d: {  	[tilespmem:$0x5C0] =	vst v1  }
0x3e: {  	[tilespmem:$0x5D0] =	vst v1  }
0x3f: {  	[tilespmem:$0x5E0] =	vst v1  }
0x40: {  	[tilespmem:$0x5F0] =	vst v1  }
0x41: {  	[spmem:s5] =	stream.linear.scatter [tilespmem:s10], [sflag:$0x1], $0x280, $0x38;
	[tilespmem:$0x600] =	vst v63  }
0x42: {  	_ =	swait.ge [sflag:s11], $0x280  }
0x43: {  	[sflag:s11] =	ssyncset.done $0x0  }
0x44: {  	[sflag:s11] =	ssyncadd.s32 $0xFFFFFD80  }
0x45: {  	s20 =	sadd.s32 $0x1, s4;
	[bflag:$0x0] =	sbarrier.arrive $0xFFFF  }
0x46: {  	[tilespmem:s12], [sflag:$0x1] =	stream.linear.gather [hbm4b:s9+s3], $0x80, $0x38;
	[tilespmem:$0x600] =	vst v63  }
0x47: {  	p0 =	slt.u32 s20, s6;
	_ =	swait.ge [sflag:s11], $0x80  }
.Ltmp0:
0x48: {  	[sflag:s11] =	ssyncset.done $0x0;
	(pc) =	sbr.rel @!p0 .LBB2_3-.Ltmp0, $4  }
0x49: {  	[sflag:s11] =	ssyncadd.s32 $0xFFFFFF80  }
0x4a: {  	[spmem:s1] =	stream.indirect.scatter.add.f32 [tilespmem:s14], [sflag:$0x1], $0x1, s12, s13, $0xb8;
	[tilespmem:$0x600] =	vst v63  }
0x4b: {  	_ =	swait.ge [sflag:s11], $0x80  }
0x4c: {  	s21 =	smov.u32 s9;
	[sflag:s11] =	ssyncset.done $0x0  }
.LBB2_2:
0x4d: {  	s20 =	sadd.s32 $0x1, s20;
	[sflag:s11] =	ssyncadd.s32 $0xFFFFFF80;
	s21 =	sadd.s32 $0x10, s21  }
0x4e: {  	[tilespmem:s12], [sflag:$0x1] =	stream.linear.gather [hbm4b:s21+s3], $0x80, $0x38;
	[tilespmem:$0x600] =	vst v63  }
0x4f: {  	p0 =	slt.u32 s20, s6;
	_ =	swait.ge [sflag:s11], $0x80  }
.Ltmp1:
0x50: {  	[sflag:s11] =	ssyncset.done $0x0;
	(pc) =	sbr.rel @p0 .LBB2_2-.Ltmp1, $4  }
0x51: {  	[sflag:s11] =	ssyncadd.s32 $0xFFFFFF80  }
0x52: {  	[spmem:s1] =	stream.indirect.scatter.add.f32 [tilespmem:s14], [sflag:$0x1], $0x1, s12, s13, $0xb8;
	[tilespmem:$0x600] =	vst v63  }
0x53: {  	_ =	swait.ge [sflag:s11], $0x80  }
0x54: {  	[sflag:s11] =	ssyncset.done $0x0  }
.LBB2_3:
0x55: {  	s19 =	sadd.s32 $0x1, s19  }
0x56: {  	[sflag:s11] =	ssyncadd.s32 $0xFFFFFF80;
	p0 =	sne.s32 s19, s8  }
.Ltmp2:
0x57: {  	[bflag:$0x0] =	sbarrier.arrive $0xFFFF;
	(pc) =	sbr.rel @p0 .LBB2_1-.Ltmp2, $4  }
0x58: {  	[hbm:s7@s17], [sflag:s15] =	dma.strided [spmem:s16@s18], $0x50, s11, $0x10   }
0x59: {  	_ =	swait.ge [sflag:s11], $0x50  }
0x5a: {  	[sflag:s11] =	ssyncset.done $0x0  }
0x5b: {  	[sflag:s11] =	ssyncadd.s32 $0xFFFFFFB0  }
0x5c: {  	_ =	sfence.sel $0x180000  }
0x5d: {  	[bflag:$0x0] =	sbarrier.arrive $0xFFFF  }
0x5e: {  	p0 =	sne.s32 s2, $0x0;
	_ =	strace $0x90000047  }
0x5f: {  	s0 =	sadd.s32 @!p0 $0x100000, s0;
	[bflag:$0x2] =	sbarrier.arrive $0xFFFF  }
0x60: {  	[sflag:s0] =	ssyncadd.tile.s32 @!p0 $0x1;
	_ =	shalt  }
.Lfunc_end2:
_tile_overlayer_lowered:
.L_overlay_start_2:
0x61: {  	(tag) =	ssettag $0x2  }
0x62: {  	s0 =	rddreg [dreg:$0x0];
	s2 =	stileid.u32  }
0x63: {  	s1 =	rddreg [dreg:$0x1];
	p0 =	sne.s32 s2, $0x0  }
0x64: {  	s3 =	rddreg [dreg:$0x2];
	[bflag:$0x3] =	sbarrier.arrive $0xFFFF;
	s2 =	simm.s32 @!p0 $0x1C01  }
0x65: {  	[timem:s3], [sflag:s2] =	dma.local @!p0 [hbm:s0], s1  }
0x66: {  	s0 =	simm.s32 @!p0 $0x1  }
0x67: {  	_ =	swait.ge @!p0 [sflag:s0], s1  }
0x68: {  	s1 =	ssub.s32 @!p0 $0x0, s1;
	[sflag:s0] =	ssyncset.done @!p0 $0x0  }
0x69: {  	[sflag:s0] =	ssyncadd.s32 @!p0 s1  }
0x6a: {  	[bflag:$0x3] =	sbarrier.arrive $0xFFFF  }
0x6b: {  	_ =	shalt  }

</sc_bundles>
